<compile_context>
chip_gen: v7x
topology: tpu7x:2x2x1
jax: 0.10.2.dev20260603
libtpu: 0.0.44.dev20260713+nightly
codegen_flags: <defaults>
</compile_context>

<pallas_src>
import jax
import jax.numpy as jnp
from jax import lax
from jax.experimental import pallas as pl
from jax.experimental.pallas import tpu as pltpu
from jax.experimental.pallas import tpu_sc as plsc

N = 10000
E = 160000
F_IN = 256
F_HID = 256
F_OUT = 64
FH = F_HID // 2
NC = 2
NS = 16
NP = 10240
ROWS_T = NP // NS

CH = 200
EPT = 2 * E // (NC * NS)

MB = 1000

_mesh = lambda: plsc.VectorSubcoreMesh(
    core_axis_name="c", subcore_axis_name="s", num_cores=NC, num_subcores=NS)


def _fill(ref, nrows, ncols, value):
    v = jnp.full((16,), value, jnp.float32)
    per_row = ncols // 16

    def body(k, carry):
        ref[k // per_row, pl.ds((k % per_row) * 16, 16)] = v
        return carry

    lax.fori_loop(0, nrows * per_row, body, 0)



NCHUNK = EPT // CH


def _agg_body(y_hbm, src_hbm, dst_hbm, out_hbm,
              srcva, dstva, srcvb, dstvb, rows_v, table_s, sema, semb):
    c = lax.axis_index("c")
    s = lax.axis_index("s")
    _fill(rows_v, CH, 128, 0.0)
    for off, sz in ((0, 200), (200, 200), (400, 200), (600, 40)):
        pltpu.sync_copy(rows_v.at[pl.ds(0, sz)],
                        table_s.at[pl.ds(s * ROWS_T + off, sz)])
    plsc.subcore_barrier()

    base = (c * NS + s) * EPT

    def drain(buf, sem):
        pltpu.make_async_copy(src_hbm.at[pl.ds(0, CH)], buf, sem).wait()

    def issue(eb, sbuf, dbuf, sem):
        pltpu.async_copy(src_hbm.at[pl.ds(eb, CH)], sbuf, sem)
        pltpu.async_copy(dst_hbm.at[pl.ds(eb, CH)], dbuf, sem)

    def work(sbuf, dbuf):
        pltpu.sync_copy(y_hbm.at[sbuf], rows_v)
        pltpu.sync_copy(rows_v, table_s.at[dbuf], add=True)

    issue(pl.multiple_of(base, 8), srcva, dstva, sema)

    def pair(m, carry):
        eb_b = pl.multiple_of(base + (2 * m + 1) * CH, 8)
        eb_n = pl.multiple_of(base + ((2 * m + 2) % NCHUNK) * CH, 8)
        drain(srcva, sema)
        drain(dstva, sema)
        issue(eb_b, srcvb, dstvb, semb)
        work(srcva, dstva)
        drain(srcvb, semb)
        drain(dstvb, semb)
        issue(eb_n, srcva, dstva, sema)
        work(srcvb, dstvb)
        return carry

    lax.fori_loop(0, NCHUNK // 2, pair, 0)
    drain(srcva, sema)
    drain(dstva, sema)
    plsc.subcore_barrier()
    ro = pl.multiple_of(c * NP + s * ROWS_T, 8)
    for off, sz in ((0, 200), (200, 200), (400, 200), (600, 40)):
        pltpu.sync_copy(table_s.at[pl.ds(s * ROWS_T + off, sz)],
                        rows_v.at[pl.ds(0, sz)])
        pltpu.sync_copy(rows_v.at[pl.ds(0, sz)],
                        out_hbm.at[pl.ds(ro + off, sz)])


def _edge_agg(y_flat, src2, dst2):
    k = pl.kernel(
        _agg_body,
        out_type=jax.ShapeDtypeStruct((NC * NP, 128), jnp.float32),
        mesh=_mesh(),
        scratch_types=[
            pltpu.VMEM((CH,), jnp.int32),
            pltpu.VMEM((CH,), jnp.int32),
            pltpu.VMEM((CH,), jnp.int32),
            pltpu.VMEM((CH,), jnp.int32),
            pltpu.VMEM((CH, 128), jnp.float32),
            pltpu.VMEM_SHARED((NP, 128), jnp.float32),
            pltpu.SemaphoreType.DMA,
            pltpu.SemaphoreType.DMA,
        ],
    )
    return k(y_flat, src2, dst2)



def _dis_block(dp_ref):
    return lax.rsqrt(dp_ref[0, :, 0:1] + 1.0)


def _tca_body(x_ref, w_ref, dp_ref, y_ref):
    dis = _dis_block(dp_ref)
    y_ref[...] = jnp.dot(x_ref[...], w_ref[...],
                         preferred_element_type=jnp.float32) * dis


def _tc_a(x, W1, degp):
    return pl.pallas_call(
        _tca_body,
        grid=(N // MB, NC),
        in_specs=[
            pl.BlockSpec((MB, F_IN), lambda i, j: (i, 0)),
            pl.BlockSpec((F_IN, FH), lambda i, j: (0, j)),
            pl.BlockSpec((1, MB, 128), lambda i, j: (0, i, 0)),
        ],
        out_specs=pl.BlockSpec((MB, FH), lambda i, j: (j * (N // MB) + i, 0)),
        out_shape=jax.ShapeDtypeStruct((NC * N, FH), jnp.float32),
    )(x, W1, degp)


def _tcb_body(a_ref, y_ref, dp_ref, w_ref, b_ref, o_ref):
    dis = _dis_block(dp_ref)
    agg = jnp.concatenate([a_ref[0], a_ref[1]], axis=1)
    y = jnp.concatenate([y_ref[0], y_ref[1]], axis=1)
    h = jnp.maximum((agg + y) * dis + b_ref[...], 0.0)
    y2 = jnp.dot(h, w_ref[...], preferred_element_type=jnp.float32) * dis
    o_ref[...] = jnp.concatenate(
        [y2, jnp.zeros((MB, 128 - F_OUT), jnp.float32)], axis=1)


def _tc_b(agg1, y1, degp, W2, b1):
    return pl.pallas_call(
        _tcb_body,
        grid=(N // MB,),
        in_specs=[
            pl.BlockSpec((NC, MB, FH), lambda i: (0, i, 0)),
            pl.BlockSpec((NC, MB, FH), lambda i: (0, i, 0)),
            pl.BlockSpec((1, MB, 128), lambda i: (0, i, 0)),
            pl.BlockSpec((F_HID, F_OUT), lambda i: (0, 0)),
            pl.BlockSpec((1, F_HID), lambda i: (0, 0)),
        ],
        out_specs=pl.BlockSpec((MB, 128), lambda i: (i, 0)),
        out_shape=jax.ShapeDtypeStruct((NC * N, 128), jnp.float32),
    )(agg1, y1, degp, W2, b1)


def _tcc_body(a_ref, y_ref, dp_ref, b_ref, o_ref):
    dis = _dis_block(dp_ref)
    o_ref[...] = ((a_ref[0, :, :F_OUT] + y_ref[:, :F_OUT]) * dis
                  + b_ref[...])


def _tc_c(agg2, y2p, degp, b2):
    return pl.pallas_call(
        _tcc_body,
        grid=(N // MB,),
        in_specs=[
            pl.BlockSpec((1, MB, 128), lambda i: (0, i, 0)),
            pl.BlockSpec((MB, 128), lambda i: (i, 0)),
            pl.BlockSpec((1, MB, 128), lambda i: (0, i, 0)),
            pl.BlockSpec((1, F_OUT), lambda i: (0, 0)),
        ],
        out_specs=pl.BlockSpec((MB, F_OUT), lambda i: (i, 0)),
        out_shape=jax.ShapeDtypeStruct((N, F_OUT), jnp.float32),
    )(agg2, y2p, degp, b2)



def kernel(x, edge_index, W1, b1, W2, b2):
    src = edge_index[0].astype(jnp.int32)
    dst = edge_index[1].astype(jnp.int32)
    dst2 = jnp.concatenate([dst, dst])

    src_l1 = jnp.concatenate([src, src + N])
    ones_tab = jnp.broadcast_to(x[:1, :1] * 0.0 + 1.0, (NC * N, 128))
    degp = _edge_agg(ones_tab, src_l1, dst2).reshape(NC, NP, 128)

    y1 = _tc_a(x, W1, degp)
    agg1 = _edge_agg(y1, src_l1, dst2).reshape(NC, NP, 128)

    y2p = _tc_b(agg1, y1.reshape(NC, N, FH), degp, W2, b1.reshape(1, F_HID))
    src_l2 = jnp.concatenate([src, src])
    agg2 = _edge_agg(y2p, src_l2, dst2).reshape(NC, NP, 128)

    return _tc_c(agg2, y2p, degp, b2.reshape(1, F_OUT))

# --- scband reference (transcript-rebuilt; emitter-appended) ---
"""Pipeline reference for scband-fed-scope-gcn-78812649882419 (READ-ONLY COPY).

The authoritative reference and input builder live on the scoring server;
editing this copy changes nothing except your own understanding.
"""

import jax, jax.numpy as jnp
import numpy as np

N_NODES = 10000
N_EDGES = 160000
IN_FEATS = 256
HIDDEN = 256
OUT_FEATS = 64


def setup_inputs(seed: int = 0) -> dict:
    key = jax.random.key(seed)
    k1, k2, k3, k4 = jax.random.split(key, 4)
    x = jax.random.normal(k1, (N_NODES, IN_FEATS), dtype=jnp.float32)
    edge_index = jax.random.randint(k2, (2, N_EDGES), 0, N_NODES, dtype=jnp.int64)
    # Glorot-style init for GCN linear weights, zeros for bias (PyG default)
    s1 = (6.0 / (IN_FEATS + HIDDEN)) ** 0.5
    W1 = jax.random.uniform(k3, (IN_FEATS, HIDDEN), dtype=jnp.float32, minval=-s1, maxval=s1)
    b1 = jnp.zeros((HIDDEN,), dtype=jnp.float32)
    s2 = (6.0 / (HIDDEN + OUT_FEATS)) ** 0.5
    W2 = jax.random.uniform(k4, (HIDDEN, OUT_FEATS), dtype=jnp.float32, minval=-s2, maxval=s2)
    b2 = jnp.zeros((OUT_FEATS,), dtype=jnp.float32)
    return {"x": x, "edge_index": edge_index, "W1": W1, "b1": b1, "W2": W2, "b2": b2}


def _gcn_conv(x, src, dst, W, b, n_nodes):
    # PyG GCNConv with add_self_loops=True and symmetric gcn_norm
    loop = jnp.arange(n_nodes, dtype=src.dtype)
    src_sl = jnp.concatenate([src, loop])
    dst_sl = jnp.concatenate([dst, loop])
    ew = jnp.ones((src_sl.shape[0],), dtype=x.dtype)
    deg = jnp.zeros((n_nodes,), dtype=x.dtype).at[dst_sl].add(ew)
    deg_inv_sqrt = jnp.where(deg > 0, deg ** -0.5, 0.0)
    norm = deg_inv_sqrt[src_sl] * ew * deg_inv_sqrt[dst_sl]
    xw = x @ W
    msg = xw[src_sl] * norm[:, None]
    out = jnp.zeros((n_nodes, W.shape[1]), dtype=x.dtype).at[dst_sl].add(msg)
    return out + b


def reference(x, edge_index, W1, b1, W2, b2):
    n_nodes = x.shape[0]
    src, dst = edge_index[0], edge_index[1]
    h = _gcn_conv(x, src, dst, W1, b1, n_nodes)
    h = jax.nn.relu(h)
    # dropout(p=0.1) is identity in eval mode
    out = _gcn_conv(h, src, dst, W2, b2, n_nodes)
    return out

if __name__ == "__main__":
    import jax
    _d = setup_inputs()
    print(jax.jit(kernel)(*tuple(_d.values())))

</pallas_src>

<mosaic_0001>
#map = affine_map<(d0, d1) -> (0, 0)>
#map1 = affine_map<(d0, d1) -> (0)>
module attributes {stable_mosaic.version = 14 : i64} {
  func.func @_agg_body(%arg0: i32, %arg1: i32, %arg2: memref<20000x128xf32, #tpu.memory_space<hbm>>, %arg3: memref<320000xi32, #tpu.memory_space<hbm>>, %arg4: memref<320000xi32, #tpu.memory_space<hbm>>, %arg5: memref<20480x128xf32, #tpu.memory_space<hbm>>, %arg6: memref<200xi32, #tpu.memory_space<vmem>>, %arg7: memref<200xi32, #tpu.memory_space<vmem>>, %arg8: memref<200xi32, #tpu.memory_space<vmem>>, %arg9: memref<200xi32, #tpu.memory_space<vmem>>, %arg10: memref<200x128xf32, #tpu.memory_space<vmem>>, %arg11: memref<10240x128xf32, #tpu.memory_space<vmem_shared>>, %arg12: memref<!tpu.dma_semaphore, #tpu.memory_space<semaphore_mem>>, %arg13: memref<!tpu.dma_semaphore, #tpu.memory_space<semaphore_mem>>) attributes {dimension_semantics = [#tpu.dimension_semantics<core_parallel>, #tpu.dimension_semantics<subcore_parallel>], iteration_bounds = array<i64: 2, 16>, scalar_prefetch = 0 : i64, scratch_operands = 8 : i64, tpu.core_type = #tpu.core_type<sc_vector_subcore>, window_params = [{transform_indices = #map}, {transform_indices = #map1}, {transform_indices = #map1}, {transform_indices = #map}]} {
    %broadcast_in_dim3A = arith.constant 0.000000e+00 : f32
    %broadcast_in_dim3A_0 = vector.broadcast %broadcast_in_dim3A : f32 to vector<16xf32>
    %scan3A = arith.constant 0 : i32
    %scan3A_1 = arith.constant 0 : i32
    %scan3A_2 = arith.constant 1600 : i32
    %scan3A_3 = arith.addi %scan3A_1, %scan3A_2 : i32
    %scan3A_4 = arith.constant 1 : i32
    scf.for %scan3A_72 = %scan3A_1 to %scan3A_3 step %scan3A_4  : i32 {
      %jit3A = arith.constant 8 : i32
      %div3A = arith.divsi %scan3A_72, %jit3A : i32
      %sign3A = arith.constant 0 : i32
      %sign3A_73 = arith.cmpi sgt, %scan3A_72, %sign3A : i32
      %sign3A_74 = arith.extui %sign3A_73 : i1 to i32
      %sign3A_75 = arith.constant 0 : i32
      %sign3A_76 = arith.cmpi slt, %scan3A_72, %sign3A_75 : i32
      %sign3A_77 = arith.extui %sign3A_76 : i1 to i32
      %sign3A_78 = arith.subi %sign3A_74, %sign3A_77 : i32
      %sign3A_79 = arith.constant 0 : i32
      %sign3A_80 = arith.cmpi sgt, %jit3A, %sign3A_79 : i32
      %sign3A_81 = arith.extui %sign3A_80 : i1 to i32
      %sign3A_82 = arith.constant 0 : i32
      %sign3A_83 = arith.cmpi slt, %jit3A, %sign3A_82 : i32
      %sign3A_84 = arith.extui %sign3A_83 : i1 to i32
      %sign3A_85 = arith.subi %sign3A_81, %sign3A_84 : i32
      %ne3A = arith.cmpi ne, %sign3A_78, %sign3A_85 : i32
      %rem3A = arith.remsi %scan3A_72, %jit3A : i32
      %ne3A_86 = arith.constant 0 : i32
      %ne3A_87 = arith.cmpi ne, %rem3A, %ne3A_86 : i32
      %and3A = arith.andi %ne3A, %ne3A_87 : i1
      %sub3A = arith.constant 1 : i32
      %sub3A_88 = arith.subi %div3A, %sub3A : i32
      %select_n3A = arith.select %and3A, %sub3A_88, %div3A : i32
      %jit3A_89 = arith.constant 8 : i32
      %eq3A = arith.constant 0 : i32
      %eq3A_90 = arith.cmpi eq, %jit3A_89, %eq3A : i32
      %jit3A_91 = arith.constant 1 : i32
      %select_n3A_92 = arith.select %eq3A_90, %jit3A_91, %jit3A_89 : i32
      %rem3A_93 = arith.remsi %scan3A_72, %select_n3A_92 : i32
      %ne3A_94 = arith.constant 0 : i32
      %ne3A_95 = arith.cmpi ne, %rem3A_93, %ne3A_94 : i32
      %lt3A = arith.constant 0 : i32
      %lt3A_96 = arith.cmpi slt, %rem3A_93, %lt3A : i32
      %lt3A_97 = arith.constant 0 : i32
      %lt3A_98 = arith.cmpi slt, %select_n3A_92, %lt3A_97 : i32
      %ne3A_99 = arith.xori %lt3A_96, %lt3A_98 : i1
      %and3A_100 = arith.andi %ne3A_99, %ne3A_95 : i1
      %add3A_101 = arith.addi %rem3A_93, %select_n3A_92 : i32
      %select_n3A_102 = arith.select %and3A_100, %add3A_101, %rem3A_93 : i32
      %mul3A_103 = arith.constant 16 : i32
      %mul3A_104 = arith.muli %select_n3A_102, %mul3A_103 : i32
      %swap3A = arith.index_cast %select_n3A : i32 to index
      %swap3A_105 = arith.index_cast %mul3A_104 : i32 to index
      %swap3A_106 = tpu.vector_load %arg10[%swap3A, %swap3A_105] {strides = array<i32>} : memref<200x128xf32, #tpu.memory_space<vmem>>, vector<1x16xf32>,
      %swap3A_107 = vector.shape_cast %swap3A_106 : vector<1x16xf32> to vector<16xf32>
      %swap3A_108 = vector.shape_cast %broadcast_in_dim3A_0 : vector<16xf32> to vector<1x16xf32>
      tpu.vector_store %arg10[%swap3A, %swap3A_105], %swap3A_108 {strides = array<i32>} : memref<200x128xf32, #tpu.memory_space<vmem>>, vector<1x16xf32>,
    }
    %scan3A_5 = arith.constant 1600 : i32
    %mul3A = arith.constant 640 : i32
    %mul3A_6 = arith.muli %arg1, %mul3A : i32
    %add3A = arith.constant 0 : i32
    %add3A_7 = arith.addi %mul3A_6, %add3A : i32
    "tpu.region"() ({
      %run_scoped3A = tpu.sem_alloc : memref<!tpu.dma_semaphore, #tpu.memory_space<semaphore_mem>>
      %dma_start3A_72 = arith.constant 0 : i32
      %dma_start3A_73 = arith.constant 0 : i32
      %dma_start3A_74 = tpu.memref_slice %arg10[%dma_start3A_72, %dma_start3A_73] : memref<200x128xf32, #tpu.memory_space<vmem>> -> memref<200x128xf32, #tpu.memory_space<vmem>>
      %dma_start3A_75 = arith.constant 0 : i32
      %dma_start3A_76 = tpu.memref_slice %arg11[%add3A_7, %dma_start3A_75] : memref<10240x128xf32, #tpu.memory_space<vmem_shared>> -> memref<200x128xf32, #tpu.memory_space<vmem_shared>>
      %dma_start3A_77 = arith.constant 0 : i32
      %dma_start3A_78 = tpu.memref_slice %arg11[%add3A_7, %dma_start3A_77] : memref<10240x128xf32, #tpu.memory_space<vmem_shared>> -> memref<200x128xf32, #tpu.memory_space<vmem_shared>>
      %dma_start3A_79 = arith.constant 0 : i32
      %dma_start3A_80 = arith.constant 0 : i32
      %dma_start3A_81 = tpu.memref_slice %arg10[%dma_start3A_79, %dma_start3A_80] : memref<200x128xf32, #tpu.memory_space<vmem>> -> memref<200x128xf32, #tpu.memory_space<vmem>>
      tpu.enqueue_dma source(%dma_start3A_81 : memref<200x128xf32, #tpu.memory_space<vmem>>) target(%dma_start3A_78 : memref<200x128xf32, #tpu.memory_space<vmem_shared>>) target_semaphore(%run_scoped3A : memref<!tpu.dma_semaphore, #tpu.memory_space<semaphore_mem>>)
      %dma_wait3A_82 = arith.constant 0 : i32
      %dma_wait3A_83 = arith.constant 0 : i32
      %dma_wait3A_84 = tpu.memref_slice %arg10[%dma_wait3A_82, %dma_wait3A_83] : memref<200x128xf32, #tpu.memory_space<vmem>> -> memref<200x128xf32, #tpu.memory_space<vmem>>
      %dma_wait3A_85 = arith.constant 0 : i32
      %dma_wait3A_86 = tpu.memref_slice %arg11[%add3A_7, %dma_wait3A_85] : memref<10240x128xf32, #tpu.memory_space<vmem_shared>> -> memref<200x128xf32, #tpu.memory_space<vmem_shared>>
      %dma_wait3A_87 = arith.constant 0 : i32
      %dma_wait3A_88 = tpu.memref_slice %arg11[%add3A_7, %dma_wait3A_87] : memref<10240x128xf32, #tpu.memory_space<vmem_shared>> -> memref<200x128xf32, #tpu.memory_space<vmem_shared>>
      %dma_wait3A_89 = arith.constant 0 : i32
      %dma_wait3A_90 = arith.constant 0 : i32
      %dma_wait3A_91 = tpu.memref_slice %arg10[%dma_wait3A_89, %dma_wait3A_90] : memref<200x128xf32, #tpu.memory_space<vmem>> -> memref<200x128xf32, #tpu.memory_space<vmem>>
      tpu.wait_dma2 semaphore(%run_scoped3A : memref<!tpu.dma_semaphore, #tpu.memory_space<semaphore_mem>>) src(%dma_wait3A_91 : memref<200x128xf32, #tpu.memory_space<vmem>>) dst(%dma_wait3A_88 : memref<200x128xf32, #tpu.memory_space<vmem_shared>>)
      tpu.yield
    }) : () -> ()
    %mul3A_8 = arith.constant 640 : i32
    %mul3A_9 = arith.muli %arg1, %mul3A_8 : i32
    %add3A_10 = arith.constant 200 : i32
    %add3A_11 = arith.addi %mul3A_9, %add3A_10 : i32
    "tpu.region"() ({
      %run_scoped3A = tpu.sem_alloc : memref<!tpu.dma_semaphore, #tpu.memory_space<semaphore_mem>>
      %dma_start3A_72 = arith.constant 0 : i32
      %dma_start3A_73 = arith.constant 0 : i32
      %dma_start3A_74 = tpu.memref_slice %arg10[%dma_start3A_72, %dma_start3A_73] : memref<200x128xf32, #tpu.memory_space<vmem>> -> memref<200x128xf32, #tpu.memory_space<vmem>>
      %dma_start3A_75 = arith.constant 0 : i32
      %dma_start3A_76 = tpu.memref_slice %arg11[%add3A_11, %dma_start3A_75] : memref<10240x128xf32, #tpu.memory_space<vmem_shared>> -> memref<200x128xf32, #tpu.memory_space<vmem_shared>>
      %dma_start3A_77 = arith.constant 0 : i32
      %dma_start3A_78 = tpu.memref_slice %arg11[%add3A_11, %dma_start3A_77] : memref<10240x128xf32, #tpu.memory_space<vmem_shared>> -> memref<200x128xf32, #tpu.memory_space<vmem_shared>>
      %dma_start3A_79 = arith.constant 0 : i32
      %dma_start3A_80 = arith.constant 0 : i32
      %dma_start3A_81 = tpu.memref_slice %arg10[%dma_start3A_79, %dma_start3A_80] : memref<200x128xf32, #tpu.memory_space<vmem>> -> memref<200x128xf32, #tpu.memory_space<vmem>>
      tpu.enqueue_dma source(%dma_start3A_81 : memref<200x128xf32, #tpu.memory_space<vmem>>) target(%dma_start3A_78 : memref<200x128xf32, #tpu.memory_space<vmem_shared>>) target_semaphore(%run_scoped3A : memref<!tpu.dma_semaphore, #tpu.memory_space<semaphore_mem>>)
      %dma_wait3A_82 = arith.constant 0 : i32
      %dma_wait3A_83 = arith.constant 0 : i32
      %dma_wait3A_84 = tpu.memref_slice %arg10[%dma_wait3A_82, %dma_wait3A_83] : memref<200x128xf32, #tpu.memory_space<vmem>> -> memref<200x128xf32, #tpu.memory_space<vmem>>
      %dma_wait3A_85 = arith.constant 0 : i32
      %dma_wait3A_86 = tpu.memref_slice %arg11[%add3A_11, %dma_wait3A_85] : memref<10240x128xf32, #tpu.memory_space<vmem_shared>> -> memref<200x128xf32, #tpu.memory_space<vmem_shared>>
      %dma_wait3A_87 = arith.constant 0 : i32
      %dma_wait3A_88 = tpu.memref_slice %arg11[%add3A_11, %dma_wait3A_87] : memref<10240x128xf32, #tpu.memory_space<vmem_shared>> -> memref<200x128xf32, #tpu.memory_space<vmem_shared>>
      %dma_wait3A_89 = arith.constant 0 : i32
      %dma_wait3A_90 = arith.constant 0 : i32
      %dma_wait3A_91 = tpu.memref_slice %arg10[%dma_wait3A_89, %dma_wait3A_90] : memref<200x128xf32, #tpu.memory_space<vmem>> -> memref<200x128xf32, #tpu.memory_space<vmem>>
      tpu.wait_dma2 semaphore(%run_scoped3A : memref<!tpu.dma_semaphore, #tpu.memory_space<semaphore_mem>>) src(%dma_wait3A_91 : memref<200x128xf32, #tpu.memory_space<vmem>>) dst(%dma_wait3A_88 : memref<200x128xf32, #tpu.memory_space<vmem_shared>>)
      tpu.yield
    }) : () -> ()
    %mul3A_12 = arith.constant 640 : i32
    %mul3A_13 = arith.muli %arg1, %mul3A_12 : i32
    %add3A_14 = arith.constant 400 : i32
    %add3A_15 = arith.addi %mul3A_13, %add3A_14 : i32
    "tpu.region"() ({
      %run_scoped3A = tpu.sem_alloc : memref<!tpu.dma_semaphore, #tpu.memory_space<semaphore_mem>>
      %dma_start3A_72 = arith.constant 0 : i32
      %dma_start3A_73 = arith.constant 0 : i32
      %dma_start3A_74 = tpu.memref_slice %arg10[%dma_start3A_72, %dma_start3A_73] : memref<200x128xf32, #tpu.memory_space<vmem>> -> memref<200x128xf32, #tpu.memory_space<vmem>>
      %dma_start3A_75 = arith.constant 0 : i32
      %dma_start3A_76 = tpu.memref_slice %arg11[%add3A_15, %dma_start3A_75] : memref<10240x128xf32, #tpu.memory_space<vmem_shared>> -> memref<200x128xf32, #tpu.memory_space<vmem_shared>>
      %dma_start3A_77 = arith.constant 0 : i32
      %dma_start3A_78 = tpu.memref_slice %arg11[%add3A_15, %dma_start3A_77] : memref<10240x128xf32, #tpu.memory_space<vmem_shared>> -> memref<200x128xf32, #tpu.memory_space<vmem_shared>>
      %dma_start3A_79 = arith.constant 0 : i32
      %dma_start3A_80 = arith.constant 0 : i32
      %dma_start3A_81 = tpu.memref_slice %arg10[%dma_start3A_79, %dma_start3A_80] : memref<200x128xf32, #tpu.memory_space<vmem>> -> memref<200x128xf32, #tpu.memory_space<vmem>>
      tpu.enqueue_dma source(%dma_start3A_81 : memref<200x128xf32, #tpu.memory_space<vmem>>) target(%dma_start3A_78 : memref<200x128xf32, #tpu.memory_space<vmem_shared>>) target_semaphore(%run_scoped3A : memref<!tpu.dma_semaphore, #tpu.memory_space<semaphore_mem>>)
      %dma_wait3A_82 = arith.constant 0 : i32
      %dma_wait3A_83 = arith.constant 0 : i32
      %dma_wait3A_84 = tpu.memref_slice %arg10[%dma_wait3A_82, %dma_wait3A_83] : memref<200x128xf32, #tpu.memory_space<vmem>> -> memref<200x128xf32, #tpu.memory_space<vmem>>
      %dma_wait3A_85 = arith.constant 0 : i32
      %dma_wait3A_86 = tpu.memref_slice %arg11[%add3A_15, %dma_wait3A_85] : memref<10240x128xf32, #tpu.memory_space<vmem_shared>> -> memref<200x128xf32, #tpu.memory_space<vmem_shared>>
      %dma_wait3A_87 = arith.constant 0 : i32
      %dma_wait3A_88 = tpu.memref_slice %arg11[%add3A_15, %dma_wait3A_87] : memref<10240x128xf32, #tpu.memory_space<vmem_shared>> -> memref<200x128xf32, #tpu.memory_space<vmem_shared>>
      %dma_wait3A_89 = arith.constant 0 : i32
      %dma_wait3A_90 = arith.constant 0 : i32
      %dma_wait3A_91 = tpu.memref_slice %arg10[%dma_wait3A_89, %dma_wait3A_90] : memref<200x128xf32, #tpu.memory_space<vmem>> -> memref<200x128xf32, #tpu.memory_space<vmem>>
      tpu.wait_dma2 semaphore(%run_scoped3A : memref<!tpu.dma_semaphore, #tpu.memory_space<semaphore_mem>>) src(%dma_wait3A_91 : memref<200x128xf32, #tpu.memory_space<vmem>>) dst(%dma_wait3A_88 : memref<200x128xf32, #tpu.memory_space<vmem_shared>>)
      tpu.yield
    }) : () -> ()
    %mul3A_16 = arith.constant 640 : i32
    %mul3A_17 = arith.muli %arg1, %mul3A_16 : i32
    %add3A_18 = arith.constant 600 : i32
    %add3A_19 = arith.addi %mul3A_17, %add3A_18 : i32
    "tpu.region"() ({
      %run_scoped3A = tpu.sem_alloc : memref<!tpu.dma_semaphore, #tpu.memory_space<semaphore_mem>>
      %dma_start3A_72 = arith.constant 0 : i32
      %dma_start3A_73 = arith.constant 0 : i32
      %dma_start3A_74 = tpu.memref_slice %arg10[%dma_start3A_72, %dma_start3A_73] : memref<200x128xf32, #tpu.memory_space<vmem>> -> memref<40x128xf32, #tpu.memory_space<vmem>>
      %dma_start3A_75 = arith.constant 0 : i32
      %dma_start3A_76 = tpu.memref_slice %arg11[%add3A_19, %dma_start3A_75] : memref<10240x128xf32, #tpu.memory_space<vmem_shared>> -> memref<40x128xf32, #tpu.memory_space<vmem_shared>>
      %dma_start3A_77 = arith.constant 0 : i32
      %dma_start3A_78 = tpu.memref_slice %arg11[%add3A_19, %dma_start3A_77] : memref<10240x128xf32, #tpu.memory_space<vmem_shared>> -> memref<40x128xf32, #tpu.memory_space<vmem_shared>>
      %dma_start3A_79 = arith.constant 0 : i32
      %dma_start3A_80 = arith.constant 0 : i32
      %dma_start3A_81 = tpu.memref_slice %arg10[%dma_start3A_79, %dma_start3A_80] : memref<200x128xf32, #tpu.memory_space<vmem>> -> memref<40x128xf32, #tpu.memory_space<vmem>>
      tpu.enqueue_dma source(%dma_start3A_81 : memref<40x128xf32, #tpu.memory_space<vmem>>) target(%dma_start3A_78 : memref<40x128xf32, #tpu.memory_space<vmem_shared>>) target_semaphore(%run_scoped3A : memref<!tpu.dma_semaphore, #tpu.memory_space<semaphore_mem>>)
      %dma_wait3A_82 = arith.constant 0 : i32
      %dma_wait3A_83 = arith.constant 0 : i32
      %dma_wait3A_84 = tpu.memref_slice %arg10[%dma_wait3A_82, %dma_wait3A_83] : memref<200x128xf32, #tpu.memory_space<vmem>> -> memref<40x128xf32, #tpu.memory_space<vmem>>
      %dma_wait3A_85 = arith.constant 0 : i32
      %dma_wait3A_86 = tpu.memref_slice %arg11[%add3A_19, %dma_wait3A_85] : memref<10240x128xf32, #tpu.memory_space<vmem_shared>> -> memref<40x128xf32, #tpu.memory_space<vmem_shared>>
      %dma_wait3A_87 = arith.constant 0 : i32
      %dma_wait3A_88 = tpu.memref_slice %arg11[%add3A_19, %dma_wait3A_87] : memref<10240x128xf32, #tpu.memory_space<vmem_shared>> -> memref<40x128xf32, #tpu.memory_space<vmem_shared>>
      %dma_wait3A_89 = arith.constant 0 : i32
      %dma_wait3A_90 = arith.constant 0 : i32
      %dma_wait3A_91 = tpu.memref_slice %arg10[%dma_wait3A_89, %dma_wait3A_90] : memref<200x128xf32, #tpu.memory_space<vmem>> -> memref<40x128xf32, #tpu.memory_space<vmem>>
      tpu.wait_dma2 semaphore(%run_scoped3A : memref<!tpu.dma_semaphore, #tpu.memory_space<semaphore_mem>>) src(%dma_wait3A_91 : memref<40x128xf32, #tpu.memory_space<vmem>>) dst(%dma_wait3A_88 : memref<40x128xf32, #tpu.memory_space<vmem_shared>>)
      tpu.yield
    }) : () -> ()
    %barrier3A = arith.constant 0 : index
    tpu.barrier barrier_id(%barrier3A)
    %mul3A_20 = arith.constant 16 : i32
    %mul3A_21 = arith.muli %arg0, %mul3A_20 : i32
    %add3A_22 = arith.addi %mul3A_21, %arg1 : i32
    %mul3A_23 = arith.constant 10000 : i32
    %mul3A_24 = arith.muli %add3A_22, %mul3A_23 : i32
    %multiple_of3A = tpu.assume_multiple %mul3A_24, 8 : i32
    %dma_start3A = tpu.memref_slice %arg3[%multiple_of3A] : memref<320000xi32, #tpu.memory_space<hbm>> -> memref<200xi32, #tpu.memory_space<hbm>>
    %dma_start3A_25 = tpu.memref_slice %arg3[%multiple_of3A] : memref<320000xi32, #tpu.memory_space<hbm>> -> memref<200xi32, #tpu.memory_space<hbm>>
    tpu.enqueue_dma source(%dma_start3A_25 : memref<200xi32, #tpu.memory_space<hbm>>) target(%arg6 : memref<200xi32, #tpu.memory_space<vmem>>) target_semaphore(%arg12 : memref<!tpu.dma_semaphore, #tpu.memory_space<semaphore_mem>>)
    %dma_start3A_26 = tpu.memref_slice %arg4[%multiple_of3A] : memref<320000xi32, #tpu.memory_space<hbm>> -> memref<200xi32, #tpu.memory_space<hbm>>
    %dma_start3A_27 = tpu.memref_slice %arg4[%multiple_of3A] : memref<320000xi32, #tpu.memory_space<hbm>> -> memref<200xi32, #tpu.memory_space<hbm>>
    tpu.enqueue_dma source(%dma_start3A_27 : memref<200xi32, #tpu.memory_space<hbm>>) target(%arg7 : memref<200xi32, #tpu.memory_space<vmem>>) target_semaphore(%arg12 : memref<!tpu.dma_semaphore, #tpu.memory_space<semaphore_mem>>)
    %scan3A_28 = arith.constant 0 : i32
    %scan3A_29 = arith.constant 0 : i32
    %scan3A_30 = arith.constant 25 : i32
    %scan3A_31 = arith.addi %scan3A_29, %scan3A_30 : i32
    %scan3A_32 = arith.constant 1 : i32
    scf.for %scan3A_72 = %scan3A_29 to %scan3A_31 step %scan3A_32  : i32 {
      %mul3A_73 = arith.constant 2 : i32
      %mul3A_74 = arith.muli %mul3A_73, %scan3A_72 : i32
      %add3A_75 = arith.constant 1 : i32
      %add3A_76 = arith.addi %mul3A_74, %add3A_75 : i32
      %mul3A_77 = arith.constant 200 : i32
      %mul3A_78 = arith.muli %add3A_76, %mul3A_77 : i32
      %add3A_79 = arith.addi %mul3A_24, %mul3A_78 : i32
      %multiple_of3A_80 = tpu.assume_multiple %add3A_79, 8 : i32
      %mul3A_81 = arith.constant 2 : i32
      %mul3A_82 = arith.muli %mul3A_81, %scan3A_72 : i32
      %add3A_83 = arith.constant 2 : i32
      %add3A_84 = arith.addi %mul3A_82, %add3A_83 : i32
      %jit3A = arith.constant 50 : i32
      %eq3A = arith.constant 0 : i32
      %eq3A_85 = arith.cmpi eq, %jit3A, %eq3A : i32
      %jit3A_86 = arith.constant 1 : i32
      %select_n3A = arith.select %eq3A_85, %jit3A_86, %jit3A : i32
      %rem3A = arith.remsi %add3A_84, %select_n3A : i32
      %ne3A = arith.constant 0 : i32
      %ne3A_87 = arith.cmpi ne, %rem3A, %ne3A : i32
      %lt3A = arith.constant 0 : i32
      %lt3A_88 = arith.cmpi slt, %rem3A, %lt3A : i32
      %lt3A_89 = arith.constant 0 : i32
      %lt3A_90 = arith.cmpi slt, %select_n3A, %lt3A_89 : i32
      %ne3A_91 = arith.xori %lt3A_88, %lt3A_90 : i1
      %and3A = arith.andi %ne3A_91, %ne3A_87 : i1
      %add3A_92 = arith.addi %rem3A, %select_n3A : i32
      %select_n3A_93 = arith.select %and3A, %add3A_92, %rem3A : i32
      %mul3A_94 = arith.constant 200 : i32
      %mul3A_95 = arith.muli %select_n3A_93, %mul3A_94 : i32
      %add3A_96 = arith.addi %mul3A_24, %mul3A_95 : i32
      %multiple_of3A_97 = tpu.assume_multiple %add3A_96, 8 : i32
      %dma_wait3A_98 = arith.constant 0 : i32
      %dma_wait3A_99 = tpu.memref_slice %arg3[%dma_wait3A_98] : memref<320000xi32, #tpu.memory_space<hbm>> -> memref<200xi32, #tpu.memory_space<hbm>>
      %dma_wait3A_100 = arith.constant 0 : i32
      %dma_wait3A_101 = tpu.memref_slice %arg3[%dma_wait3A_100] : memref<320000xi32, #tpu.memory_space<hbm>> -> memref<200xi32, #tpu.memory_space<hbm>>
      tpu.wait_dma2 semaphore(%arg12 : memref<!tpu.dma_semaphore, #tpu.memory_space<semaphore_mem>>) src(%dma_wait3A_101 : memref<200xi32, #tpu.memory_space<hbm>>) dst(%arg6 : memref<200xi32, #tpu.memory_space<vmem>>)
      %dma_wait3A_102 = arith.constant 0 : i32
      %dma_wait3A_103 = tpu.memref_slice %arg3[%dma_wait3A_102] : memref<320000xi32, #tpu.memory_space<hbm>> -> memref<200xi32, #tpu.memory_space<hbm>>
      %dma_wait3A_104 = arith.constant 0 : i32
      %dma_wait3A_105 = tpu.memref_slice %arg3[%dma_wait3A_104] : memref<320000xi32, #tpu.memory_space<hbm>> -> memref<200xi32, #tpu.memory_space<hbm>>
      tpu.wait_dma2 semaphore(%arg12 : memref<!tpu.dma_semaphore, #tpu.memory_space<semaphore_mem>>) src(%dma_wait3A_105 : memref<200xi32, #tpu.memory_space<hbm>>) dst(%arg7 : memref<200xi32, #tpu.memory_space<vmem>>)
      %dma_start3A_106 = tpu.memref_slice %arg3[%multiple_of3A_80] : memref<320000xi32, #tpu.memory_space<hbm>> -> memref<200xi32, #tpu.memory_space<hbm>>
      %dma_start3A_107 = tpu.memref_slice %arg3[%multiple_of3A_80] : memref<320000xi32, #tpu.memory_space<hbm>> -> memref<200xi32, #tpu.memory_space<hbm>>
      tpu.enqueue_dma source(%dma_start3A_107 : memref<200xi32, #tpu.memory_space<hbm>>) target(%arg8 : memref<200xi32, #tpu.memory_space<vmem>>) target_semaphore(%arg13 : memref<!tpu.dma_semaphore, #tpu.memory_space<semaphore_mem>>)
      %dma_start3A_108 = tpu.memref_slice %arg4[%multiple_of3A_80] : memref<320000xi32, #tpu.memory_space<hbm>> -> memref<200xi32, #tpu.memory_space<hbm>>
      %dma_start3A_109 = tpu.memref_slice %arg4[%multiple_of3A_80] : memref<320000xi32, #tpu.memory_space<hbm>> -> memref<200xi32, #tpu.memory_space<hbm>>
      tpu.enqueue_dma source(%dma_start3A_109 : memref<200xi32, #tpu.memory_space<hbm>>) target(%arg9 : memref<200xi32, #tpu.memory_space<vmem>>) target_semaphore(%arg13 : memref<!tpu.dma_semaphore, #tpu.memory_space<semaphore_mem>>)
      "tpu.region"() ({
        %run_scoped3A = tpu.sem_alloc : memref<!tpu.dma_semaphore, #tpu.memory_space<semaphore_mem>>
        %dma_start3A_122 = arith.constant 0 : i32
        %dma_start3A_123 = arith.constant 0 : i32
        %dma_start3A_124 = tpu.memref_slice %arg2[%dma_start3A_122, %dma_start3A_123] : memref<20000x128xf32, #tpu.memory_space<hbm>> -> memref<20000x128xf32, #tpu.memory_space<hbm>>
        tpu.enqueue_indirect_dma source(%dma_start3A_124 : memref<20000x128xf32, #tpu.memory_space<hbm>>) target(%arg10 : memref<200x128xf32, #tpu.memory_space<vmem>>) offsets(%arg6 : memref<200xi32, #tpu.memory_space<vmem>>) semaphore(%run_scoped3A : memref<!tpu.dma_semaphore, #tpu.memory_space<semaphore_mem>>)
        %dma_wait3A_125 = arith.constant 0 : i32
        %dma_wait3A_126 = arith.constant 0 : i32
        %dma_wait3A_127 = tpu.memref_slice %arg2[%dma_wait3A_125, %dma_wait3A_126] : memref<20000x128xf32, #tpu.memory_space<hbm>> -> memref<20000x128xf32, #tpu.memory_space<hbm>>
        tpu.wait_indirect_dma semaphore(%run_scoped3A : memref<!tpu.dma_semaphore, #tpu.memory_space<semaphore_mem>>) src(%dma_wait3A_127 : memref<20000x128xf32, #tpu.memory_space<hbm>>) dst(%arg10 : memref<200x128xf32, #tpu.memory_space<vmem>>)
        tpu.yield
      }) : () -> ()
      "tpu.region"() ({
        %run_scoped3A = tpu.sem_alloc : memref<!tpu.dma_semaphore, #tpu.memory_space<semaphore_mem>>
        %dma_start3A_122 = arith.constant 0 : i32
        %dma_start3A_123 = arith.constant 0 : i32
        %dma_start3A_124 = tpu.memref_slice %arg11[%dma_start3A_122, %dma_start3A_123] : memref<10240x128xf32, #tpu.memory_space<vmem_shared>> -> memref<10240x128xf32, #tpu.memory_space<vmem_shared>>
        tpu.enqueue_indirect_dma source(%arg10 : memref<200x128xf32, #tpu.memory_space<vmem>>) target(%dma_start3A_124 : memref<10240x128xf32, #tpu.memory_space<vmem_shared>>) offsets(%arg7 : memref<200xi32, #tpu.memory_space<vmem>>) semaphore(%run_scoped3A : memref<!tpu.dma_semaphore, #tpu.memory_space<semaphore_mem>>) {add = true}
        %dma_wait3A_125 = arith.constant 0 : i32
        %dma_wait3A_126 = arith.constant 0 : i32
        %dma_wait3A_127 = tpu.memref_slice %arg11[%dma_wait3A_125, %dma_wait3A_126] : memref<10240x128xf32, #tpu.memory_space<vmem_shared>> -> memref<10240x128xf32, #tpu.memory_space<vmem_shared>>
        tpu.wait_indirect_dma semaphore(%run_scoped3A : memref<!tpu.dma_semaphore, #tpu.memory_space<semaphore_mem>>) src(%arg10 : memref<200x128xf32, #tpu.memory_space<vmem>>) dst(%dma_wait3A_127 : memref<10240x128xf32, #tpu.memory_space<vmem_shared>>)
        tpu.yield
      }) : () -> ()
      %dma_wait3A_110 = arith.constant 0 : i32
      %dma_wait3A_111 = tpu.memref_slice %arg3[%dma_wait3A_110] : memref<320000xi32, #tpu.memory_space<hbm>> -> memref<200xi32, #tpu.memory_space<hbm>>
      %dma_wait3A_112 = arith.constant 0 : i32
      %dma_wait3A_113 = tpu.memref_slice %arg3[%dma_wait3A_112] : memref<320000xi32, #tpu.memory_space<hbm>> -> memref<200xi32, #tpu.memory_space<hbm>>
      tpu.wait_dma2 semaphore(%arg13 : memref<!tpu.dma_semaphore, #tpu.memory_space<semaphore_mem>>) src(%dma_wait3A_113 : memref<200xi32, #tpu.memory_space<hbm>>) dst(%arg8 : memref<200xi32, #tpu.memory_space<vmem>>)
      %dma_wait3A_114 = arith.constant 0 : i32
      %dma_wait3A_115 = tpu.memref_slice %arg3[%dma_wait3A_114] : memref<320000xi32, #tpu.memory_space<hbm>> -> memref<200xi32, #tpu.memory_space<hbm>>
      %dma_wait3A_116 = arith.constant 0 : i32
      %dma_wait3A_117 = tpu.memref_slice %arg3[%dma_wait3A_116] : memref<320000xi32, #tpu.memory_space<hbm>> -> memref<200xi32, #tpu.memory_space<hbm>>
      tpu.wait_dma2 semaphore(%arg13 : memref<!tpu.dma_semaphore, #tpu.memory_space<semaphore_mem>>) src(%dma_wait3A_117 : memref<200xi32, #tpu.memory_space<hbm>>) dst(%arg9 : memref<200xi32, #tpu.memory_space<vmem>>)
      %dma_start3A_118 = tpu.memref_slice %arg3[%multiple_of3A_97] : memref<320000xi32, #tpu.memory_space<hbm>> -> memref<200xi32, #tpu.memory_space<hbm>>
      %dma_start3A_119 = tpu.memref_slice %arg3[%multiple_of3A_97] : memref<320000xi32, #tpu.memory_space<hbm>> -> memref<200xi32, #tpu.memory_space<hbm>>
      tpu.enqueue_dma source(%dma_start3A_119 : memref<200xi32, #tpu.memory_space<hbm>>) target(%arg6 : memref<200xi32, #tpu.memory_space<vmem>>) target_semaphore(%arg12 : memref<!tpu.dma_semaphore, #tpu.memory_space<semaphore_mem>>)
      %dma_start3A_120 = tpu.memref_slice %arg4[%multiple_of3A_97] : memref<320000xi32, #tpu.memory_space<hbm>> -> memref<200xi32, #tpu.memory_space<hbm>>
      %dma_start3A_121 = tpu.memref_slice %arg4[%multiple_of3A_97] : memref<320000xi32, #tpu.memory_space<hbm>> -> memref<200xi32, #tpu.memory_space<hbm>>
      tpu.enqueue_dma source(%dma_start3A_121 : memref<200xi32, #tpu.memory_space<hbm>>) target(%arg7 : memref<200xi32, #tpu.memory_space<vmem>>) target_semaphore(%arg12 : memref<!tpu.dma_semaphore, #tpu.memory_space<semaphore_mem>>)
      "tpu.region"() ({
        %run_scoped3A = tpu.sem_alloc : memref<!tpu.dma_semaphore, #tpu.memory_space<semaphore_mem>>
        %dma_start3A_122 = arith.constant 0 : i32
        %dma_start3A_123 = arith.constant 0 : i32
        %dma_start3A_124 = tpu.memref_slice %arg2[%dma_start3A_122, %dma_start3A_123] : memref<20000x128xf32, #tpu.memory_space<hbm>> -> memref<20000x128xf32, #tpu.memory_space<hbm>>
        tpu.enqueue_indirect_dma source(%dma_start3A_124 : memref<20000x128xf32, #tpu.memory_space<hbm>>) target(%arg10 : memref<200x128xf32, #tpu.memory_space<vmem>>) offsets(%arg8 : memref<200xi32, #tpu.memory_space<vmem>>) semaphore(%run_scoped3A : memref<!tpu.dma_semaphore, #tpu.memory_space<semaphore_mem>>)
        %dma_wait3A_125 = arith.constant 0 : i32
        %dma_wait3A_126 = arith.constant 0 : i32
        %dma_wait3A_127 = tpu.memref_slice %arg2[%dma_wait3A_125, %dma_wait3A_126] : memref<20000x128xf32, #tpu.memory_space<hbm>> -> memref<20000x128xf32, #tpu.memory_space<hbm>>
        tpu.wait_indirect_dma semaphore(%run_scoped3A : memref<!tpu.dma_semaphore, #tpu.memory_space<semaphore_mem>>) src(%dma_wait3A_127 : memref<20000x128xf32, #tpu.memory_space<hbm>>) dst(%arg10 : memref<200x128xf32, #tpu.memory_space<vmem>>)
        tpu.yield
      }) : () -> ()
      "tpu.region"() ({
        %run_scoped3A = tpu.sem_alloc : memref<!tpu.dma_semaphore, #tpu.memory_space<semaphore_mem>>
        %dma_start3A_122 = arith.constant 0 : i32
        %dma_start3A_123 = arith.constant 0 : i32
        %dma_start3A_124 = tpu.memref_slice %arg11[%dma_start3A_122, %dma_start3A_123] : memref<10240x128xf32, #tpu.memory_space<vmem_shared>> -> memref<10240x128xf32, #tpu.memory_space<vmem_shared>>
        tpu.enqueue_indirect_dma source(%arg10 : memref<200x128xf32, #tpu.memory_space<vmem>>) target(%dma_start3A_124 : memref<10240x128xf32, #tpu.memory_space<vmem_shared>>) offsets(%arg9 : memref<200xi32, #tpu.memory_space<vmem>>) semaphore(%run_scoped3A : memref<!tpu.dma_semaphore, #tpu.memory_space<semaphore_mem>>) {add = true}
        %dma_wait3A_125 = arith.constant 0 : i32
        %dma_wait3A_126 = arith.constant 0 : i32
        %dma_wait3A_127 = tpu.memref_slice %arg11[%dma_wait3A_125, %dma_wait3A_126] : memref<10240x128xf32, #tpu.memory_space<vmem_shared>> -> memref<10240x128xf32, #tpu.memory_space<vmem_shared>>
        tpu.wait_indirect_dma semaphore(%run_scoped3A : memref<!tpu.dma_semaphore, #tpu.memory_space<semaphore_mem>>) src(%arg10 : memref<200x128xf32, #tpu.memory_space<vmem>>) dst(%dma_wait3A_127 : memref<10240x128xf32, #tpu.memory_space<vmem_shared>>)
        tpu.yield
      }) : () -> ()
    }
    %scan3A_33 = arith.constant 25 : i32
    %dma_wait3A = arith.constant 0 : i32
    %dma_wait3A_34 = tpu.memref_slice %arg3[%dma_wait3A] : memref<320000xi32, #tpu.memory_space<hbm>> -> memref<200xi32, #tpu.memory_space<hbm>>
    %dma_wait3A_35 = arith.constant 0 : i32
    %dma_wait3A_36 = tpu.memref_slice %arg3[%dma_wait3A_35] : memref<320000xi32, #tpu.memory_space<hbm>> -> memref<200xi32, #tpu.memory_space<hbm>>
    tpu.wait_dma2 semaphore(%arg12 : memref<!tpu.dma_semaphore, #tpu.memory_space<semaphore_mem>>) src(%dma_wait3A_36 : memref<200xi32, #tpu.memory_space<hbm>>) dst(%arg6 : memref<200xi32, #tpu.memory_space<vmem>>)
    %dma_wait3A_37 = arith.constant 0 : i32
    %dma_wait3A_38 = tpu.memref_slice %arg3[%dma_wait3A_37] : memref<320000xi32, #tpu.memory_space<hbm>> -> memref<200xi32, #tpu.memory_space<hbm>>
    %dma_wait3A_39 = arith.constant 0 : i32
    %dma_wait3A_40 = tpu.memref_slice %arg3[%dma_wait3A_39] : memref<320000xi32, #tpu.memory_space<hbm>> -> memref<200xi32, #tpu.memory_space<hbm>>
    tpu.wait_dma2 semaphore(%arg12 : memref<!tpu.dma_semaphore, #tpu.memory_space<semaphore_mem>>) src(%dma_wait3A_40 : memref<200xi32, #tpu.memory_space<hbm>>) dst(%arg7 : memref<200xi32, #tpu.memory_space<vmem>>)
    %barrier3A_41 = arith.constant 0 : index
    tpu.barrier barrier_id(%barrier3A_41)
    %mul3A_42 = arith.constant 10240 : i32
    %mul3A_43 = arith.muli %arg0, %mul3A_42 : i32
    %mul3A_44 = arith.constant 640 : i32
    %mul3A_45 = arith.muli %arg1, %mul3A_44 : i32
    %add3A_46 = arith.addi %mul3A_43, %mul3A_45 : i32
    %multiple_of3A_47 = tpu.assume_multiple %add3A_46, 8 : i32
    %mul3A_48 = arith.constant 640 : i32
    %mul3A_49 = arith.muli %arg1, %mul3A_48 : i32
    %add3A_50 = arith.constant 0 : i32
    %add3A_51 = arith.addi %mul3A_49, %add3A_50 : i32
    "tpu.region"() ({
      %run_scoped3A = tpu.sem_alloc : memref<!tpu.dma_semaphore, #tpu.memory_space<semaphore_mem>>
      %dma_start3A_72 = arith.constant 0 : i32
      %dma_start3A_73 = arith.constant 0 : i32
      %dma_start3A_74 = tpu.memref_slice %arg10[%dma_start3A_72, %dma_start3A_73] : memref<200x128xf32, #tpu.memory_space<vmem>> -> memref<200x128xf32, #tpu.memory_space<vmem>>
      %dma_start3A_75 = arith.constant 0 : i32
      %dma_start3A_76 = tpu.memref_slice %arg11[%add3A_51, %dma_start3A_75] : memref<10240x128xf32, #tpu.memory_space<vmem_shared>> -> memref<200x128xf32, #tpu.memory_space<vmem_shared>>
      %dma_start3A_77 = arith.constant 0 : i32
      %dma_start3A_78 = arith.constant 0 : i32
      %dma_start3A_79 = tpu.memref_slice %arg10[%dma_start3A_77, %dma_start3A_78] : memref<200x128xf32, #tpu.memory_space<vmem>> -> memref<200x128xf32, #tpu.memory_space<vmem>>
      %dma_start3A_80 = arith.constant 0 : i32
      %dma_start3A_81 = tpu.memref_slice %arg11[%add3A_51, %dma_start3A_80] : memref<10240x128xf32, #tpu.memory_space<vmem_shared>> -> memref<200x128xf32, #tpu.memory_space<vmem_shared>>
      tpu.enqueue_dma source(%dma_start3A_81 : memref<200x128xf32, #tpu.memory_space<vmem_shared>>) target(%dma_start3A_79 : memref<200x128xf32, #tpu.memory_space<vmem>>) target_semaphore(%run_scoped3A : memref<!tpu.dma_semaphore, #tpu.memory_space<semaphore_mem>>)
      %dma_wait3A_82 = arith.constant 0 : i32
      %dma_wait3A_83 = arith.constant 0 : i32
      %dma_wait3A_84 = tpu.memref_slice %arg10[%dma_wait3A_82, %dma_wait3A_83] : memref<200x128xf32, #tpu.memory_space<vmem>> -> memref<200x128xf32, #tpu.memory_space<vmem>>
      %dma_wait3A_85 = arith.constant 0 : i32
      %dma_wait3A_86 = tpu.memref_slice %arg11[%add3A_51, %dma_wait3A_85] : memref<10240x128xf32, #tpu.memory_space<vmem_shared>> -> memref<200x128xf32, #tpu.memory_space<vmem_shared>>
      %dma_wait3A_87 = arith.constant 0 : i32
      %dma_wait3A_88 = arith.constant 0 : i32
      %dma_wait3A_89 = tpu.memref_slice %arg10[%dma_wait3A_87, %dma_wait3A_88] : memref<200x128xf32, #tpu.memory_space<vmem>> -> memref<200x128xf32, #tpu.memory_space<vmem>>
      %dma_wait3A_90 = arith.constant 0 : i32
      %dma_wait3A_91 = tpu.memref_slice %arg11[%add3A_51, %dma_wait3A_90] : memref<10240x128xf32, #tpu.memory_space<vmem_shared>> -> memref<200x128xf32, #tpu.memory_space<vmem_shared>>
      tpu.wait_dma2 semaphore(%run_scoped3A : memref<!tpu.dma_semaphore, #tpu.memory_space<semaphore_mem>>) src(%dma_wait3A_91 : memref<200x128xf32, #tpu.memory_space<vmem_shared>>) dst(%dma_wait3A_89 : memref<200x128xf32, #tpu.memory_space<vmem>>)
      tpu.yield
    }) : () -> ()
    %add3A_52 = arith.constant 0 : i32
    %add3A_53 = arith.addi %multiple_of3A_47, %add3A_52 : i32
    "tpu.region"() ({
      %run_scoped3A = tpu.sem_alloc : memref<!tpu.dma_semaphore, #tpu.memory_space<semaphore_mem>>
      %dma_start3A_72 = arith.constant 0 : i32
      %dma_start3A_73 = arith.constant 0 : i32
      %dma_start3A_74 = tpu.memref_slice %arg10[%dma_start3A_72, %dma_start3A_73] : memref<200x128xf32, #tpu.memory_space<vmem>> -> memref<200x128xf32, #tpu.memory_space<vmem>>
      %dma_start3A_75 = arith.constant 0 : i32
      %dma_start3A_76 = tpu.memref_slice %arg5[%add3A_53, %dma_start3A_75] : memref<20480x128xf32, #tpu.memory_space<hbm>> -> memref<200x128xf32, #tpu.memory_space<hbm>>
      %dma_start3A_77 = arith.constant 0 : i32
      %dma_start3A_78 = tpu.memref_slice %arg5[%add3A_53, %dma_start3A_77] : memref<20480x128xf32, #tpu.memory_space<hbm>> -> memref<200x128xf32, #tpu.memory_space<hbm>>
      %dma_start3A_79 = arith.constant 0 : i32
      %dma_start3A_80 = arith.constant 0 : i32
      %dma_start3A_81 = tpu.memref_slice %arg10[%dma_start3A_79, %dma_start3A_80] : memref<200x128xf32, #tpu.memory_space<vmem>> -> memref<200x128xf32, #tpu.memory_space<vmem>>
      tpu.enqueue_dma source(%dma_start3A_81 : memref<200x128xf32, #tpu.memory_space<vmem>>) target(%dma_start3A_78 : memref<200x128xf32, #tpu.memory_space<hbm>>) target_semaphore(%run_scoped3A : memref<!tpu.dma_semaphore, #tpu.memory_space<semaphore_mem>>)
      %dma_wait3A_82 = arith.constant 0 : i32
      %dma_wait3A_83 = arith.constant 0 : i32
      %dma_wait3A_84 = tpu.memref_slice %arg10[%dma_wait3A_82, %dma_wait3A_83] : memref<200x128xf32, #tpu.memory_space<vmem>> -> memref<200x128xf32, #tpu.memory_space<vmem>>
      %dma_wait3A_85 = arith.constant 0 : i32
      %dma_wait3A_86 = tpu.memref_slice %arg5[%add3A_53, %dma_wait3A_85] : memref<20480x128xf32, #tpu.memory_space<hbm>> -> memref<200x128xf32, #tpu.memory_space<hbm>>
      %dma_wait3A_87 = arith.constant 0 : i32
      %dma_wait3A_88 = tpu.memref_slice %arg5[%add3A_53, %dma_wait3A_87] : memref<20480x128xf32, #tpu.memory_space<hbm>> -> memref<200x128xf32, #tpu.memory_space<hbm>>
      %dma_wait3A_89 = arith.constant 0 : i32
      %dma_wait3A_90 = arith.constant 0 : i32
      %dma_wait3A_91 = tpu.memref_slice %arg10[%dma_wait3A_89, %dma_wait3A_90] : memref<200x128xf32, #tpu.memory_space<vmem>> -> memref<200x128xf32, #tpu.memory_space<vmem>>
      tpu.wait_dma2 semaphore(%run_scoped3A : memref<!tpu.dma_semaphore, #tpu.memory_space<semaphore_mem>>) src(%dma_wait3A_91 : memref<200x128xf32, #tpu.memory_space<vmem>>) dst(%dma_wait3A_88 : memref<200x128xf32, #tpu.memory_space<hbm>>)
      tpu.yield
    }) : () -> ()
    %mul3A_54 = arith.constant 640 : i32
    %mul3A_55 = arith.muli %arg1, %mul3A_54 : i32
    %add3A_56 = arith.constant 200 : i32
    %add3A_57 = arith.addi %mul3A_55, %add3A_56 : i32
    "tpu.region"() ({
      %run_scoped3A = tpu.sem_alloc : memref<!tpu.dma_semaphore, #tpu.memory_space<semaphore_mem>>
      %dma_start3A_72 = arith.constant 0 : i32
      %dma_start3A_73 = arith.constant 0 : i32
      %dma_start3A_74 = tpu.memref_slice %arg10[%dma_start3A_72, %dma_start3A_73] : memref<200x128xf32, #tpu.memory_space<vmem>> -> memref<200x128xf32, #tpu.memory_space<vmem>>
      %dma_start3A_75 = arith.constant 0 : i32
      %dma_start3A_76 = tpu.memref_slice %arg11[%add3A_57, %dma_start3A_75] : memref<10240x128xf32, #tpu.memory_space<vmem_shared>> -> memref<200x128xf32, #tpu.memory_space<vmem_shared>>
      %dma_start3A_77 = arith.constant 0 : i32
      %dma_start3A_78 = arith.constant 0 : i32
      %dma_start3A_79 = tpu.memref_slice %arg10[%dma_start3A_77, %dma_start3A_78] : memref<200x128xf32, #tpu.memory_space<vmem>> -> memref<200x128xf32, #tpu.memory_space<vmem>>
      %dma_start3A_80 = arith.constant 0 : i32
      %dma_start3A_81 = tpu.memref_slice %arg11[%add3A_57, %dma_start3A_80] : memref<10240x128xf32, #tpu.memory_space<vmem_shared>> -> memref<200x128xf32, #tpu.memory_space<vmem_shared>>
      tpu.enqueue_dma source(%dma_start3A_81 : memref<200x128xf32, #tpu.memory_space<vmem_shared>>) target(%dma_start3A_79 : memref<200x128xf32, #tpu.memory_space<vmem>>) target_semaphore(%run_scoped3A : memref<!tpu.dma_semaphore, #tpu.memory_space<semaphore_mem>>)
      %dma_wait3A_82 = arith.constant 0 : i32
      %dma_wait3A_83 = arith.constant 0 : i32
      %dma_wait3A_84 = tpu.memref_slice %arg10[%dma_wait3A_82, %dma_wait3A_83] : memref<200x128xf32, #tpu.memory_space<vmem>> -> memref<200x128xf32, #tpu.memory_space<vmem>>
      %dma_wait3A_85 = arith.constant 0 : i32
      %dma_wait3A_86 = tpu.memref_slice %arg11[%add3A_57, %dma_wait3A_85] : memref<10240x128xf32, #tpu.memory_space<vmem_shared>> -> memref<200x128xf32, #tpu.memory_space<vmem_shared>>
      %dma_wait3A_87 = arith.constant 0 : i32
      %dma_wait3A_88 = arith.constant 0 : i32
      %dma_wait3A_89 = tpu.memref_slice %arg10[%dma_wait3A_87, %dma_wait3A_88] : memref<200x128xf32, #tpu.memory_space<vmem>> -> memref<200x128xf32, #tpu.memory_space<vmem>>
      %dma_wait3A_90 = arith.constant 0 : i32
      %dma_wait3A_91 = tpu.memref_slice %arg11[%add3A_57, %dma_wait3A_90] : memref<10240x128xf32, #tpu.memory_space<vmem_shared>> -> memref<200x128xf32, #tpu.memory_space<vmem_shared>>
      tpu.wait_dma2 semaphore(%run_scoped3A : memref<!tpu.dma_semaphore, #tpu.memory_space<semaphore_mem>>) src(%dma_wait3A_91 : memref<200x128xf32, #tpu.memory_space<vmem_shared>>) dst(%dma_wait3A_89 : memref<200x128xf32, #tpu.memory_space<vmem>>)
      tpu.yield
    }) : () -> ()
    %add3A_58 = arith.constant 200 : i32
    %add3A_59 = arith.addi %multiple_of3A_47, %add3A_58 : i32
    "tpu.region"() ({
      %run_scoped3A = tpu.sem_alloc : memref<!tpu.dma_semaphore, #tpu.memory_space<semaphore_mem>>
      %dma_start3A_72 = arith.constant 0 : i32
      %dma_start3A_73 = arith.constant 0 : i32
      %dma_start3A_74 = tpu.memref_slice %arg10[%dma_start3A_72, %dma_start3A_73] : memref<200x128xf32, #tpu.memory_space<vmem>> -> memref<200x128xf32, #tpu.memory_space<vmem>>
      %dma_start3A_75 = arith.constant 0 : i32
      %dma_start3A_76 = tpu.memref_slice %arg5[%add3A_59, %dma_start3A_75] : memref<20480x128xf32, #tpu.memory_space<hbm>> -> memref<200x128xf32, #tpu.memory_space<hbm>>
      %dma_start3A_77 = arith.constant 0 : i32
      %dma_start3A_78 = tpu.memref_slice %arg5[%add3A_59, %dma_start3A_77] : memref<20480x128xf32, #tpu.memory_space<hbm>> -> memref<200x128xf32, #tpu.memory_space<hbm>>
      %dma_start3A_79 = arith.constant 0 : i32
      %dma_start3A_80 = arith.constant 0 : i32
      %dma_start3A_81 = tpu.memref_slice %arg10[%dma_start3A_79, %dma_start3A_80] : memref<200x128xf32, #tpu.memory_space<vmem>> -> memref<200x128xf32, #tpu.memory_space<vmem>>
      tpu.enqueue_dma source(%dma_start3A_81 : memref<200x128xf32, #tpu.memory_space<vmem>>) target(%dma_start3A_78 : memref<200x128xf32, #tpu.memory_space<hbm>>) target_semaphore(%run_scoped3A : memref<!tpu.dma_semaphore, #tpu.memory_space<semaphore_mem>>)
      %dma_wait3A_82 = arith.constant 0 : i32
      %dma_wait3A_83 = arith.constant 0 : i32
      %dma_wait3A_84 = tpu.memref_slice %arg10[%dma_wait3A_82, %dma_wait3A_83] : memref<200x128xf32, #tpu.memory_space<vmem>> -> memref<200x128xf32, #tpu.memory_space<vmem>>
      %dma_wait3A_85 = arith.constant 0 : i32
      %dma_wait3A_86 = tpu.memref_slice %arg5[%add3A_59, %dma_wait3A_85] : memref<20480x128xf32, #tpu.memory_space<hbm>> -> memref<200x128xf32, #tpu.memory_space<hbm>>
      %dma_wait3A_87 = arith.constant 0 : i32
      %dma_wait3A_88 = tpu.memref_slice %arg5[%add3A_59, %dma_wait3A_87] : memref<20480x128xf32, #tpu.memory_space<hbm>> -> memref<200x128xf32, #tpu.memory_space<hbm>>
      %dma_wait3A_89 = arith.constant 0 : i32
      %dma_wait3A_90 = arith.constant 0 : i32
      %dma_wait3A_91 = tpu.memref_slice %arg10[%dma_wait3A_89, %dma_wait3A_90] : memref<200x128xf32, #tpu.memory_space<vmem>> -> memref<200x128xf32, #tpu.memory_space<vmem>>
      tpu.wait_dma2 semaphore(%run_scoped3A : memref<!tpu.dma_semaphore, #tpu.memory_space<semaphore_mem>>) src(%dma_wait3A_91 : memref<200x128xf32, #tpu.memory_space<vmem>>) dst(%dma_wait3A_88 : memref<200x128xf32, #tpu.memory_space<hbm>>)
      tpu.yield
    }) : () -> ()
    %mul3A_60 = arith.constant 640 : i32
    %mul3A_61 = arith.muli %arg1, %mul3A_60 : i32
    %add3A_62 = arith.constant 400 : i32
    %add3A_63 = arith.addi %mul3A_61, %add3A_62 : i32
    "tpu.region"() ({
      %run_scoped3A = tpu.sem_alloc : memref<!tpu.dma_semaphore, #tpu.memory_space<semaphore_mem>>
      %dma_start3A_72 = arith.constant 0 : i32
      %dma_start3A_73 = arith.constant 0 : i32
      %dma_start3A_74 = tpu.memref_slice %arg10[%dma_start3A_72, %dma_start3A_73] : memref<200x128xf32, #tpu.memory_space<vmem>> -> memref<200x128xf32, #tpu.memory_space<vmem>>
      %dma_start3A_75 = arith.constant 0 : i32
      %dma_start3A_76 = tpu.memref_slice %arg11[%add3A_63, %dma_start3A_75] : memref<10240x128xf32, #tpu.memory_space<vmem_shared>> -> memref<200x128xf32, #tpu.memory_space<vmem_shared>>
      %dma_start3A_77 = arith.constant 0 : i32
      %dma_start3A_78 = arith.constant 0 : i32
      %dma_start3A_79 = tpu.memref_slice %arg10[%dma_start3A_77, %dma_start3A_78] : memref<200x128xf32, #tpu.memory_space<vmem>> -> memref<200x128xf32, #tpu.memory_space<vmem>>
      %dma_start3A_80 = arith.constant 0 : i32
      %dma_start3A_81 = tpu.memref_slice %arg11[%add3A_63, %dma_start3A_80] : memref<10240x128xf32, #tpu.memory_space<vmem_shared>> -> memref<200x128xf32, #tpu.memory_space<vmem_shared>>
      tpu.enqueue_dma source(%dma_start3A_81 : memref<200x128xf32, #tpu.memory_space<vmem_shared>>) target(%dma_start3A_79 : memref<200x128xf32, #tpu.memory_space<vmem>>) target_semaphore(%run_scoped3A : memref<!tpu.dma_semaphore, #tpu.memory_space<semaphore_mem>>)
      %dma_wait3A_82 = arith.constant 0 : i32
      %dma_wait3A_83 = arith.constant 0 : i32
      %dma_wait3A_84 = tpu.memref_slice %arg10[%dma_wait3A_82, %dma_wait3A_83] : memref<200x128xf32, #tpu.memory_space<vmem>> -> memref<200x128xf32, #tpu.memory_space<vmem>>
      %dma_wait3A_85 = arith.constant 0 : i32
      %dma_wait3A_86 = tpu.memref_slice %arg11[%add3A_63, %dma_wait3A_85] : memref<10240x128xf32, #tpu.memory_space<vmem_shared>> -> memref<200x128xf32, #tpu.memory_space<vmem_shared>>
      %dma_wait3A_87 = arith.constant 0 : i32
      %dma_wait3A_88 = arith.constant 0 : i32
      %dma_wait3A_89 = tpu.memref_slice %arg10[%dma_wait3A_87, %dma_wait3A_88] : memref<200x128xf32, #tpu.memory_space<vmem>> -> memref<200x128xf32, #tpu.memory_space<vmem>>
      %dma_wait3A_90 = arith.constant 0 : i32
      %dma_wait3A_91 = tpu.memref_slice %arg11[%add3A_63, %dma_wait3A_90] : memref<10240x128xf32, #tpu.memory_space<vmem_shared>> -> memref<200x128xf32, #tpu.memory_space<vmem_shared>>
      tpu.wait_dma2 semaphore(%run_scoped3A : memref<!tpu.dma_semaphore, #tpu.memory_space<semaphore_mem>>) src(%dma_wait3A_91 : memref<200x128xf32, #tpu.memory_space<vmem_shared>>) dst(%dma_wait3A_89 : memref<200x128xf32, #tpu.memory_space<vmem>>)
      tpu.yield
    }) : () -> ()
    %add3A_64 = arith.constant 400 : i32
    %add3A_65 = arith.addi %multiple_of3A_47, %add3A_64 : i32
    "tpu.region"() ({
      %run_scoped3A = tpu.sem_alloc : memref<!tpu.dma_semaphore, #tpu.memory_space<semaphore_mem>>
      %dma_start3A_72 = arith.constant 0 : i32
      %dma_start3A_73 = arith.constant 0 : i32
      %dma_start3A_74 = tpu.memref_slice %arg10[%dma_start3A_72, %dma_start3A_73] : memref<200x128xf32, #tpu.memory_space<vmem>> -> memref<200x128xf32, #tpu.memory_space<vmem>>
      %dma_start3A_75 = arith.constant 0 : i32
      %dma_start3A_76 = tpu.memref_slice %arg5[%add3A_65, %dma_start3A_75] : memref<20480x128xf32, #tpu.memory_space<hbm>> -> memref<200x128xf32, #tpu.memory_space<hbm>>
      %dma_start3A_77 = arith.constant 0 : i32
      %dma_start3A_78 = tpu.memref_slice %arg5[%add3A_65, %dma_start3A_77] : memref<20480x128xf32, #tpu.memory_space<hbm>> -> memref<200x128xf32, #tpu.memory_space<hbm>>
      %dma_start3A_79 = arith.constant 0 : i32
      %dma_start3A_80 = arith.constant 0 : i32
      %dma_start3A_81 = tpu.memref_slice %arg10[%dma_start3A_79, %dma_start3A_80] : memref<200x128xf32, #tpu.memory_space<vmem>> -> memref<200x128xf32, #tpu.memory_space<vmem>>
      tpu.enqueue_dma source(%dma_start3A_81 : memref<200x128xf32, #tpu.memory_space<vmem>>) target(%dma_start3A_78 : memref<200x128xf32, #tpu.memory_space<hbm>>) target_semaphore(%run_scoped3A : memref<!tpu.dma_semaphore, #tpu.memory_space<semaphore_mem>>)
      %dma_wait3A_82 = arith.constant 0 : i32
      %dma_wait3A_83 = arith.constant 0 : i32
      %dma_wait3A_84 = tpu.memref_slice %arg10[%dma_wait3A_82, %dma_wait3A_83] : memref<200x128xf32, #tpu.memory_space<vmem>> -> memref<200x128xf32, #tpu.memory_space<vmem>>
      %dma_wait3A_85 = arith.constant 0 : i32
      %dma_wait3A_86 = tpu.memref_slice %arg5[%add3A_65, %dma_wait3A_85] : memref<20480x128xf32, #tpu.memory_space<hbm>> -> memref<200x128xf32, #tpu.memory_space<hbm>>
      %dma_wait3A_87 = arith.constant 0 : i32
      %dma_wait3A_88 = tpu.memref_slice %arg5[%add3A_65, %dma_wait3A_87] : memref<20480x128xf32, #tpu.memory_space<hbm>> -> memref<200x128xf32, #tpu.memory_space<hbm>>
      %dma_wait3A_89 = arith.constant 0 : i32
      %dma_wait3A_90 = arith.constant 0 : i32
      %dma_wait3A_91 = tpu.memref_slice %arg10[%dma_wait3A_89, %dma_wait3A_90] : memref<200x128xf32, #tpu.memory_space<vmem>> -> memref<200x128xf32, #tpu.memory_space<vmem>>
      tpu.wait_dma2 semaphore(%run_scoped3A : memref<!tpu.dma_semaphore, #tpu.memory_space<semaphore_mem>>) src(%dma_wait3A_91 : memref<200x128xf32, #tpu.memory_space<vmem>>) dst(%dma_wait3A_88 : memref<200x128xf32, #tpu.memory_space<hbm>>)
      tpu.yield
    }) : () -> ()
    %mul3A_66 = arith.constant 640 : i32
    %mul3A_67 = arith.muli %arg1, %mul3A_66 : i32
    %add3A_68 = arith.constant 600 : i32
    %add3A_69 = arith.addi %mul3A_67, %add3A_68 : i32
    "tpu.region"() ({
      %run_scoped3A = tpu.sem_alloc : memref<!tpu.dma_semaphore, #tpu.memory_space<semaphore_mem>>
      %dma_start3A_72 = arith.constant 0 : i32
      %dma_start3A_73 = arith.constant 0 : i32
      %dma_start3A_74 = tpu.memref_slice %arg10[%dma_start3A_72, %dma_start3A_73] : memref<200x128xf32, #tpu.memory_space<vmem>> -> memref<40x128xf32, #tpu.memory_space<vmem>>
      %dma_start3A_75 = arith.constant 0 : i32
      %dma_start3A_76 = tpu.memref_slice %arg11[%add3A_69, %dma_start3A_75] : memref<10240x128xf32, #tpu.memory_space<vmem_shared>> -> memref<40x128xf32, #tpu.memory_space<vmem_shared>>
      %dma_start3A_77 = arith.constant 0 : i32
      %dma_start3A_78 = arith.constant 0 : i32
      %dma_start3A_79 = tpu.memref_slice %arg10[%dma_start3A_77, %dma_start3A_78] : memref<200x128xf32, #tpu.memory_space<vmem>> -> memref<40x128xf32, #tpu.memory_space<vmem>>
      %dma_start3A_80 = arith.constant 0 : i32
      %dma_start3A_81 = tpu.memref_slice %arg11[%add3A_69, %dma_start3A_80] : memref<10240x128xf32, #tpu.memory_space<vmem_shared>> -> memref<40x128xf32, #tpu.memory_space<vmem_shared>>
      tpu.enqueue_dma source(%dma_start3A_81 : memref<40x128xf32, #tpu.memory_space<vmem_shared>>) target(%dma_start3A_79 : memref<40x128xf32, #tpu.memory_space<vmem>>) target_semaphore(%run_scoped3A : memref<!tpu.dma_semaphore, #tpu.memory_space<semaphore_mem>>)
      %dma_wait3A_82 = arith.constant 0 : i32
      %dma_wait3A_83 = arith.constant 0 : i32
      %dma_wait3A_84 = tpu.memref_slice %arg10[%dma_wait3A_82, %dma_wait3A_83] : memref<200x128xf32, #tpu.memory_space<vmem>> -> memref<40x128xf32, #tpu.memory_space<vmem>>
      %dma_wait3A_85 = arith.constant 0 : i32
      %dma_wait3A_86 = tpu.memref_slice %arg11[%add3A_69, %dma_wait3A_85] : memref<10240x128xf32, #tpu.memory_space<vmem_shared>> -> memref<40x128xf32, #tpu.memory_space<vmem_shared>>
      %dma_wait3A_87 = arith.constant 0 : i32
      %dma_wait3A_88 = arith.constant 0 : i32
      %dma_wait3A_89 = tpu.memref_slice %arg10[%dma_wait3A_87, %dma_wait3A_88] : memref<200x128xf32, #tpu.memory_space<vmem>> -> memref<40x128xf32, #tpu.memory_space<vmem>>
      %dma_wait3A_90 = arith.constant 0 : i32
      %dma_wait3A_91 = tpu.memref_slice %arg11[%add3A_69, %dma_wait3A_90] : memref<10240x128xf32, #tpu.memory_space<vmem_shared>> -> memref<40x128xf32, #tpu.memory_space<vmem_shared>>
      tpu.wait_dma2 semaphore(%run_scoped3A : memref<!tpu.dma_semaphore, #tpu.memory_space<semaphore_mem>>) src(%dma_wait3A_91 : memref<40x128xf32, #tpu.memory_space<vmem_shared>>) dst(%dma_wait3A_89 : memref<40x128xf32, #tpu.memory_space<vmem>>)
      tpu.yield
    }) : () -> ()
    %add3A_70 = arith.constant 600 : i32
    %add3A_71 = arith.addi %multiple_of3A_47, %add3A_70 : i32
    "tpu.region"() ({
      %run_scoped3A = tpu.sem_alloc : memref<!tpu.dma_semaphore, #tpu.memory_space<semaphore_mem>>
      %dma_start3A_72 = arith.constant 0 : i32
      %dma_start3A_73 = arith.constant 0 : i32
      %dma_start3A_74 = tpu.memref_slice %arg10[%dma_start3A_72, %dma_start3A_73] : memref<200x128xf32, #tpu.memory_space<vmem>> -> memref<40x128xf32, #tpu.memory_space<vmem>>
      %dma_start3A_75 = arith.constant 0 : i32
      %dma_start3A_76 = tpu.memref_slice %arg5[%add3A_71, %dma_start3A_75] : memref<20480x128xf32, #tpu.memory_space<hbm>> -> memref<40x128xf32, #tpu.memory_space<hbm>>
      %dma_start3A_77 = arith.constant 0 : i32
      %dma_start3A_78 = tpu.memref_slice %arg5[%add3A_71, %dma_start3A_77] : memref<20480x128xf32, #tpu.memory_space<hbm>> -> memref<40x128xf32, #tpu.memory_space<hbm>>
      %dma_start3A_79 = arith.constant 0 : i32
      %dma_start3A_80 = arith.constant 0 : i32
      %dma_start3A_81 = tpu.memref_slice %arg10[%dma_start3A_79, %dma_start3A_80] : memref<200x128xf32, #tpu.memory_space<vmem>> -> memref<40x128xf32, #tpu.memory_space<vmem>>
      tpu.enqueue_dma source(%dma_start3A_81 : memref<40x128xf32, #tpu.memory_space<vmem>>) target(%dma_start3A_78 : memref<40x128xf32, #tpu.memory_space<hbm>>) target_semaphore(%run_scoped3A : memref<!tpu.dma_semaphore, #tpu.memory_space<semaphore_mem>>)
      %dma_wait3A_82 = arith.constant 0 : i32
      %dma_wait3A_83 = arith.constant 0 : i32
      %dma_wait3A_84 = tpu.memref_slice %arg10[%dma_wait3A_82, %dma_wait3A_83] : memref<200x128xf32, #tpu.memory_space<vmem>> -> memref<40x128xf32, #tpu.memory_space<vmem>>
      %dma_wait3A_85 = arith.constant 0 : i32
      %dma_wait3A_86 = tpu.memref_slice %arg5[%add3A_71, %dma_wait3A_85] : memref<20480x128xf32, #tpu.memory_space<hbm>> -> memref<40x128xf32, #tpu.memory_space<hbm>>
      %dma_wait3A_87 = arith.constant 0 : i32
      %dma_wait3A_88 = tpu.memref_slice %arg5[%add3A_71, %dma_wait3A_87] : memref<20480x128xf32, #tpu.memory_space<hbm>> -> memref<40x128xf32, #tpu.memory_space<hbm>>
      %dma_wait3A_89 = arith.constant 0 : i32
      %dma_wait3A_90 = arith.constant 0 : i32
      %dma_wait3A_91 = tpu.memref_slice %arg10[%dma_wait3A_89, %dma_wait3A_90] : memref<200x128xf32, #tpu.memory_space<vmem>> -> memref<40x128xf32, #tpu.memory_space<vmem>>
      tpu.wait_dma2 semaphore(%run_scoped3A : memref<!tpu.dma_semaphore, #tpu.memory_space<semaphore_mem>>) src(%dma_wait3A_91 : memref<40x128xf32, #tpu.memory_space<vmem>>) dst(%dma_wait3A_88 : memref<40x128xf32, #tpu.memory_space<hbm>>)
      tpu.yield
    }) : () -> ()
    return
  }
}

#map = affine_map<(d0, d1) -> (0, 0)>
#map1 = affine_map<(d0, d1) -> (0)>
module attributes {stable_mosaic.version = 14 : i64} {
  func.func @_agg_body(%arg0: i32, %arg1: i32, %arg2: memref<20000x128xf32, #tpu.memory_space<hbm>>, %arg3: memref<320000xi32, #tpu.memory_space<hbm>>, %arg4: memref<320000xi32, #tpu.memory_space<hbm>>, %arg5: memref<20480x128xf32, #tpu.memory_space<hbm>>, %arg6: memref<200xi32, #tpu.memory_space<vmem>>, %arg7: memref<200xi32, #tpu.memory_space<vmem>>, %arg8: memref<200xi32, #tpu.memory_space<vmem>>, %arg9: memref<200xi32, #tpu.memory_space<vmem>>, %arg10: memref<200x128xf32, #tpu.memory_space<vmem>>, %arg11: memref<10240x128xf32, #tpu.memory_space<vmem_shared>>, %arg12: memref<!tpu.dma_semaphore, #tpu.memory_space<semaphore_mem>>, %arg13: memref<!tpu.dma_semaphore, #tpu.memory_space<semaphore_mem>>) attributes {dimension_semantics = [#tpu.dimension_semantics<core_parallel>, #tpu.dimension_semantics<subcore_parallel>], iteration_bounds = array<i64: 2, 16>, scalar_prefetch = 0 : i64, scratch_operands = 8 : i64, tpu.core_type = #tpu.core_type<sc_vector_subcore>, window_params = [{transform_indices = #map}, {transform_indices = #map1}, {transform_indices = #map1}, {transform_indices = #map}]} {
    %broadcast_in_dim3A = arith.constant 0.000000e+00 : f32
    %broadcast_in_dim3A_0 = vector.broadcast %broadcast_in_dim3A : f32 to vector<16xf32>
    %scan3A = arith.constant 0 : i32
    %scan3A_1 = arith.constant 0 : i32
    %scan3A_2 = arith.constant 1600 : i32
    %scan3A_3 = arith.addi %scan3A_1, %scan3A_2 : i32
    %scan3A_4 = arith.constant 1 : i32
    scf.for %scan3A_72 = %scan3A_1 to %scan3A_3 step %scan3A_4  : i32 {
      %jit3A = arith.constant 8 : i32
      %div3A = arith.divsi %scan3A_72, %jit3A : i32
      %sign3A = arith.constant 0 : i32
      %sign3A_73 = arith.cmpi sgt, %scan3A_72, %sign3A : i32
      %sign3A_74 = arith.extui %sign3A_73 : i1 to i32
      %sign3A_75 = arith.constant 0 : i32
      %sign3A_76 = arith.cmpi slt, %scan3A_72, %sign3A_75 : i32
      %sign3A_77 = arith.extui %sign3A_76 : i1 to i32
      %sign3A_78 = arith.subi %sign3A_74, %sign3A_77 : i32
      %sign3A_79 = arith.constant 0 : i32
      %sign3A_80 = arith.cmpi sgt, %jit3A, %sign3A_79 : i32
      %sign3A_81 = arith.extui %sign3A_80 : i1 to i32
      %sign3A_82 = arith.constant 0 : i32
      %sign3A_83 = arith.cmpi slt, %jit3A, %sign3A_82 : i32
      %sign3A_84 = arith.extui %sign3A_83 : i1 to i32
      %sign3A_85 = arith.subi %sign3A_81, %sign3A_84 : i32
      %ne3A = arith.cmpi ne, %sign3A_78, %sign3A_85 : i32
      %rem3A = arith.remsi %scan3A_72, %jit3A : i32
      %ne3A_86 = arith.constant 0 : i32
      %ne3A_87 = arith.cmpi ne, %rem3A, %ne3A_86 : i32
      %and3A = arith.andi %ne3A, %ne3A_87 : i1
      %sub3A = arith.constant 1 : i32
      %sub3A_88 = arith.subi %div3A, %sub3A : i32
      %select_n3A = arith.select %and3A, %sub3A_88, %div3A : i32
      %jit3A_89 = arith.constant 8 : i32
      %eq3A = arith.constant 0 : i32
      %eq3A_90 = arith.cmpi eq, %jit3A_89, %eq3A : i32
      %jit3A_91 = arith.constant 1 : i32
      %select_n3A_92 = arith.select %eq3A_90, %jit3A_91, %jit3A_89 : i32
      %rem3A_93 = arith.remsi %scan3A_72, %select_n3A_92 : i32
      %ne3A_94 = arith.constant 0 : i32
      %ne3A_95 = arith.cmpi ne, %rem3A_93, %ne3A_94 : i32
      %lt3A = arith.constant 0 : i32
      %lt3A_96 = arith.cmpi slt, %rem3A_93, %lt3A : i32
      %lt3A_97 = arith.constant 0 : i32
      %lt3A_98 = arith.cmpi slt, %select_n3A_92, %lt3A_97 : i32
      %ne3A_99 = arith.xori %lt3A_96, %lt3A_98 : i1
      %and3A_100 = arith.andi %ne3A_99, %ne3A_95 : i1
      %add3A_101 = arith.addi %rem3A_93, %select_n3A_92 : i32
      %select_n3A_102 = arith.select %and3A_100, %add3A_101, %rem3A_93 : i32
      %mul3A_103 = arith.constant 16 : i32
      %mul3A_104 = arith.muli %select_n3A_102, %mul3A_103 : i32
      %swap3A = arith.index_cast %select_n3A : i32 to index
      %swap3A_105 = arith.index_cast %mul3A_104 : i32 to index
      %swap3A_106 = tpu.vector_load %arg10[%swap3A, %swap3A_105] {strides = array<i32>} : memref<200x128xf32, #tpu.memory_space<vmem>>, vector<1x16xf32>,
      %swap3A_107 = vector.shape_cast %swap3A_106 : vector<1x16xf32> to vector<16xf32>
      %swap3A_108 = vector.shape_cast %broadcast_in_dim3A_0 : vector<16xf32> to vector<1x16xf32>
      tpu.vector_store %arg10[%swap3A, %swap3A_105], %swap3A_108 {strides = array<i32>} : memref<200x128xf32, #tpu.memory_space<vmem>>, vector<1x16xf32>,
    }
    %scan3A_5 = arith.constant 1600 : i32
    %mul3A = arith.constant 640 : i32
    %mul3A_6 = arith.muli %arg1, %mul3A : i32
    %add3A = arith.constant 0 : i32
    %add3A_7 = arith.addi %mul3A_6, %add3A : i32
    "tpu.region"() ({
      %run_scoped3A = tpu.sem_alloc : memref<!tpu.dma_semaphore, #tpu.memory_space<semaphore_mem>>
      %dma_start3A_72 = arith.constant 0 : i32
      %dma_start3A_73 = arith.constant 0 : i32
      %dma_start3A_74 = tpu.memref_slice %arg10[%dma_start3A_72, %dma_start3A_73] : memref<200x128xf32, #tpu.memory_space<vmem>> -> memref<200x128xf32, #tpu.memory_space<vmem>>
      %dma_start3A_75 = arith.constant 0 : i32
      %dma_start3A_76 = tpu.memref_slice %arg11[%add3A_7, %dma_start3A_75] : memref<10240x128xf32, #tpu.memory_space<vmem_shared>> -> memref<200x128xf32, #tpu.memory_space<vmem_shared>>
      %dma_start3A_77 = arith.constant 0 : i32
      %dma_start3A_78 = tpu.memref_slice %arg11[%add3A_7, %dma_start3A_77] : memref<10240x128xf32, #tpu.memory_space<vmem_shared>> -> memref<200x128xf32, #tpu.memory_space<vmem_shared>>
      %dma_start3A_79 = arith.constant 0 : i32
      %dma_start3A_80 = arith.constant 0 : i32
      %dma_start3A_81 = tpu.memref_slice %arg10[%dma_start3A_79, %dma_start3A_80] : memref<200x128xf32, #tpu.memory_space<vmem>> -> memref<200x128xf32, #tpu.memory_space<vmem>>
      tpu.enqueue_dma source(%dma_start3A_81 : memref<200x128xf32, #tpu.memory_space<vmem>>) target(%dma_start3A_78 : memref<200x128xf32, #tpu.memory_space<vmem_shared>>) target_semaphore(%run_scoped3A : memref<!tpu.dma_semaphore, #tpu.memory_space<semaphore_mem>>)
      %dma_wait3A_82 = arith.constant 0 : i32
      %dma_wait3A_83 = arith.constant 0 : i32
      %dma_wait3A_84 = tpu.memref_slice %arg10[%dma_wait3A_82, %dma_wait3A_83] : memref<200x128xf32, #tpu.memory_space<vmem>> -> memref<200x128xf32, #tpu.memory_space<vmem>>
      %dma_wait3A_85 = arith.constant 0 : i32
      %dma_wait3A_86 = tpu.memref_slice %arg11[%add3A_7, %dma_wait3A_85] : memref<10240x128xf32, #tpu.memory_space<vmem_shared>> -> memref<200x128xf32, #tpu.memory_space<vmem_shared>>
      %dma_wait3A_87 = arith.constant 0 : i32
      %dma_wait3A_88 = tpu.memref_slice %arg11[%add3A_7, %dma_wait3A_87] : memref<10240x128xf32, #tpu.memory_space<vmem_shared>> -> memref<200x128xf32, #tpu.memory_space<vmem_shared>>
      %dma_wait3A_89 = arith.constant 0 : i32
      %dma_wait3A_90 = arith.constant 0 : i32
      %dma_wait3A_91 = tpu.memref_slice %arg10[%dma_wait3A_89, %dma_wait3A_90] : memref<200x128xf32, #tpu.memory_space<vmem>> -> memref<200x128xf32, #tpu.memory_space<vmem>>
      tpu.wait_dma2 semaphore(%run_scoped3A : memref<!tpu.dma_semaphore, #tpu.memory_space<semaphore_mem>>) src(%dma_wait3A_91 : memref<200x128xf32, #tpu.memory_space<vmem>>) dst(%dma_wait3A_88 : memref<200x128xf32, #tpu.memory_space<vmem_shared>>)
      tpu.yield
    }) : () -> ()
    %mul3A_8 = arith.constant 640 : i32
    %mul3A_9 = arith.muli %arg1, %mul3A_8 : i32
    %add3A_10 = arith.constant 200 : i32
    %add3A_11 = arith.addi %mul3A_9, %add3A_10 : i32
    "tpu.region"() ({
      %run_scoped3A = tpu.sem_alloc : memref<!tpu.dma_semaphore, #tpu.memory_space<semaphore_mem>>
      %dma_start3A_72 = arith.constant 0 : i32
      %dma_start3A_73 = arith.constant 0 : i32
      %dma_start3A_74 = tpu.memref_slice %arg10[%dma_start3A_72, %dma_start3A_73] : memref<200x128xf32, #tpu.memory_space<vmem>> -> memref<200x128xf32, #tpu.memory_space<vmem>>
      %dma_start3A_75 = arith.constant 0 : i32
      %dma_start3A_76 = tpu.memref_slice %arg11[%add3A_11, %dma_start3A_75] : memref<10240x128xf32, #tpu.memory_space<vmem_shared>> -> memref<200x128xf32, #tpu.memory_space<vmem_shared>>
      %dma_start3A_77 = arith.constant 0 : i32
      %dma_start3A_78 = tpu.memref_slice %arg11[%add3A_11, %dma_start3A_77] : memref<10240x128xf32, #tpu.memory_space<vmem_shared>> -> memref<200x128xf32, #tpu.memory_space<vmem_shared>>
      %dma_start3A_79 = arith.constant 0 : i32
      %dma_start3A_80 = arith.constant 0 : i32
      %dma_start3A_81 = tpu.memref_slice %arg10[%dma_start3A_79, %dma_start3A_80] : memref<200x128xf32, #tpu.memory_space<vmem>> -> memref<200x128xf32, #tpu.memory_space<vmem>>
      tpu.enqueue_dma source(%dma_start3A_81 : memref<200x128xf32, #tpu.memory_space<vmem>>) target(%dma_start3A_78 : memref<200x128xf32, #tpu.memory_space<vmem_shared>>) target_semaphore(%run_scoped3A : memref<!tpu.dma_semaphore, #tpu.memory_space<semaphore_mem>>)
      %dma_wait3A_82 = arith.constant 0 : i32
      %dma_wait3A_83 = arith.constant 0 : i32
      %dma_wait3A_84 = tpu.memref_slice %arg10[%dma_wait3A_82, %dma_wait3A_83] : memref<200x128xf32, #tpu.memory_space<vmem>> -> memref<200x128xf32, #tpu.memory_space<vmem>>
      %dma_wait3A_85 = arith.constant 0 : i32
      %dma_wait3A_86 = tpu.memref_slice %arg11[%add3A_11, %dma_wait3A_85] : memref<10240x128xf32, #tpu.memory_space<vmem_shared>> -> memref<200x128xf32, #tpu.memory_space<vmem_shared>>
      %dma_wait3A_87 = arith.constant 0 : i32
      %dma_wait3A_88 = tpu.memref_slice %arg11[%add3A_11, %dma_wait3A_87] : memref<10240x128xf32, #tpu.memory_space<vmem_shared>> -> memref<200x128xf32, #tpu.memory_space<vmem_shared>>
      %dma_wait3A_89 = arith.constant 0 : i32
      %dma_wait3A_90 = arith.constant 0 : i32
      %dma_wait3A_91 = tpu.memref_slice %arg10[%dma_wait3A_89, %dma_wait3A_90] : memref<200x128xf32, #tpu.memory_space<vmem>> -> memref<200x128xf32, #tpu.memory_space<vmem>>
      tpu.wait_dma2 semaphore(%run_scoped3A : memref<!tpu.dma_semaphore, #tpu.memory_space<semaphore_mem>>) src(%dma_wait3A_91 : memref<200x128xf32, #tpu.memory_space<vmem>>) dst(%dma_wait3A_88 : memref<200x128xf32, #tpu.memory_space<vmem_shared>>)
      tpu.yield
    }) : () -> ()
    %mul3A_12 = arith.constant 640 : i32
    %mul3A_13 = arith.muli %arg1, %mul3A_12 : i32
    %add3A_14 = arith.constant 400 : i32
    %add3A_15 = arith.addi %mul3A_13, %add3A_14 : i32
    "tpu.region"() ({
      %run_scoped3A = tpu.sem_alloc : memref<!tpu.dma_semaphore, #tpu.memory_space<semaphore_mem>>
      %dma_start3A_72 = arith.constant 0 : i32
      %dma_start3A_73 = arith.constant 0 : i32
      %dma_start3A_74 = tpu.memref_slice %arg10[%dma_start3A_72, %dma_start3A_73] : memref<200x128xf32, #tpu.memory_space<vmem>> -> memref<200x128xf32, #tpu.memory_space<vmem>>
      %dma_start3A_75 = arith.constant 0 : i32
      %dma_start3A_76 = tpu.memref_slice %arg11[%add3A_15, %dma_start3A_75] : memref<10240x128xf32, #tpu.memory_space<vmem_shared>> -> memref<200x128xf32, #tpu.memory_space<vmem_shared>>
      %dma_start3A_77 = arith.constant 0 : i32
      %dma_start3A_78 = tpu.memref_slice %arg11[%add3A_15, %dma_start3A_77] : memref<10240x128xf32, #tpu.memory_space<vmem_shared>> -> memref<200x128xf32, #tpu.memory_space<vmem_shared>>
      %dma_start3A_79 = arith.constant 0 : i32
      %dma_start3A_80 = arith.constant 0 : i32
      %dma_start3A_81 = tpu.memref_slice %arg10[%dma_start3A_79, %dma_start3A_80] : memref<200x128xf32, #tpu.memory_space<vmem>> -> memref<200x128xf32, #tpu.memory_space<vmem>>
      tpu.enqueue_dma source(%dma_start3A_81 : memref<200x128xf32, #tpu.memory_space<vmem>>) target(%dma_start3A_78 : memref<200x128xf32, #tpu.memory_space<vmem_shared>>) target_semaphore(%run_scoped3A : memref<!tpu.dma_semaphore, #tpu.memory_space<semaphore_mem>>)
      %dma_wait3A_82 = arith.constant 0 : i32
      %dma_wait3A_83 = arith.constant 0 : i32
      %dma_wait3A_84 = tpu.memref_slice %arg10[%dma_wait3A_82, %dma_wait3A_83] : memref<200x128xf32, #tpu.memory_space<vmem>> -> memref<200x128xf32, #tpu.memory_space<vmem>>
      %dma_wait3A_85 = arith.constant 0 : i32
      %dma_wait3A_86 = tpu.memref_slice %arg11[%add3A_15, %dma_wait3A_85] : memref<10240x128xf32, #tpu.memory_space<vmem_shared>> -> memref<200x128xf32, #tpu.memory_space<vmem_shared>>
      %dma_wait3A_87 = arith.constant 0 : i32
      %dma_wait3A_88 = tpu.memref_slice %arg11[%add3A_15, %dma_wait3A_87] : memref<10240x128xf32, #tpu.memory_space<vmem_shared>> -> memref<200x128xf32, #tpu.memory_space<vmem_shared>>
      %dma_wait3A_89 = arith.constant 0 : i32
      %dma_wait3A_90 = arith.constant 0 : i32
      %dma_wait3A_91 = tpu.memref_slice %arg10[%dma_wait3A_89, %dma_wait3A_90] : memref<200x128xf32, #tpu.memory_space<vmem>> -> memref<200x128xf32, #tpu.memory_space<vmem>>
      tpu.wait_dma2 semaphore(%run_scoped3A : memref<!tpu.dma_semaphore, #tpu.memory_space<semaphore_mem>>) src(%dma_wait3A_91 : memref<200x128xf32, #tpu.memory_space<vmem>>) dst(%dma_wait3A_88 : memref<200x128xf32, #tpu.memory_space<vmem_shared>>)
      tpu.yield
    }) : () -> ()
    %mul3A_16 = arith.constant 640 : i32
    %mul3A_17 = arith.muli %arg1, %mul3A_16 : i32
    %add3A_18 = arith.constant 600 : i32
    %add3A_19 = arith.addi %mul3A_17, %add3A_18 : i32
    "tpu.region"() ({
      %run_scoped3A = tpu.sem_alloc : memref<!tpu.dma_semaphore, #tpu.memory_space<semaphore_mem>>
      %dma_start3A_72 = arith.constant 0 : i32
      %dma_start3A_73 = arith.constant 0 : i32
      %dma_start3A_74 = tpu.memref_slice %arg10[%dma_start3A_72, %dma_start3A_73] : memref<200x128xf32, #tpu.memory_space<vmem>> -> memref<40x128xf32, #tpu.memory_space<vmem>>
      %dma_start3A_75 = arith.constant 0 : i32
      %dma_start3A_76 = tpu.memref_slice %arg11[%add3A_19, %dma_start3A_75] : memref<10240x128xf32, #tpu.memory_space<vmem_shared>> -> memref<40x128xf32, #tpu.memory_space<vmem_shared>>
      %dma_start3A_77 = arith.constant 0 : i32
      %dma_start3A_78 = tpu.memref_slice %arg11[%add3A_19, %dma_start3A_77] : memref<10240x128xf32, #tpu.memory_space<vmem_shared>> -> memref<40x128xf32, #tpu.memory_space<vmem_shared>>
      %dma_start3A_79 = arith.constant 0 : i32
      %dma_start3A_80 = arith.constant 0 : i32
      %dma_start3A_81 = tpu.memref_slice %arg10[%dma_start3A_79, %dma_start3A_80] : memref<200x128xf32, #tpu.memory_space<vmem>> -> memref<40x128xf32, #tpu.memory_space<vmem>>
      tpu.enqueue_dma source(%dma_start3A_81 : memref<40x128xf32, #tpu.memory_space<vmem>>) target(%dma_start3A_78 : memref<40x128xf32, #tpu.memory_space<vmem_shared>>) target_semaphore(%run_scoped3A : memref<!tpu.dma_semaphore, #tpu.memory_space<semaphore_mem>>)
      %dma_wait3A_82 = arith.constant 0 : i32
      %dma_wait3A_83 = arith.constant 0 : i32
      %dma_wait3A_84 = tpu.memref_slice %arg10[%dma_wait3A_82, %dma_wait3A_83] : memref<200x128xf32, #tpu.memory_space<vmem>> -> memref<40x128xf32, #tpu.memory_space<vmem>>
      %dma_wait3A_85 = arith.constant 0 : i32
      %dma_wait3A_86 = tpu.memref_slice %arg11[%add3A_19, %dma_wait3A_85] : memref<10240x128xf32, #tpu.memory_space<vmem_shared>> -> memref<40x128xf32, #tpu.memory_space<vmem_shared>>
      %dma_wait3A_87 = arith.constant 0 : i32
      %dma_wait3A_88 = tpu.memref_slice %arg11[%add3A_19, %dma_wait3A_87] : memref<10240x128xf32, #tpu.memory_space<vmem_shared>> -> memref<40x128xf32, #tpu.memory_space<vmem_shared>>
      %dma_wait3A_89 = arith.constant 0 : i32
      %dma_wait3A_90 = arith.constant 0 : i32
      %dma_wait3A_91 = tpu.memref_slice %arg10[%dma_wait3A_89, %dma_wait3A_90] : memref<200x128xf32, #tpu.memory_space<vmem>> -> memref<40x128xf32, #tpu.memory_space<vmem>>
      tpu.wait_dma2 semaphore(%run_scoped3A : memref<!tpu.dma_semaphore, #tpu.memory_space<semaphore_mem>>) src(%dma_wait3A_91 : memref<40x128xf32, #tpu.memory_space<vmem>>) dst(%dma_wait3A_88 : memref<40x128xf32, #tpu.memory_space<vmem_shared>>)
      tpu.yield
    }) : () -> ()
    %barrier3A = arith.constant 0 : index
    tpu.barrier barrier_id(%barrier3A)
    %mul3A_20 = arith.constant 16 : i32
    %mul3A_21 = arith.muli %arg0, %mul3A_20 : i32
    %add3A_22 = arith.addi %mul3A_21, %arg1 : i32
    %mul3A_23 = arith.constant 10000 : i32
    %mul3A_24 = arith.muli %add3A_22, %mul3A_23 : i32
    %multiple_of3A = tpu.assume_multiple %mul3A_24, 8 : i32
    %dma_start3A = tpu.memref_slice %arg3[%multiple_of3A] : memref<320000xi32, #tpu.memory_space<hbm>> -> memref<200xi32, #tpu.memory_space<hbm>>
    %dma_start3A_25 = tpu.memref_slice %arg3[%multiple_of3A] : memref<320000xi32, #tpu.memory_space<hbm>> -> memref<200xi32, #tpu.memory_space<hbm>>
    tpu.enqueue_dma source(%dma_start3A_25 : memref<200xi32, #tpu.memory_space<hbm>>) target(%arg6 : memref<200xi32, #tpu.memory_space<vmem>>) target_semaphore(%arg12 : memref<!tpu.dma_semaphore, #tpu.memory_space<semaphore_mem>>)
    %dma_start3A_26 = tpu.memref_slice %arg4[%multiple_of3A] : memref<320000xi32, #tpu.memory_space<hbm>> -> memref<200xi32, #tpu.memory_space<hbm>>
    %dma_start3A_27 = tpu.memref_slice %arg4[%multiple_of3A] : memref<320000xi32, #tpu.memory_space<hbm>> -> memref<200xi32, #tpu.memory_space<hbm>>
    tpu.enqueue_dma source(%dma_start3A_27 : memref<200xi32, #tpu.memory_space<hbm>>) target(%arg7 : memref<200xi32, #tpu.memory_space<vmem>>) target_semaphore(%arg12 : memref<!tpu.dma_semaphore, #tpu.memory_space<semaphore_mem>>)
    %scan3A_28 = arith.constant 0 : i32
    %scan3A_29 = arith.constant 0 : i32
    %scan3A_30 = arith.constant 25 : i32
    %scan3A_31 = arith.addi %scan3A_29, %scan3A_30 : i32
    %scan3A_32 = arith.constant 1 : i32
    scf.for %scan3A_72 = %scan3A_29 to %scan3A_31 step %scan3A_32  : i32 {
      %mul3A_73 = arith.constant 2 : i32
      %mul3A_74 = arith.muli %mul3A_73, %scan3A_72 : i32
      %add3A_75 = arith.constant 1 : i32
      %add3A_76 = arith.addi %mul3A_74, %add3A_75 : i32
      %mul3A_77 = arith.constant 200 : i32
      %mul3A_78 = arith.muli %add3A_76, %mul3A_77 : i32
      %add3A_79 = arith.addi %mul3A_24, %mul3A_78 : i32
      %multiple_of3A_80 = tpu.assume_multiple %add3A_79, 8 : i32
      %mul3A_81 = arith.constant 2 : i32
      %mul3A_82 = arith.muli %mul3A_81, %scan3A_72 : i32
      %add3A_83 = arith.constant 2 : i32
      %add3A_84 = arith.addi %mul3A_82, %add3A_83 : i32
      %jit3A = arith.constant 50 : i32
      %eq3A = arith.constant 0 : i32
      %eq3A_85 = arith.cmpi eq, %jit3A, %eq3A : i32
      %jit3A_86 = arith.constant 1 : i32
      %select_n3A = arith.select %eq3A_85, %jit3A_86, %jit3A : i32
      %rem3A = arith.remsi %add3A_84, %select_n3A : i32
      %ne3A = arith.constant 0 : i32
      %ne3A_87 = arith.cmpi ne, %rem3A, %ne3A : i32
      %lt3A = arith.constant 0 : i32
      %lt3A_88 = arith.cmpi slt, %rem3A, %lt3A : i32
      %lt3A_89 = arith.constant 0 : i32
      %lt3A_90 = arith.cmpi slt, %select_n3A, %lt3A_89 : i32
      %ne3A_91 = arith.xori %lt3A_88, %lt3A_90 : i1
      %and3A = arith.andi %ne3A_91, %ne3A_87 : i1
      %add3A_92 = arith.addi %rem3A, %select_n3A : i32
      %select_n3A_93 = arith.select %and3A, %add3A_92, %rem3A : i32
      %mul3A_94 = arith.constant 200 : i32
      %mul3A_95 = arith.muli %select_n3A_93, %mul3A_94 : i32
      %add3A_96 = arith.addi %mul3A_24, %mul3A_95 : i32
      %multiple_of3A_97 = tpu.assume_multiple %add3A_96, 8 : i32
      %dma_wait3A_98 = arith.constant 0 : i32
      %dma_wait3A_99 = tpu.memref_slice %arg3[%dma_wait3A_98] : memref<320000xi32, #tpu.memory_space<hbm>> -> memref<200xi32, #tpu.memory_space<hbm>>
      %dma_wait3A_100 = arith.constant 0 : i32
      %dma_wait3A_101 = tpu.memref_slice %arg3[%dma_wait3A_100] : memref<320000xi32, #tpu.memory_space<hbm>> -> memref<200xi32, #tpu.memory_space<hbm>>
      tpu.wait_dma2 semaphore(%arg12 : memref<!tpu.dma_semaphore, #tpu.memory_space<semaphore_mem>>) src(%dma_wait3A_101 : memref<200xi32, #tpu.memory_space<hbm>>) dst(%arg6 : memref<200xi32, #tpu.memory_space<vmem>>)
      %dma_wait3A_102 = arith.constant 0 : i32
      %dma_wait3A_103 = tpu.memref_slice %arg3[%dma_wait3A_102] : memref<320000xi32, #tpu.memory_space<hbm>> -> memref<200xi32, #tpu.memory_space<hbm>>
      %dma_wait3A_104 = arith.constant 0 : i32
      %dma_wait3A_105 = tpu.memref_slice %arg3[%dma_wait3A_104] : memref<320000xi32, #tpu.memory_space<hbm>> -> memref<200xi32, #tpu.memory_space<hbm>>
      tpu.wait_dma2 semaphore(%arg12 : memref<!tpu.dma_semaphore, #tpu.memory_space<semaphore_mem>>) src(%dma_wait3A_105 : memref<200xi32, #tpu.memory_space<hbm>>) dst(%arg7 : memref<200xi32, #tpu.memory_space<vmem>>)
      %dma_start3A_106 = tpu.memref_slice %arg3[%multiple_of3A_80] : memref<320000xi32, #tpu.memory_space<hbm>> -> memref<200xi32, #tpu.memory_space<hbm>>
      %dma_start3A_107 = tpu.memref_slice %arg3[%multiple_of3A_80] : memref<320000xi32, #tpu.memory_space<hbm>> -> memref<200xi32, #tpu.memory_space<hbm>>
      tpu.enqueue_dma source(%dma_start3A_107 : memref<200xi32, #tpu.memory_space<hbm>>) target(%arg8 : memref<200xi32, #tpu.memory_space<vmem>>) target_semaphore(%arg13 : memref<!tpu.dma_semaphore, #tpu.memory_space<semaphore_mem>>)
      %dma_start3A_108 = tpu.memref_slice %arg4[%multiple_of3A_80] : memref<320000xi32, #tpu.memory_space<hbm>> -> memref<200xi32, #tpu.memory_space<hbm>>
      %dma_start3A_109 = tpu.memref_slice %arg4[%multiple_of3A_80] : memref<320000xi32, #tpu.memory_space<hbm>> -> memref<200xi32, #tpu.memory_space<hbm>>
      tpu.enqueue_dma source(%dma_start3A_109 : memref<200xi32, #tpu.memory_space<hbm>>) target(%arg9 : memref<200xi32, #tpu.memory_space<vmem>>) target_semaphore(%arg13 : memref<!tpu.dma_semaphore, #tpu.memory_space<semaphore_mem>>)
      "tpu.region"() ({
        %run_scoped3A = tpu.sem_alloc : memref<!tpu.dma_semaphore, #tpu.memory_space<semaphore_mem>>
        %dma_start3A_122 = arith.constant 0 : i32
        %dma_start3A_123 = arith.constant 0 : i32
        %dma_start3A_124 = tpu.memref_slice %arg2[%dma_start3A_122, %dma_start3A_123] : memref<20000x128xf32, #tpu.memory_space<hbm>> -> memref<20000x128xf32, #tpu.memory_space<hbm>>
        tpu.enqueue_indirect_dma source(%dma_start3A_124 : memref<20000x128xf32, #tpu.memory_space<hbm>>) target(%arg10 : memref<200x128xf32, #tpu.memory_space<vmem>>) offsets(%arg6 : memref<200xi32, #tpu.memory_space<vmem>>) semaphore(%run_scoped3A : memref<!tpu.dma_semaphore, #tpu.memory_space<semaphore_mem>>)
        %dma_wait3A_125 = arith.constant 0 : i32
        %dma_wait3A_126 = arith.constant 0 : i32
        %dma_wait3A_127 = tpu.memref_slice %arg2[%dma_wait3A_125, %dma_wait3A_126] : memref<20000x128xf32, #tpu.memory_space<hbm>> -> memref<20000x128xf32, #tpu.memory_space<hbm>>
        tpu.wait_indirect_dma semaphore(%run_scoped3A : memref<!tpu.dma_semaphore, #tpu.memory_space<semaphore_mem>>) src(%dma_wait3A_127 : memref<20000x128xf32, #tpu.memory_space<hbm>>) dst(%arg10 : memref<200x128xf32, #tpu.memory_space<vmem>>)
        tpu.yield
      }) : () -> ()
      "tpu.region"() ({
        %run_scoped3A = tpu.sem_alloc : memref<!tpu.dma_semaphore, #tpu.memory_space<semaphore_mem>>
        %dma_start3A_122 = arith.constant 0 : i32
        %dma_start3A_123 = arith.constant 0 : i32
        %dma_start3A_124 = tpu.memref_slice %arg11[%dma_start3A_122, %dma_start3A_123] : memref<10240x128xf32, #tpu.memory_space<vmem_shared>> -> memref<10240x128xf32, #tpu.memory_space<vmem_shared>>
        tpu.enqueue_indirect_dma source(%arg10 : memref<200x128xf32, #tpu.memory_space<vmem>>) target(%dma_start3A_124 : memref<10240x128xf32, #tpu.memory_space<vmem_shared>>) offsets(%arg7 : memref<200xi32, #tpu.memory_space<vmem>>) semaphore(%run_scoped3A : memref<!tpu.dma_semaphore, #tpu.memory_space<semaphore_mem>>) {add = true}
        %dma_wait3A_125 = arith.constant 0 : i32
        %dma_wait3A_126 = arith.constant 0 : i32
        %dma_wait3A_127 = tpu.memref_slice %arg11[%dma_wait3A_125, %dma_wait3A_126] : memref<10240x128xf32, #tpu.memory_space<vmem_shared>> -> memref<10240x128xf32, #tpu.memory_space<vmem_shared>>
        tpu.wait_indirect_dma semaphore(%run_scoped3A : memref<!tpu.dma_semaphore, #tpu.memory_space<semaphore_mem>>) src(%arg10 : memref<200x128xf32, #tpu.memory_space<vmem>>) dst(%dma_wait3A_127 : memref<10240x128xf32, #tpu.memory_space<vmem_shared>>)
        tpu.yield
      }) : () -> ()
      %dma_wait3A_110 = arith.constant 0 : i32
      %dma_wait3A_111 = tpu.memref_slice %arg3[%dma_wait3A_110] : memref<320000xi32, #tpu.memory_space<hbm>> -> memref<200xi32, #tpu.memory_space<hbm>>
      %dma_wait3A_112 = arith.constant 0 : i32
      %dma_wait3A_113 = tpu.memref_slice %arg3[%dma_wait3A_112] : memref<320000xi32, #tpu.memory_space<hbm>> -> memref<200xi32, #tpu.memory_space<hbm>>
      tpu.wait_dma2 semaphore(%arg13 : memref<!tpu.dma_semaphore, #tpu.memory_space<semaphore_mem>>) src(%dma_wait3A_113 : memref<200xi32, #tpu.memory_space<hbm>>) dst(%arg8 : memref<200xi32, #tpu.memory_space<vmem>>)
      %dma_wait3A_114 = arith.constant 0 : i32
      %dma_wait3A_115 = tpu.memref_slice %arg3[%dma_wait3A_114] : memref<320000xi32, #tpu.memory_space<hbm>> -> memref<200xi32, #tpu.memory_space<hbm>>
      %dma_wait3A_116 = arith.constant 0 : i32
      %dma_wait3A_117 = tpu.memref_slice %arg3[%dma_wait3A_116] : memref<320000xi32, #tpu.memory_space<hbm>> -> memref<200xi32, #tpu.memory_space<hbm>>
      tpu.wait_dma2 semaphore(%arg13 : memref<!tpu.dma_semaphore, #tpu.memory_space<semaphore_mem>>) src(%dma_wait3A_117 : memref<200xi32, #tpu.memory_space<hbm>>) dst(%arg9 : memref<200xi32, #tpu.memory_space<vmem>>)
      %dma_start3A_118 = tpu.memref_slice %arg3[%multiple_of3A_97] : memref<320000xi32, #tpu.memory_space<hbm>> -> memref<200xi32, #tpu.memory_space<hbm>>
      %dma_start3A_119 = tpu.memref_slice %arg3[%multiple_of3A_97] : memref<320000xi32, #tpu.memory_space<hbm>> -> memref<200xi32, #tpu.memory_space<hbm>>
      tpu.enqueue_dma source(%dma_start3A_119 : memref<200xi32, #tpu.memory_space<hbm>>) target(%arg6 : memref<200xi32, #tpu.memory_space<vmem>>) target_semaphore(%arg12 : memref<!tpu.dma_semaphore, #tpu.memory_space<semaphore_mem>>)
      %dma_start3A_120 = tpu.memref_slice %arg4[%multiple_of3A_97] : memref<320000xi32, #tpu.memory_space<hbm>> -> memref<200xi32, #tpu.memory_space<hbm>>
      %dma_start3A_121 = tpu.memref_slice %arg4[%multiple_of3A_97] : memref<320000xi32, #tpu.memory_space<hbm>> -> memref<200xi32, #tpu.memory_space<hbm>>
      tpu.enqueue_dma source(%dma_start3A_121 : memref<200xi32, #tpu.memory_space<hbm>>) target(%arg7 : memref<200xi32, #tpu.memory_space<vmem>>) target_semaphore(%arg12 : memref<!tpu.dma_semaphore, #tpu.memory_space<semaphore_mem>>)
      "tpu.region"() ({
        %run_scoped3A = tpu.sem_alloc : memref<!tpu.dma_semaphore, #tpu.memory_space<semaphore_mem>>
        %dma_start3A_122 = arith.constant 0 : i32
        %dma_start3A_123 = arith.constant 0 : i32
        %dma_start3A_124 = tpu.memref_slice %arg2[%dma_start3A_122, %dma_start3A_123] : memref<20000x128xf32, #tpu.memory_space<hbm>> -> memref<20000x128xf32, #tpu.memory_space<hbm>>
        tpu.enqueue_indirect_dma source(%dma_start3A_124 : memref<20000x128xf32, #tpu.memory_space<hbm>>) target(%arg10 : memref<200x128xf32, #tpu.memory_space<vmem>>) offsets(%arg8 : memref<200xi32, #tpu.memory_space<vmem>>) semaphore(%run_scoped3A : memref<!tpu.dma_semaphore, #tpu.memory_space<semaphore_mem>>)
        %dma_wait3A_125 = arith.constant 0 : i32
        %dma_wait3A_126 = arith.constant 0 : i32
        %dma_wait3A_127 = tpu.memref_slice %arg2[%dma_wait3A_125, %dma_wait3A_126] : memref<20000x128xf32, #tpu.memory_space<hbm>> -> memref<20000x128xf32, #tpu.memory_space<hbm>>
        tpu.wait_indirect_dma semaphore(%run_scoped3A : memref<!tpu.dma_semaphore, #tpu.memory_space<semaphore_mem>>) src(%dma_wait3A_127 : memref<20000x128xf32, #tpu.memory_space<hbm>>) dst(%arg10 : memref<200x128xf32, #tpu.memory_space<vmem>>)
        tpu.yield
      }) : () -> ()
      "tpu.region"() ({
        %run_scoped3A = tpu.sem_alloc : memref<!tpu.dma_semaphore, #tpu.memory_space<semaphore_mem>>
        %dma_start3A_122 = arith.constant 0 : i32
        %dma_start3A_123 = arith.constant 0 : i32
        %dma_start3A_124 = tpu.memref_slice %arg11[%dma_start3A_122, %dma_start3A_123] : memref<10240x128xf32, #tpu.memory_space<vmem_shared>> -> memref<10240x128xf32, #tpu.memory_space<vmem_shared>>
        tpu.enqueue_indirect_dma source(%arg10 : memref<200x128xf32, #tpu.memory_space<vmem>>) target(%dma_start3A_124 : memref<10240x128xf32, #tpu.memory_space<vmem_shared>>) offsets(%arg9 : memref<200xi32, #tpu.memory_space<vmem>>) semaphore(%run_scoped3A : memref<!tpu.dma_semaphore, #tpu.memory_space<semaphore_mem>>) {add = true}
        %dma_wait3A_125 = arith.constant 0 : i32
        %dma_wait3A_126 = arith.constant 0 : i32
        %dma_wait3A_127 = tpu.memref_slice %arg11[%dma_wait3A_125, %dma_wait3A_126] : memref<10240x128xf32, #tpu.memory_space<vmem_shared>> -> memref<10240x128xf32, #tpu.memory_space<vmem_shared>>
        tpu.wait_indirect_dma semaphore(%run_scoped3A : memref<!tpu.dma_semaphore, #tpu.memory_space<semaphore_mem>>) src(%arg10 : memref<200x128xf32, #tpu.memory_space<vmem>>) dst(%dma_wait3A_127 : memref<10240x128xf32, #tpu.memory_space<vmem_shared>>)
        tpu.yield
      }) : () -> ()
    }
    %scan3A_33 = arith.constant 25 : i32
    %dma_wait3A = arith.constant 0 : i32
    %dma_wait3A_34 = tpu.memref_slice %arg3[%dma_wait3A] : memref<320000xi32, #tpu.memory_space<hbm>> -> memref<200xi32, #tpu.memory_space<hbm>>
    %dma_wait3A_35 = arith.constant 0 : i32
    %dma_wait3A_36 = tpu.memref_slice %arg3[%dma_wait3A_35] : memref<320000xi32, #tpu.memory_space<hbm>> -> memref<200xi32, #tpu.memory_space<hbm>>
    tpu.wait_dma2 semaphore(%arg12 : memref<!tpu.dma_semaphore, #tpu.memory_space<semaphore_mem>>) src(%dma_wait3A_36 : memref<200xi32, #tpu.memory_space<hbm>>) dst(%arg6 : memref<200xi32, #tpu.memory_space<vmem>>)
    %dma_wait3A_37 = arith.constant 0 : i32
    %dma_wait3A_38 = tpu.memref_slice %arg3[%dma_wait3A_37] : memref<320000xi32, #tpu.memory_space<hbm>> -> memref<200xi32, #tpu.memory_space<hbm>>
    %dma_wait3A_39 = arith.constant 0 : i32
    %dma_wait3A_40 = tpu.memref_slice %arg3[%dma_wait3A_39] : memref<320000xi32, #tpu.memory_space<hbm>> -> memref<200xi32, #tpu.memory_space<hbm>>
    tpu.wait_dma2 semaphore(%arg12 : memref<!tpu.dma_semaphore, #tpu.memory_space<semaphore_mem>>) src(%dma_wait3A_40 : memref<200xi32, #tpu.memory_space<hbm>>) dst(%arg7 : memref<200xi32, #tpu.memory_space<vmem>>)
    %barrier3A_41 = arith.constant 0 : index
    tpu.barrier barrier_id(%barrier3A_41)
    %mul3A_42 = arith.constant 10240 : i32
    %mul3A_43 = arith.muli %arg0, %mul3A_42 : i32
    %mul3A_44 = arith.constant 640 : i32
    %mul3A_45 = arith.muli %arg1, %mul3A_44 : i32
    %add3A_46 = arith.addi %mul3A_43, %mul3A_45 : i32
    %multiple_of3A_47 = tpu.assume_multiple %add3A_46, 8 : i32
    %mul3A_48 = arith.constant 640 : i32
    %mul3A_49 = arith.muli %arg1, %mul3A_48 : i32
    %add3A_50 = arith.constant 0 : i32
    %add3A_51 = arith.addi %mul3A_49, %add3A_50 : i32
    "tpu.region"() ({
      %run_scoped3A = tpu.sem_alloc : memref<!tpu.dma_semaphore, #tpu.memory_space<semaphore_mem>>
      %dma_start3A_72 = arith.constant 0 : i32
      %dma_start3A_73 = arith.constant 0 : i32
      %dma_start3A_74 = tpu.memref_slice %arg10[%dma_start3A_72, %dma_start3A_73] : memref<200x128xf32, #tpu.memory_space<vmem>> -> memref<200x128xf32, #tpu.memory_space<vmem>>
      %dma_start3A_75 = arith.constant 0 : i32
      %dma_start3A_76 = tpu.memref_slice %arg11[%add3A_51, %dma_start3A_75] : memref<10240x128xf32, #tpu.memory_space<vmem_shared>> -> memref<200x128xf32, #tpu.memory_space<vmem_shared>>
      %dma_start3A_77 = arith.constant 0 : i32
      %dma_start3A_78 = arith.constant 0 : i32
      %dma_start3A_79 = tpu.memref_slice %arg10[%dma_start3A_77, %dma_start3A_78] : memref<200x128xf32, #tpu.memory_space<vmem>> -> memref<200x128xf32, #tpu.memory_space<vmem>>
      %dma_start3A_80 = arith.constant 0 : i32
      %dma_start3A_81 = tpu.memref_slice %arg11[%add3A_51, %dma_start3A_80] : memref<10240x128xf32, #tpu.memory_space<vmem_shared>> -> memref<200x128xf32, #tpu.memory_space<vmem_shared>>
      tpu.enqueue_dma source(%dma_start3A_81 : memref<200x128xf32, #tpu.memory_space<vmem_shared>>) target(%dma_start3A_79 : memref<200x128xf32, #tpu.memory_space<vmem>>) target_semaphore(%run_scoped3A : memref<!tpu.dma_semaphore, #tpu.memory_space<semaphore_mem>>)
      %dma_wait3A_82 = arith.constant 0 : i32
      %dma_wait3A_83 = arith.constant 0 : i32
      %dma_wait3A_84 = tpu.memref_slice %arg10[%dma_wait3A_82, %dma_wait3A_83] : memref<200x128xf32, #tpu.memory_space<vmem>> -> memref<200x128xf32, #tpu.memory_space<vmem>>
      %dma_wait3A_85 = arith.constant 0 : i32
      %dma_wait3A_86 = tpu.memref_slice %arg11[%add3A_51, %dma_wait3A_85] : memref<10240x128xf32, #tpu.memory_space<vmem_shared>> -> memref<200x128xf32, #tpu.memory_space<vmem_shared>>
      %dma_wait3A_87 = arith.constant 0 : i32
      %dma_wait3A_88 = arith.constant 0 : i32
      %dma_wait3A_89 = tpu.memref_slice %arg10[%dma_wait3A_87, %dma_wait3A_88] : memref<200x128xf32, #tpu.memory_space<vmem>> -> memref<200x128xf32, #tpu.memory_space<vmem>>
      %dma_wait3A_90 = arith.constant 0 : i32
      %dma_wait3A_91 = tpu.memref_slice %arg11[%add3A_51, %dma_wait3A_90] : memref<10240x128xf32, #tpu.memory_space<vmem_shared>> -> memref<200x128xf32, #tpu.memory_space<vmem_shared>>
      tpu.wait_dma2 semaphore(%run_scoped3A : memref<!tpu.dma_semaphore, #tpu.memory_space<semaphore_mem>>) src(%dma_wait3A_91 : memref<200x128xf32, #tpu.memory_space<vmem_shared>>) dst(%dma_wait3A_89 : memref<200x128xf32, #tpu.memory_space<vmem>>)
      tpu.yield
    }) : () -> ()
    %add3A_52 = arith.constant 0 : i32
    %add3A_53 = arith.addi %multiple_of3A_47, %add3A_52 : i32
    "tpu.region"() ({
      %run_scoped3A = tpu.sem_alloc : memref<!tpu.dma_semaphore, #tpu.memory_space<semaphore_mem>>
      %dma_start3A_72 = arith.constant 0 : i32
      %dma_start3A_73 = arith.constant 0 : i32
      %dma_start3A_74 = tpu.memref_slice %arg10[%dma_start3A_72, %dma_start3A_73] : memref<200x128xf32, #tpu.memory_space<vmem>> -> memref<200x128xf32, #tpu.memory_space<vmem>>
      %dma_start3A_75 = arith.constant 0 : i32
      %dma_start3A_76 = tpu.memref_slice %arg5[%add3A_53, %dma_start3A_75] : memref<20480x128xf32, #tpu.memory_space<hbm>> -> memref<200x128xf32, #tpu.memory_space<hbm>>
      %dma_start3A_77 = arith.constant 0 : i32
      %dma_start3A_78 = tpu.memref_slice %arg5[%add3A_53, %dma_start3A_77] : memref<20480x128xf32, #tpu.memory_space<hbm>> -> memref<200x128xf32, #tpu.memory_space<hbm>>
      %dma_start3A_79 = arith.constant 0 : i32
      %dma_start3A_80 = arith.constant 0 : i32
      %dma_start3A_81 = tpu.memref_slice %arg10[%dma_start3A_79, %dma_start3A_80] : memref<200x128xf32, #tpu.memory_space<vmem>> -> memref<200x128xf32, #tpu.memory_space<vmem>>
      tpu.enqueue_dma source(%dma_start3A_81 : memref<200x128xf32, #tpu.memory_space<vmem>>) target(%dma_start3A_78 : memref<200x128xf32, #tpu.memory_space<hbm>>) target_semaphore(%run_scoped3A : memref<!tpu.dma_semaphore, #tpu.memory_space<semaphore_mem>>)
      %dma_wait3A_82 = arith.constant 0 : i32
      %dma_wait3A_83 = arith.constant 0 : i32
      %dma_wait3A_84 = tpu.memref_slice %arg10[%dma_wait3A_82, %dma_wait3A_83] : memref<200x128xf32, #tpu.memory_space<vmem>> -> memref<200x128xf32, #tpu.memory_space<vmem>>
      %dma_wait3A_85 = arith.constant 0 : i32
      %dma_wait3A_86 = tpu.memref_slice %arg5[%add3A_53, %dma_wait3A_85] : memref<20480x128xf32, #tpu.memory_space<hbm>> -> memref<200x128xf32, #tpu.memory_space<hbm>>
      %dma_wait3A_87 = arith.constant 0 : i32
      %dma_wait3A_88 = tpu.memref_slice %arg5[%add3A_53, %dma_wait3A_87] : memref<20480x128xf32, #tpu.memory_space<hbm>> -> memref<200x128xf32, #tpu.memory_space<hbm>>
      %dma_wait3A_89 = arith.constant 0 : i32
      %dma_wait3A_90 = arith.constant 0 : i32
      %dma_wait3A_91 = tpu.memref_slice %arg10[%dma_wait3A_89, %dma_wait3A_90] : memref<200x128xf32, #tpu.memory_space<vmem>> -> memref<200x128xf32, #tpu.memory_space<vmem>>
      tpu.wait_dma2 semaphore(%run_scoped3A : memref<!tpu.dma_semaphore, #tpu.memory_space<semaphore_mem>>) src(%dma_wait3A_91 : memref<200x128xf32, #tpu.memory_space<vmem>>) dst(%dma_wait3A_88 : memref<200x128xf32, #tpu.memory_space<hbm>>)
      tpu.yield
    }) : () -> ()
    %mul3A_54 = arith.constant 640 : i32
    %mul3A_55 = arith.muli %arg1, %mul3A_54 : i32
    %add3A_56 = arith.constant 200 : i32
    %add3A_57 = arith.addi %mul3A_55, %add3A_56 : i32
    "tpu.region"() ({
      %run_scoped3A = tpu.sem_alloc : memref<!tpu.dma_semaphore, #tpu.memory_space<semaphore_mem>>
      %dma_start3A_72 = arith.constant 0 : i32
      %dma_start3A_73 = arith.constant 0 : i32
      %dma_start3A_74 = tpu.memref_slice %arg10[%dma_start3A_72, %dma_start3A_73] : memref<200x128xf32, #tpu.memory_space<vmem>> -> memref<200x128xf32, #tpu.memory_space<vmem>>
      %dma_start3A_75 = arith.constant 0 : i32
      %dma_start3A_76 = tpu.memref_slice %arg11[%add3A_57, %dma_start3A_75] : memref<10240x128xf32, #tpu.memory_space<vmem_shared>> -> memref<200x128xf32, #tpu.memory_space<vmem_shared>>
      %dma_start3A_77 = arith.constant 0 : i32
      %dma_start3A_78 = arith.constant 0 : i32
      %dma_start3A_79 = tpu.memref_slice %arg10[%dma_start3A_77, %dma_start3A_78] : memref<200x128xf32, #tpu.memory_space<vmem>> -> memref<200x128xf32, #tpu.memory_space<vmem>>
      %dma_start3A_80 = arith.constant 0 : i32
      %dma_start3A_81 = tpu.memref_slice %arg11[%add3A_57, %dma_start3A_80] : memref<10240x128xf32, #tpu.memory_space<vmem_shared>> -> memref<200x128xf32, #tpu.memory_space<vmem_shared>>
      tpu.enqueue_dma source(%dma_start3A_81 : memref<200x128xf32, #tpu.memory_space<vmem_shared>>) target(%dma_start3A_79 : memref<200x128xf32, #tpu.memory_space<vmem>>) target_semaphore(%run_scoped3A : memref<!tpu.dma_semaphore, #tpu.memory_space<semaphore_mem>>)
      %dma_wait3A_82 = arith.constant 0 : i32
      %dma_wait3A_83 = arith.constant 0 : i32
      %dma_wait3A_84 = tpu.memref_slice %arg10[%dma_wait3A_82, %dma_wait3A_83] : memref<200x128xf32, #tpu.memory_space<vmem>> -> memref<200x128xf32, #tpu.memory_space<vmem>>
      %dma_wait3A_85 = arith.constant 0 : i32
      %dma_wait3A_86 = tpu.memref_slice %arg11[%add3A_57, %dma_wait3A_85] : memref<10240x128xf32, #tpu.memory_space<vmem_shared>> -> memref<200x128xf32, #tpu.memory_space<vmem_shared>>
      %dma_wait3A_87 = arith.constant 0 : i32
      %dma_wait3A_88 = arith.constant 0 : i32
      %dma_wait3A_89 = tpu.memref_slice %arg10[%dma_wait3A_87, %dma_wait3A_88] : memref<200x128xf32, #tpu.memory_space<vmem>> -> memref<200x128xf32, #tpu.memory_space<vmem>>
      %dma_wait3A_90 = arith.constant 0 : i32
      %dma_wait3A_91 = tpu.memref_slice %arg11[%add3A_57, %dma_wait3A_90] : memref<10240x128xf32, #tpu.memory_space<vmem_shared>> -> memref<200x128xf32, #tpu.memory_space<vmem_shared>>
      tpu.wait_dma2 semaphore(%run_scoped3A : memref<!tpu.dma_semaphore, #tpu.memory_space<semaphore_mem>>) src(%dma_wait3A_91 : memref<200x128xf32, #tpu.memory_space<vmem_shared>>) dst(%dma_wait3A_89 : memref<200x128xf32, #tpu.memory_space<vmem>>)
      tpu.yield
    }) : () -> ()
    %add3A_58 = arith.constant 200 : i32
    %add3A_59 = arith.addi %multiple_of3A_47, %add3A_58 : i32
    "tpu.region"() ({
      %run_scoped3A = tpu.sem_alloc : memref<!tpu.dma_semaphore, #tpu.memory_space<semaphore_mem>>
      %dma_start3A_72 = arith.constant 0 : i32
      %dma_start3A_73 = arith.constant 0 : i32
      %dma_start3A_74 = tpu.memref_slice %arg10[%dma_start3A_72, %dma_start3A_73] : memref<200x128xf32, #tpu.memory_space<vmem>> -> memref<200x128xf32, #tpu.memory_space<vmem>>
      %dma_start3A_75 = arith.constant 0 : i32
      %dma_start3A_76 = tpu.memref_slice %arg5[%add3A_59, %dma_start3A_75] : memref<20480x128xf32, #tpu.memory_space<hbm>> -> memref<200x128xf32, #tpu.memory_space<hbm>>
      %dma_start3A_77 = arith.constant 0 : i32
      %dma_start3A_78 = tpu.memref_slice %arg5[%add3A_59, %dma_start3A_77] : memref<20480x128xf32, #tpu.memory_space<hbm>> -> memref<200x128xf32, #tpu.memory_space<hbm>>
      %dma_start3A_79 = arith.constant 0 : i32
      %dma_start3A_80 = arith.constant 0 : i32
      %dma_start3A_81 = tpu.memref_slice %arg10[%dma_start3A_79, %dma_start3A_80] : memref<200x128xf32, #tpu.memory_space<vmem>> -> memref<200x128xf32, #tpu.memory_space<vmem>>
      tpu.enqueue_dma source(%dma_start3A_81 : memref<200x128xf32, #tpu.memory_space<vmem>>) target(%dma_start3A_78 : memref<200x128xf32, #tpu.memory_space<hbm>>) target_semaphore(%run_scoped3A : memref<!tpu.dma_semaphore, #tpu.memory_space<semaphore_mem>>)
      %dma_wait3A_82 = arith.constant 0 : i32
      %dma_wait3A_83 = arith.constant 0 : i32
      %dma_wait3A_84 = tpu.memref_slice %arg10[%dma_wait3A_82, %dma_wait3A_83] : memref<200x128xf32, #tpu.memory_space<vmem>> -> memref<200x128xf32, #tpu.memory_space<vmem>>
      %dma_wait3A_85 = arith.constant 0 : i32
      %dma_wait3A_86 = tpu.memref_slice %arg5[%add3A_59, %dma_wait3A_85] : memref<20480x128xf32, #tpu.memory_space<hbm>> -> memref<200x128xf32, #tpu.memory_space<hbm>>
      %dma_wait3A_87 = arith.constant 0 : i32
      %dma_wait3A_88 = tpu.memref_slice %arg5[%add3A_59, %dma_wait3A_87] : memref<20480x128xf32, #tpu.memory_space<hbm>> -> memref<200x128xf32, #tpu.memory_space<hbm>>
      %dma_wait3A_89 = arith.constant 0 : i32
      %dma_wait3A_90 = arith.constant 0 : i32
      %dma_wait3A_91 = tpu.memref_slice %arg10[%dma_wait3A_89, %dma_wait3A_90] : memref<200x128xf32, #tpu.memory_space<vmem>> -> memref<200x128xf32, #tpu.memory_space<vmem>>
      tpu.wait_dma2 semaphore(%run_scoped3A : memref<!tpu.dma_semaphore, #tpu.memory_space<semaphore_mem>>) src(%dma_wait3A_91 : memref<200x128xf32, #tpu.memory_space<vmem>>) dst(%dma_wait3A_88 : memref<200x128xf32, #tpu.memory_space<hbm>>)
      tpu.yield
    }) : () -> ()
    %mul3A_60 = arith.constant 640 : i32
    %mul3A_61 = arith.muli %arg1, %mul3A_60 : i32
    %add3A_62 = arith.constant 400 : i32
    %add3A_63 = arith.addi %mul3A_61, %add3A_62 : i32
    "tpu.region"() ({
      %run_scoped3A = tpu.sem_alloc : memref<!tpu.dma_semaphore, #tpu.memory_space<semaphore_mem>>
      %dma_start3A_72 = arith.constant 0 : i32
      %dma_start3A_73 = arith.constant 0 : i32
      %dma_start3A_74 = tpu.memref_slice %arg10[%dma_start3A_72, %dma_start3A_73] : memref<200x128xf32, #tpu.memory_space<vmem>> -> memref<200x128xf32, #tpu.memory_space<vmem>>
      %dma_start3A_75 = arith.constant 0 : i32
      %dma_start3A_76 = tpu.memref_slice %arg11[%add3A_63, %dma_start3A_75] : memref<10240x128xf32, #tpu.memory_space<vmem_shared>> -> memref<200x128xf32, #tpu.memory_space<vmem_shared>>
      %dma_start3A_77 = arith.constant 0 : i32
      %dma_start3A_78 = arith.constant 0 : i32
      %dma_start3A_79 = tpu.memref_slice %arg10[%dma_start3A_77, %dma_start3A_78] : memref<200x128xf32, #tpu.memory_space<vmem>> -> memref<200x128xf32, #tpu.memory_space<vmem>>
      %dma_start3A_80 = arith.constant 0 : i32
      %dma_start3A_81 = tpu.memref_slice %arg11[%add3A_63, %dma_start3A_80] : memref<10240x128xf32, #tpu.memory_space<vmem_shared>> -> memref<200x128xf32, #tpu.memory_space<vmem_shared>>
      tpu.enqueue_dma source(%dma_start3A_81 : memref<200x128xf32, #tpu.memory_space<vmem_shared>>) target(%dma_start3A_79 : memref<200x128xf32, #tpu.memory_space<vmem>>) target_semaphore(%run_scoped3A : memref<!tpu.dma_semaphore, #tpu.memory_space<semaphore_mem>>)
      %dma_wait3A_82 = arith.constant 0 : i32
      %dma_wait3A_83 = arith.constant 0 : i32
      %dma_wait3A_84 = tpu.memref_slice %arg10[%dma_wait3A_82, %dma_wait3A_83] : memref<200x128xf32, #tpu.memory_space<vmem>> -> memref<200x128xf32, #tpu.memory_space<vmem>>
      %dma_wait3A_85 = arith.constant 0 : i32
      %dma_wait3A_86 = tpu.memref_slice %arg11[%add3A_63, %dma_wait3A_85] : memref<10240x128xf32, #tpu.memory_space<vmem_shared>> -> memref<200x128xf32, #tpu.memory_space<vmem_shared>>
      %dma_wait3A_87 = arith.constant 0 : i32
      %dma_wait3A_88 = arith.constant 0 : i32
      %dma_wait3A_89 = tpu.memref_slice %arg10[%dma_wait3A_87, %dma_wait3A_88] : memref<200x128xf32, #tpu.memory_space<vmem>> -> memref<200x128xf32, #tpu.memory_space<vmem>>
      %dma_wait3A_90 = arith.constant 0 : i32
      %dma_wait3A_91 = tpu.memref_slice %arg11[%add3A_63, %dma_wait3A_90] : memref<10240x128xf32, #tpu.memory_space<vmem_shared>> -> memref<200x128xf32, #tpu.memory_space<vmem_shared>>
      tpu.wait_dma2 semaphore(%run_scoped3A : memref<!tpu.dma_semaphore, #tpu.memory_space<semaphore_mem>>) src(%dma_wait3A_91 : memref<200x128xf32, #tpu.memory_space<vmem_shared>>) dst(%dma_wait3A_89 : memref<200x128xf32, #tpu.memory_space<vmem>>)
      tpu.yield
    }) : () -> ()
    %add3A_64 = arith.constant 400 : i32
    %add3A_65 = arith.addi %multiple_of3A_47, %add3A_64 : i32
    "tpu.region"() ({
      %run_scoped3A = tpu.sem_alloc : memref<!tpu.dma_semaphore, #tpu.memory_space<semaphore_mem>>
      %dma_start3A_72 = arith.constant 0 : i32
      %dma_start3A_73 = arith.constant 0 : i32
      %dma_start3A_74 = tpu.memref_slice %arg10[%dma_start3A_72, %dma_start3A_73] : memref<200x128xf32, #tpu.memory_space<vmem>> -> memref<200x128xf32, #tpu.memory_space<vmem>>
      %dma_start3A_75 = arith.constant 0 : i32
      %dma_start3A_76 = tpu.memref_slice %arg5[%add3A_65, %dma_start3A_75] : memref<20480x128xf32, #tpu.memory_space<hbm>> -> memref<200x128xf32, #tpu.memory_space<hbm>>
      %dma_start3A_77 = arith.constant 0 : i32
      %dma_start3A_78 = tpu.memref_slice %arg5[%add3A_65, %dma_start3A_77] : memref<20480x128xf32, #tpu.memory_space<hbm>> -> memref<200x128xf32, #tpu.memory_space<hbm>>
      %dma_start3A_79 = arith.constant 0 : i32
      %dma_start3A_80 = arith.constant 0 : i32
      %dma_start3A_81 = tpu.memref_slice %arg10[%dma_start3A_79, %dma_start3A_80] : memref<200x128xf32, #tpu.memory_space<vmem>> -> memref<200x128xf32, #tpu.memory_space<vmem>>
      tpu.enqueue_dma source(%dma_start3A_81 : memref<200x128xf32, #tpu.memory_space<vmem>>) target(%dma_start3A_78 : memref<200x128xf32, #tpu.memory_space<hbm>>) target_semaphore(%run_scoped3A : memref<!tpu.dma_semaphore, #tpu.memory_space<semaphore_mem>>)
      %dma_wait3A_82 = arith.constant 0 : i32
      %dma_wait3A_83 = arith.constant 0 : i32
      %dma_wait3A_84 = tpu.memref_slice %arg10[%dma_wait3A_82, %dma_wait3A_83] : memref<200x128xf32, #tpu.memory_space<vmem>> -> memref<200x128xf32, #tpu.memory_space<vmem>>
      %dma_wait3A_85 = arith.constant 0 : i32
      %dma_wait3A_86 = tpu.memref_slice %arg5[%add3A_65, %dma_wait3A_85] : memref<20480x128xf32, #tpu.memory_space<hbm>> -> memref<200x128xf32, #tpu.memory_space<hbm>>
      %dma_wait3A_87 = arith.constant 0 : i32
      %dma_wait3A_88 = tpu.memref_slice %arg5[%add3A_65, %dma_wait3A_87] : memref<20480x128xf32, #tpu.memory_space<hbm>> -> memref<200x128xf32, #tpu.memory_space<hbm>>
      %dma_wait3A_89 = arith.constant 0 : i32
      %dma_wait3A_90 = arith.constant 0 : i32
      %dma_wait3A_91 = tpu.memref_slice %arg10[%dma_wait3A_89, %dma_wait3A_90] : memref<200x128xf32, #tpu.memory_space<vmem>> -> memref<200x128xf32, #tpu.memory_space<vmem>>
      tpu.wait_dma2 semaphore(%run_scoped3A : memref<!tpu.dma_semaphore, #tpu.memory_space<semaphore_mem>>) src(%dma_wait3A_91 : memref<200x128xf32, #tpu.memory_space<vmem>>) dst(%dma_wait3A_88 : memref<200x128xf32, #tpu.memory_space<hbm>>)
      tpu.yield
    }) : () -> ()
    %mul3A_66 = arith.constant 640 : i32
    %mul3A_67 = arith.muli %arg1, %mul3A_66 : i32
    %add3A_68 = arith.constant 600 : i32
    %add3A_69 = arith.addi %mul3A_67, %add3A_68 : i32
    "tpu.region"() ({
      %run_scoped3A = tpu.sem_alloc : memref<!tpu.dma_semaphore, #tpu.memory_space<semaphore_mem>>
      %dma_start3A_72 = arith.constant 0 : i32
      %dma_start3A_73 = arith.constant 0 : i32
      %dma_start3A_74 = tpu.memref_slice %arg10[%dma_start3A_72, %dma_start3A_73] : memref<200x128xf32, #tpu.memory_space<vmem>> -> memref<40x128xf32, #tpu.memory_space<vmem>>
      %dma_start3A_75 = arith.constant 0 : i32
      %dma_start3A_76 = tpu.memref_slice %arg11[%add3A_69, %dma_start3A_75] : memref<10240x128xf32, #tpu.memory_space<vmem_shared>> -> memref<40x128xf32, #tpu.memory_space<vmem_shared>>
      %dma_start3A_77 = arith.constant 0 : i32
      %dma_start3A_78 = arith.constant 0 : i32
      %dma_start3A_79 = tpu.memref_slice %arg10[%dma_start3A_77, %dma_start3A_78] : memref<200x128xf32, #tpu.memory_space<vmem>> -> memref<40x128xf32, #tpu.memory_space<vmem>>
      %dma_start3A_80 = arith.constant 0 : i32
      %dma_start3A_81 = tpu.memref_slice %arg11[%add3A_69, %dma_start3A_80] : memref<10240x128xf32, #tpu.memory_space<vmem_shared>> -> memref<40x128xf32, #tpu.memory_space<vmem_shared>>
      tpu.enqueue_dma source(%dma_start3A_81 : memref<40x128xf32, #tpu.memory_space<vmem_shared>>) target(%dma_start3A_79 : memref<40x128xf32, #tpu.memory_space<vmem>>) target_semaphore(%run_scoped3A : memref<!tpu.dma_semaphore, #tpu.memory_space<semaphore_mem>>)
      %dma_wait3A_82 = arith.constant 0 : i32
      %dma_wait3A_83 = arith.constant 0 : i32
      %dma_wait3A_84 = tpu.memref_slice %arg10[%dma_wait3A_82, %dma_wait3A_83] : memref<200x128xf32, #tpu.memory_space<vmem>> -> memref<40x128xf32, #tpu.memory_space<vmem>>
      %dma_wait3A_85 = arith.constant 0 : i32
      %dma_wait3A_86 = tpu.memref_slice %arg11[%add3A_69, %dma_wait3A_85] : memref<10240x128xf32, #tpu.memory_space<vmem_shared>> -> memref<40x128xf32, #tpu.memory_space<vmem_shared>>
      %dma_wait3A_87 = arith.constant 0 : i32
      %dma_wait3A_88 = arith.constant 0 : i32
      %dma_wait3A_89 = tpu.memref_slice %arg10[%dma_wait3A_87, %dma_wait3A_88] : memref<200x128xf32, #tpu.memory_space<vmem>> -> memref<40x128xf32, #tpu.memory_space<vmem>>
      %dma_wait3A_90 = arith.constant 0 : i32
      %dma_wait3A_91 = tpu.memref_slice %arg11[%add3A_69, %dma_wait3A_90] : memref<10240x128xf32, #tpu.memory_space<vmem_shared>> -> memref<40x128xf32, #tpu.memory_space<vmem_shared>>
      tpu.wait_dma2 semaphore(%run_scoped3A : memref<!tpu.dma_semaphore, #tpu.memory_space<semaphore_mem>>) src(%dma_wait3A_91 : memref<40x128xf32, #tpu.memory_space<vmem_shared>>) dst(%dma_wait3A_89 : memref<40x128xf32, #tpu.memory_space<vmem>>)
      tpu.yield
    }) : () -> ()
    %add3A_70 = arith.constant 600 : i32
    %add3A_71 = arith.addi %multiple_of3A_47, %add3A_70 : i32
    "tpu.region"() ({
      %run_scoped3A = tpu.sem_alloc : memref<!tpu.dma_semaphore, #tpu.memory_space<semaphore_mem>>
      %dma_start3A_72 = arith.constant 0 : i32
      %dma_start3A_73 = arith.constant 0 : i32
      %dma_start3A_74 = tpu.memref_slice %arg10[%dma_start3A_72, %dma_start3A_73] : memref<200x128xf32, #tpu.memory_space<vmem>> -> memref<40x128xf32, #tpu.memory_space<vmem>>
      %dma_start3A_75 = arith.constant 0 : i32
      %dma_start3A_76 = tpu.memref_slice %arg5[%add3A_71, %dma_start3A_75] : memref<20480x128xf32, #tpu.memory_space<hbm>> -> memref<40x128xf32, #tpu.memory_space<hbm>>
      %dma_start3A_77 = arith.constant 0 : i32
      %dma_start3A_78 = tpu.memref_slice %arg5[%add3A_71, %dma_start3A_77] : memref<20480x128xf32, #tpu.memory_space<hbm>> -> memref<40x128xf32, #tpu.memory_space<hbm>>
      %dma_start3A_79 = arith.constant 0 : i32
      %dma_start3A_80 = arith.constant 0 : i32
      %dma_start3A_81 = tpu.memref_slice %arg10[%dma_start3A_79, %dma_start3A_80] : memref<200x128xf32, #tpu.memory_space<vmem>> -> memref<40x128xf32, #tpu.memory_space<vmem>>
      tpu.enqueue_dma source(%dma_start3A_81 : memref<40x128xf32, #tpu.memory_space<vmem>>) target(%dma_start3A_78 : memref<40x128xf32, #tpu.memory_space<hbm>>) target_semaphore(%run_scoped3A : memref<!tpu.dma_semaphore, #tpu.memory_space<semaphore_mem>>)
      %dma_wait3A_82 = arith.constant 0 : i32
      %dma_wait3A_83 = arith.constant 0 : i32
      %dma_wait3A_84 = tpu.memref_slice %arg10[%dma_wait3A_82, %dma_wait3A_83] : memref<200x128xf32, #tpu.memory_space<vmem>> -> memref<40x128xf32, #tpu.memory_space<vmem>>
      %dma_wait3A_85 = arith.constant 0 : i32
      %dma_wait3A_86 = tpu.memref_slice %arg5[%add3A_71, %dma_wait3A_85] : memref<20480x128xf32, #tpu.memory_space<hbm>> -> memref<40x128xf32, #tpu.memory_space<hbm>>
      %dma_wait3A_87 = arith.constant 0 : i32
      %dma_wait3A_88 = tpu.memref_slice %arg5[%add3A_71, %dma_wait3A_87] : memref<20480x128xf32, #tpu.memory_space<hbm>> -> memref<40x128xf32, #tpu.memory_space<hbm>>
      %dma_wait3A_89 = arith.constant 0 : i32
      %dma_wait3A_90 = arith.constant 0 : i32
      %dma_wait3A_91 = tpu.memref_slice %arg10[%dma_wait3A_89, %dma_wait3A_90] : memref<200x128xf32, #tpu.memory_space<vmem>> -> memref<40x128xf32, #tpu.memory_space<vmem>>
      tpu.wait_dma2 semaphore(%run_scoped3A : memref<!tpu.dma_semaphore, #tpu.memory_space<semaphore_mem>>) src(%dma_wait3A_91 : memref<40x128xf32, #tpu.memory_space<vmem>>) dst(%dma_wait3A_88 : memref<40x128xf32, #tpu.memory_space<hbm>>)
      tpu.yield
    }) : () -> ()
    return
  }
}

#map = affine_map<(d0, d1) -> (0, 0)>
#map1 = affine_map<(d0, d1) -> (0)>
module attributes {stable_mosaic.version = 14 : i64} {
  func.func @_agg_body(%arg0: i32, %arg1: i32, %arg2: memref<20000x128xf32, #tpu.memory_space<hbm>>, %arg3: memref<320000xi32, #tpu.memory_space<hbm>>, %arg4: memref<320000xi32, #tpu.memory_space<hbm>>, %arg5: memref<20480x128xf32, #tpu.memory_space<hbm>>, %arg6: memref<200xi32, #tpu.memory_space<vmem>>, %arg7: memref<200xi32, #tpu.memory_space<vmem>>, %arg8: memref<200xi32, #tpu.memory_space<vmem>>, %arg9: memref<200xi32, #tpu.memory_space<vmem>>, %arg10: memref<200x128xf32, #tpu.memory_space<vmem>>, %arg11: memref<10240x128xf32, #tpu.memory_space<vmem_shared>>, %arg12: memref<!tpu.dma_semaphore, #tpu.memory_space<semaphore_mem>>, %arg13: memref<!tpu.dma_semaphore, #tpu.memory_space<semaphore_mem>>) attributes {dimension_semantics = [#tpu.dimension_semantics<core_parallel>, #tpu.dimension_semantics<subcore_parallel>], iteration_bounds = array<i64: 2, 16>, scalar_prefetch = 0 : i64, scratch_operands = 8 : i64, tpu.core_type = #tpu.core_type<sc_vector_subcore>, window_params = [{transform_indices = #map}, {transform_indices = #map1}, {transform_indices = #map1}, {transform_indices = #map}]} {
    %broadcast_in_dim3A = arith.constant 0.000000e+00 : f32
    %broadcast_in_dim3A_0 = vector.broadcast %broadcast_in_dim3A : f32 to vector<16xf32>
    %scan3A = arith.constant 0 : i32
    %scan3A_1 = arith.constant 0 : i32
    %scan3A_2 = arith.constant 1600 : i32
    %scan3A_3 = arith.addi %scan3A_1, %scan3A_2 : i32
    %scan3A_4 = arith.constant 1 : i32
    scf.for %scan3A_72 = %scan3A_1 to %scan3A_3 step %scan3A_4  : i32 {
      %jit3A = arith.constant 8 : i32
      %div3A = arith.divsi %scan3A_72, %jit3A : i32
      %sign3A = arith.constant 0 : i32
      %sign3A_73 = arith.cmpi sgt, %scan3A_72, %sign3A : i32
      %sign3A_74 = arith.extui %sign3A_73 : i1 to i32
      %sign3A_75 = arith.constant 0 : i32
      %sign3A_76 = arith.cmpi slt, %scan3A_72, %sign3A_75 : i32
      %sign3A_77 = arith.extui %sign3A_76 : i1 to i32
      %sign3A_78 = arith.subi %sign3A_74, %sign3A_77 : i32
      %sign3A_79 = arith.constant 0 : i32
      %sign3A_80 = arith.cmpi sgt, %jit3A, %sign3A_79 : i32
      %sign3A_81 = arith.extui %sign3A_80 : i1 to i32
      %sign3A_82 = arith.constant 0 : i32
      %sign3A_83 = arith.cmpi slt, %jit3A, %sign3A_82 : i32
      %sign3A_84 = arith.extui %sign3A_83 : i1 to i32
      %sign3A_85 = arith.subi %sign3A_81, %sign3A_84 : i32
      %ne3A = arith.cmpi ne, %sign3A_78, %sign3A_85 : i32
      %rem3A = arith.remsi %scan3A_72, %jit3A : i32
      %ne3A_86 = arith.constant 0 : i32
      %ne3A_87 = arith.cmpi ne, %rem3A, %ne3A_86 : i32
      %and3A = arith.andi %ne3A, %ne3A_87 : i1
      %sub3A = arith.constant 1 : i32
      %sub3A_88 = arith.subi %div3A, %sub3A : i32
      %select_n3A = arith.select %and3A, %sub3A_88, %div3A : i32
      %jit3A_89 = arith.constant 8 : i32
      %eq3A = arith.constant 0 : i32
      %eq3A_90 = arith.cmpi eq, %jit3A_89, %eq3A : i32
      %jit3A_91 = arith.constant 1 : i32
      %select_n3A_92 = arith.select %eq3A_90, %jit3A_91, %jit3A_89 : i32
      %rem3A_93 = arith.remsi %scan3A_72, %select_n3A_92 : i32
      %ne3A_94 = arith.constant 0 : i32
      %ne3A_95 = arith.cmpi ne, %rem3A_93, %ne3A_94 : i32
      %lt3A = arith.constant 0 : i32
      %lt3A_96 = arith.cmpi slt, %rem3A_93, %lt3A : i32
      %lt3A_97 = arith.constant 0 : i32
      %lt3A_98 = arith.cmpi slt, %select_n3A_92, %lt3A_97 : i32
      %ne3A_99 = arith.xori %lt3A_96, %lt3A_98 : i1
      %and3A_100 = arith.andi %ne3A_99, %ne3A_95 : i1
      %add3A_101 = arith.addi %rem3A_93, %select_n3A_92 : i32
      %select_n3A_102 = arith.select %and3A_100, %add3A_101, %rem3A_93 : i32
      %mul3A_103 = arith.constant 16 : i32
      %mul3A_104 = arith.muli %select_n3A_102, %mul3A_103 : i32
      %swap3A = arith.index_cast %select_n3A : i32 to index
      %swap3A_105 = arith.index_cast %mul3A_104 : i32 to index
      %swap3A_106 = tpu.vector_load %arg10[%swap3A, %swap3A_105] {strides = array<i32>} : memref<200x128xf32, #tpu.memory_space<vmem>>, vector<1x16xf32>,
      %swap3A_107 = vector.shape_cast %swap3A_106 : vector<1x16xf32> to vector<16xf32>
      %swap3A_108 = vector.shape_cast %broadcast_in_dim3A_0 : vector<16xf32> to vector<1x16xf32>
      tpu.vector_store %arg10[%swap3A, %swap3A_105], %swap3A_108 {strides = array<i32>} : memref<200x128xf32, #tpu.memory_space<vmem>>, vector<1x16xf32>,
    }
    %scan3A_5 = arith.constant 1600 : i32
    %mul3A = arith.constant 640 : i32
    %mul3A_6 = arith.muli %arg1, %mul3A : i32
    %add3A = arith.constant 0 : i32
    %add3A_7 = arith.addi %mul3A_6, %add3A : i32
    "tpu.region"() ({
      %run_scoped3A = tpu.sem_alloc : memref<!tpu.dma_semaphore, #tpu.memory_space<semaphore_mem>>
      %dma_start3A_72 = arith.constant 0 : i32
      %dma_start3A_73 = arith.constant 0 : i32
      %dma_start3A_74 = tpu.memref_slice %arg10[%dma_start3A_72, %dma_start3A_73] : memref<200x128xf32, #tpu.memory_space<vmem>> -> memref<200x128xf32, #tpu.memory_space<vmem>>
      %dma_start3A_75 = arith.constant 0 : i32
      %dma_start3A_76 = tpu.memref_slice %arg11[%add3A_7, %dma_start3A_75] : memref<10240x128xf32, #tpu.memory_space<vmem_shared>> -> memref<200x128xf32, #tpu.memory_space<vmem_shared>>
      %dma_start3A_77 = arith.constant 0 : i32
      %dma_start3A_78 = tpu.memref_slice %arg11[%add3A_7, %dma_start3A_77] : memref<10240x128xf32, #tpu.memory_space<vmem_shared>> -> memref<200x128xf32, #tpu.memory_space<vmem_shared>>
      %dma_start3A_79 = arith.constant 0 : i32
      %dma_start3A_80 = arith.constant 0 : i32
      %dma_start3A_81 = tpu.memref_slice %arg10[%dma_start3A_79, %dma_start3A_80] : memref<200x128xf32, #tpu.memory_space<vmem>> -> memref<200x128xf32, #tpu.memory_space<vmem>>
      tpu.enqueue_dma source(%dma_start3A_81 : memref<200x128xf32, #tpu.memory_space<vmem>>) target(%dma_start3A_78 : memref<200x128xf32, #tpu.memory_space<vmem_shared>>) target_semaphore(%run_scoped3A : memref<!tpu.dma_semaphore, #tpu.memory_space<semaphore_mem>>)
      %dma_wait3A_82 = arith.constant 0 : i32
      %dma_wait3A_83 = arith.constant 0 : i32
      %dma_wait3A_84 = tpu.memref_slice %arg10[%dma_wait3A_82, %dma_wait3A_83] : memref<200x128xf32, #tpu.memory_space<vmem>> -> memref<200x128xf32, #tpu.memory_space<vmem>>
      %dma_wait3A_85 = arith.constant 0 : i32
      %dma_wait3A_86 = tpu.memref_slice %arg11[%add3A_7, %dma_wait3A_85] : memref<10240x128xf32, #tpu.memory_space<vmem_shared>> -> memref<200x128xf32, #tpu.memory_space<vmem_shared>>
      %dma_wait3A_87 = arith.constant 0 : i32
      %dma_wait3A_88 = tpu.memref_slice %arg11[%add3A_7, %dma_wait3A_87] : memref<10240x128xf32, #tpu.memory_space<vmem_shared>> -> memref<200x128xf32, #tpu.memory_space<vmem_shared>>
      %dma_wait3A_89 = arith.constant 0 : i32
      %dma_wait3A_90 = arith.constant 0 : i32
      %dma_wait3A_91 = tpu.memref_slice %arg10[%dma_wait3A_89, %dma_wait3A_90] : memref<200x128xf32, #tpu.memory_space<vmem>> -> memref<200x128xf32, #tpu.memory_space<vmem>>
      tpu.wait_dma2 semaphore(%run_scoped3A : memref<!tpu.dma_semaphore, #tpu.memory_space<semaphore_mem>>) src(%dma_wait3A_91 : memref<200x128xf32, #tpu.memory_space<vmem>>) dst(%dma_wait3A_88 : memref<200x128xf32, #tpu.memory_space<vmem_shared>>)
      tpu.yield
    }) : () -> ()
    %mul3A_8 = arith.constant 640 : i32
    %mul3A_9 = arith.muli %arg1, %mul3A_8 : i32
    %add3A_10 = arith.constant 200 : i32
    %add3A_11 = arith.addi %mul3A_9, %add3A_10 : i32
    "tpu.region"() ({
      %run_scoped3A = tpu.sem_alloc : memref<!tpu.dma_semaphore, #tpu.memory_space<semaphore_mem>>
      %dma_start3A_72 = arith.constant 0 : i32
      %dma_start3A_73 = arith.constant 0 : i32
      %dma_start3A_74 = tpu.memref_slice %arg10[%dma_start3A_72, %dma_start3A_73] : memref<200x128xf32, #tpu.memory_space<vmem>> -> memref<200x128xf32, #tpu.memory_space<vmem>>
      %dma_start3A_75 = arith.constant 0 : i32
      %dma_start3A_76 = tpu.memref_slice %arg11[%add3A_11, %dma_start3A_75] : memref<10240x128xf32, #tpu.memory_space<vmem_shared>> -> memref<200x128xf32, #tpu.memory_space<vmem_shared>>
      %dma_start3A_77 = arith.constant 0 : i32
      %dma_start3A_78 = tpu.memref_slice %arg11[%add3A_11, %dma_start3A_77] : memref<10240x128xf32, #tpu.memory_space<vmem_shared>> -> memref<200x128xf32, #tpu.memory_space<vmem_shared>>
      %dma_start3A_79 = arith.constant 0 : i32
      %dma_start3A_80 = arith.constant 0 : i32
      %dma_start3A_81 = tpu.memref_slice %arg10[%dma_start3A_79, %dma_start3A_80] : memref<200x128xf32, #tpu.memory_space<vmem>> -> memref<200x128xf32, #tpu.memory_space<vmem>>
      tpu.enqueue_dma source(%dma_start3A_81 : memref<200x128xf32, #tpu.memory_space<vmem>>) target(%dma_start3A_78 : memref<200x128xf32, #tpu.memory_space<vmem_shared>>) target_semaphore(%run_scoped3A : memref<!tpu.dma_semaphore, #tpu.memory_space<semaphore_mem>>)
      %dma_wait3A_82 = arith.constant 0 : i32
      %dma_wait3A_83 = arith.constant 0 : i32
      %dma_wait3A_84 = tpu.memref_slice %arg10[%dma_wait3A_82, %dma_wait3A_83] : memref<200x128xf32, #tpu.memory_space<vmem>> -> memref<200x128xf32, #tpu.memory_space<vmem>>
      %dma_wait3A_85 = arith.constant 0 : i32
      %dma_wait3A_86 = tpu.memref_slice %arg11[%add3A_11, %dma_wait3A_85] : memref<10240x128xf32, #tpu.memory_space<vmem_shared>> -> memref<200x128xf32, #tpu.memory_space<vmem_shared>>
      %dma_wait3A_87 = arith.constant 0 : i32
      %dma_wait3A_88 = tpu.memref_slice %arg11[%add3A_11, %dma_wait3A_87] : memref<10240x128xf32, #tpu.memory_space<vmem_shared>> -> memref<200x128xf32, #tpu.memory_space<vmem_shared>>
      %dma_wait3A_89 = arith.constant 0 : i32
      %dma_wait3A_90 = arith.constant 0 : i32
      %dma_wait3A_91 = tpu.memref_slice %arg10[%dma_wait3A_89, %dma_wait3A_90] : memref<200x128xf32, #tpu.memory_space<vmem>> -> memref<200x128xf32, #tpu.memory_space<vmem>>
      tpu.wait_dma2 semaphore(%run_scoped3A : memref<!tpu.dma_semaphore, #tpu.memory_space<semaphore_mem>>) src(%dma_wait3A_91 : memref<200x128xf32, #tpu.memory_space<vmem>>) dst(%dma_wait3A_88 : memref<200x128xf32, #tpu.memory_space<vmem_shared>>)
      tpu.yield
    }) : () -> ()
    %mul3A_12 = arith.constant 640 : i32
    %mul3A_13 = arith.muli %arg1, %mul3A_12 : i32
    %add3A_14 = arith.constant 400 : i32
    %add3A_15 = arith.addi %mul3A_13, %add3A_14 : i32
    "tpu.region"() ({
      %run_scoped3A = tpu.sem_alloc : memref<!tpu.dma_semaphore, #tpu.memory_space<semaphore_mem>>
      %dma_start3A_72 = arith.constant 0 : i32
      %dma_start3A_73 = arith.constant 0 : i32
      %dma_start3A_74 = tpu.memref_slice %arg10[%dma_start3A_72, %dma_start3A_73] : memref<200x128xf32, #tpu.memory_space<vmem>> -> memref<200x128xf32, #tpu.memory_space<vmem>>
      %dma_start3A_75 = arith.constant 0 : i32
      %dma_start3A_76 = tpu.memref_slice %arg11[%add3A_15, %dma_start3A_75] : memref<10240x128xf32, #tpu.memory_space<vmem_shared>> -> memref<200x128xf32, #tpu.memory_space<vmem_shared>>
      %dma_start3A_77 = arith.constant 0 : i32
      %dma_start3A_78 = tpu.memref_slice %arg11[%add3A_15, %dma_start3A_77] : memref<10240x128xf32, #tpu.memory_space<vmem_shared>> -> memref<200x128xf32, #tpu.memory_space<vmem_shared>>
      %dma_start3A_79 = arith.constant 0 : i32
      %dma_start3A_80 = arith.constant 0 : i32
      %dma_start3A_81 = tpu.memref_slice %arg10[%dma_start3A_79, %dma_start3A_80] : memref<200x128xf32, #tpu.memory_space<vmem>> -> memref<200x128xf32, #tpu.memory_space<vmem>>
      tpu.enqueue_dma source(%dma_start3A_81 : memref<200x128xf32, #tpu.memory_space<vmem>>) target(%dma_start3A_78 : memref<200x128xf32, #tpu.memory_space<vmem_shared>>) target_semaphore(%run_scoped3A : memref<!tpu.dma_semaphore, #tpu.memory_space<semaphore_mem>>)
      %dma_wait3A_82 = arith.constant 0 : i32
      %dma_wait3A_83 = arith.constant 0 : i32
      %dma_wait3A_84 = tpu.memref_slice %arg10[%dma_wait3A_82, %dma_wait3A_83] : memref<200x128xf32, #tpu.memory_space<vmem>> -> memref<200x128xf32, #tpu.memory_space<vmem>>
      %dma_wait3A_85 = arith.constant 0 : i32
      %dma_wait3A_86 = tpu.memref_slice %arg11[%add3A_15, %dma_wait3A_85] : memref<10240x128xf32, #tpu.memory_space<vmem_shared>> -> memref<200x128xf32, #tpu.memory_space<vmem_shared>>
      %dma_wait3A_87 = arith.constant 0 : i32
      %dma_wait3A_88 = tpu.memref_slice %arg11[%add3A_15, %dma_wait3A_87] : memref<10240x128xf32, #tpu.memory_space<vmem_shared>> -> memref<200x128xf32, #tpu.memory_space<vmem_shared>>
      %dma_wait3A_89 = arith.constant 0 : i32
      %dma_wait3A_90 = arith.constant 0 : i32
      %dma_wait3A_91 = tpu.memref_slice %arg10[%dma_wait3A_89, %dma_wait3A_90] : memref<200x128xf32, #tpu.memory_space<vmem>> -> memref<200x128xf32, #tpu.memory_space<vmem>>
      tpu.wait_dma2 semaphore(%run_scoped3A : memref<!tpu.dma_semaphore, #tpu.memory_space<semaphore_mem>>) src(%dma_wait3A_91 : memref<200x128xf32, #tpu.memory_space<vmem>>) dst(%dma_wait3A_88 : memref<200x128xf32, #tpu.memory_space<vmem_shared>>)
      tpu.yield
    }) : () -> ()
    %mul3A_16 = arith.constant 640 : i32
    %mul3A_17 = arith.muli %arg1, %mul3A_16 : i32
    %add3A_18 = arith.constant 600 : i32
    %add3A_19 = arith.addi %mul3A_17, %add3A_18 : i32
    "tpu.region"() ({
      %run_scoped3A = tpu.sem_alloc : memref<!tpu.dma_semaphore, #tpu.memory_space<semaphore_mem>>
      %dma_start3A_72 = arith.constant 0 : i32
      %dma_start3A_73 = arith.constant 0 : i32
      %dma_start3A_74 = tpu.memref_slice %arg10[%dma_start3A_72, %dma_start3A_73] : memref<200x128xf32, #tpu.memory_space<vmem>> -> memref<40x128xf32, #tpu.memory_space<vmem>>
      %dma_start3A_75 = arith.constant 0 : i32
      %dma_start3A_76 = tpu.memref_slice %arg11[%add3A_19, %dma_start3A_75] : memref<10240x128xf32, #tpu.memory_space<vmem_shared>> -> memref<40x128xf32, #tpu.memory_space<vmem_shared>>
      %dma_start3A_77 = arith.constant 0 : i32
      %dma_start3A_78 = tpu.memref_slice %arg11[%add3A_19, %dma_start3A_77] : memref<10240x128xf32, #tpu.memory_space<vmem_shared>> -> memref<40x128xf32, #tpu.memory_space<vmem_shared>>
      %dma_start3A_79 = arith.constant 0 : i32
      %dma_start3A_80 = arith.constant 0 : i32
      %dma_start3A_81 = tpu.memref_slice %arg10[%dma_start3A_79, %dma_start3A_80] : memref<200x128xf32, #tpu.memory_space<vmem>> -> memref<40x128xf32, #tpu.memory_space<vmem>>
      tpu.enqueue_dma source(%dma_start3A_81 : memref<40x128xf32, #tpu.memory_space<vmem>>) target(%dma_start3A_78 : memref<40x128xf32, #tpu.memory_space<vmem_shared>>) target_semaphore(%run_scoped3A : memref<!tpu.dma_semaphore, #tpu.memory_space<semaphore_mem>>)
      %dma_wait3A_82 = arith.constant 0 : i32
      %dma_wait3A_83 = arith.constant 0 : i32
      %dma_wait3A_84 = tpu.memref_slice %arg10[%dma_wait3A_82, %dma_wait3A_83] : memref<200x128xf32, #tpu.memory_space<vmem>> -> memref<40x128xf32, #tpu.memory_space<vmem>>
      %dma_wait3A_85 = arith.constant 0 : i32
      %dma_wait3A_86 = tpu.memref_slice %arg11[%add3A_19, %dma_wait3A_85] : memref<10240x128xf32, #tpu.memory_space<vmem_shared>> -> memref<40x128xf32, #tpu.memory_space<vmem_shared>>
      %dma_wait3A_87 = arith.constant 0 : i32
      %dma_wait3A_88 = tpu.memref_slice %arg11[%add3A_19, %dma_wait3A_87] : memref<10240x128xf32, #tpu.memory_space<vmem_shared>> -> memref<40x128xf32, #tpu.memory_space<vmem_shared>>
      %dma_wait3A_89 = arith.constant 0 : i32
      %dma_wait3A_90 = arith.constant 0 : i32
      %dma_wait3A_91 = tpu.memref_slice %arg10[%dma_wait3A_89, %dma_wait3A_90] : memref<200x128xf32, #tpu.memory_space<vmem>> -> memref<40x128xf32, #tpu.memory_space<vmem>>
      tpu.wait_dma2 semaphore(%run_scoped3A : memref<!tpu.dma_semaphore, #tpu.memory_space<semaphore_mem>>) src(%dma_wait3A_91 : memref<40x128xf32, #tpu.memory_space<vmem>>) dst(%dma_wait3A_88 : memref<40x128xf32, #tpu.memory_space<vmem_shared>>)
      tpu.yield
    }) : () -> ()
    %barrier3A = arith.constant 0 : index
    tpu.barrier barrier_id(%barrier3A)
    %mul3A_20 = arith.constant 16 : i32
    %mul3A_21 = arith.muli %arg0, %mul3A_20 : i32
    %add3A_22 = arith.addi %mul3A_21, %arg1 : i32
    %mul3A_23 = arith.constant 10000 : i32
    %mul3A_24 = arith.muli %add3A_22, %mul3A_23 : i32
    %multiple_of3A = tpu.assume_multiple %mul3A_24, 8 : i32
    %dma_start3A = tpu.memref_slice %arg3[%multiple_of3A] : memref<320000xi32, #tpu.memory_space<hbm>> -> memref<200xi32, #tpu.memory_space<hbm>>
    %dma_start3A_25 = tpu.memref_slice %arg3[%multiple_of3A] : memref<320000xi32, #tpu.memory_space<hbm>> -> memref<200xi32, #tpu.memory_space<hbm>>
    tpu.enqueue_dma source(%dma_start3A_25 : memref<200xi32, #tpu.memory_space<hbm>>) target(%arg6 : memref<200xi32, #tpu.memory_space<vmem>>) target_semaphore(%arg12 : memref<!tpu.dma_semaphore, #tpu.memory_space<semaphore_mem>>)
    %dma_start3A_26 = tpu.memref_slice %arg4[%multiple_of3A] : memref<320000xi32, #tpu.memory_space<hbm>> -> memref<200xi32, #tpu.memory_space<hbm>>
    %dma_start3A_27 = tpu.memref_slice %arg4[%multiple_of3A] : memref<320000xi32, #tpu.memory_space<hbm>> -> memref<200xi32, #tpu.memory_space<hbm>>
    tpu.enqueue_dma source(%dma_start3A_27 : memref<200xi32, #tpu.memory_space<hbm>>) target(%arg7 : memref<200xi32, #tpu.memory_space<vmem>>) target_semaphore(%arg12 : memref<!tpu.dma_semaphore, #tpu.memory_space<semaphore_mem>>)
    %scan3A_28 = arith.constant 0 : i32
    %scan3A_29 = arith.constant 0 : i32
    %scan3A_30 = arith.constant 25 : i32
    %scan3A_31 = arith.addi %scan3A_29, %scan3A_30 : i32
    %scan3A_32 = arith.constant 1 : i32
    scf.for %scan3A_72 = %scan3A_29 to %scan3A_31 step %scan3A_32  : i32 {
      %mul3A_73 = arith.constant 2 : i32
      %mul3A_74 = arith.muli %mul3A_73, %scan3A_72 : i32
      %add3A_75 = arith.constant 1 : i32
      %add3A_76 = arith.addi %mul3A_74, %add3A_75 : i32
      %mul3A_77 = arith.constant 200 : i32
      %mul3A_78 = arith.muli %add3A_76, %mul3A_77 : i32
      %add3A_79 = arith.addi %mul3A_24, %mul3A_78 : i32
      %multiple_of3A_80 = tpu.assume_multiple %add3A_79, 8 : i32
      %mul3A_81 = arith.constant 2 : i32
      %mul3A_82 = arith.muli %mul3A_81, %scan3A_72 : i32
      %add3A_83 = arith.constant 2 : i32
      %add3A_84 = arith.addi %mul3A_82, %add3A_83 : i32
      %jit3A = arith.constant 50 : i32
      %eq3A = arith.constant 0 : i32
      %eq3A_85 = arith.cmpi eq, %jit3A, %eq3A : i32
      %jit3A_86 = arith.constant 1 : i32
      %select_n3A = arith.select %eq3A_85, %jit3A_86, %jit3A : i32
      %rem3A = arith.remsi %add3A_84, %select_n3A : i32
      %ne3A = arith.constant 0 : i32
      %ne3A_87 = arith.cmpi ne, %rem3A, %ne3A : i32
      %lt3A = arith.constant 0 : i32
      %lt3A_88 = arith.cmpi slt, %rem3A, %lt3A : i32
      %lt3A_89 = arith.constant 0 : i32
      %lt3A_90 = arith.cmpi slt, %select_n3A, %lt3A_89 : i32
      %ne3A_91 = arith.xori %lt3A_88, %lt3A_90 : i1
      %and3A = arith.andi %ne3A_91, %ne3A_87 : i1
      %add3A_92 = arith.addi %rem3A, %select_n3A : i32
      %select_n3A_93 = arith.select %and3A, %add3A_92, %rem3A : i32
      %mul3A_94 = arith.constant 200 : i32
      %mul3A_95 = arith.muli %select_n3A_93, %mul3A_94 : i32
      %add3A_96 = arith.addi %mul3A_24, %mul3A_95 : i32
      %multiple_of3A_97 = tpu.assume_multiple %add3A_96, 8 : i32
      %dma_wait3A_98 = arith.constant 0 : i32
      %dma_wait3A_99 = tpu.memref_slice %arg3[%dma_wait3A_98] : memref<320000xi32, #tpu.memory_space<hbm>> -> memref<200xi32, #tpu.memory_space<hbm>>
      %dma_wait3A_100 = arith.constant 0 : i32
      %dma_wait3A_101 = tpu.memref_slice %arg3[%dma_wait3A_100] : memref<320000xi32, #tpu.memory_space<hbm>> -> memref<200xi32, #tpu.memory_space<hbm>>
      tpu.wait_dma2 semaphore(%arg12 : memref<!tpu.dma_semaphore, #tpu.memory_space<semaphore_mem>>) src(%dma_wait3A_101 : memref<200xi32, #tpu.memory_space<hbm>>) dst(%arg6 : memref<200xi32, #tpu.memory_space<vmem>>)
      %dma_wait3A_102 = arith.constant 0 : i32
      %dma_wait3A_103 = tpu.memref_slice %arg3[%dma_wait3A_102] : memref<320000xi32, #tpu.memory_space<hbm>> -> memref<200xi32, #tpu.memory_space<hbm>>
      %dma_wait3A_104 = arith.constant 0 : i32
      %dma_wait3A_105 = tpu.memref_slice %arg3[%dma_wait3A_104] : memref<320000xi32, #tpu.memory_space<hbm>> -> memref<200xi32, #tpu.memory_space<hbm>>
      tpu.wait_dma2 semaphore(%arg12 : memref<!tpu.dma_semaphore, #tpu.memory_space<semaphore_mem>>) src(%dma_wait3A_105 : memref<200xi32, #tpu.memory_space<hbm>>) dst(%arg7 : memref<200xi32, #tpu.memory_space<vmem>>)
      %dma_start3A_106 = tpu.memref_slice %arg3[%multiple_of3A_80] : memref<320000xi32, #tpu.memory_space<hbm>> -> memref<200xi32, #tpu.memory_space<hbm>>
      %dma_start3A_107 = tpu.memref_slice %arg3[%multiple_of3A_80] : memref<320000xi32, #tpu.memory_space<hbm>> -> memref<200xi32, #tpu.memory_space<hbm>>
      tpu.enqueue_dma source(%dma_start3A_107 : memref<200xi32, #tpu.memory_space<hbm>>) target(%arg8 : memref<200xi32, #tpu.memory_space<vmem>>) target_semaphore(%arg13 : memref<!tpu.dma_semaphore, #tpu.memory_space<semaphore_mem>>)
      %dma_start3A_108 = tpu.memref_slice %arg4[%multiple_of3A_80] : memref<320000xi32, #tpu.memory_space<hbm>> -> memref<200xi32, #tpu.memory_space<hbm>>
      %dma_start3A_109 = tpu.memref_slice %arg4[%multiple_of3A_80] : memref<320000xi32, #tpu.memory_space<hbm>> -> memref<200xi32, #tpu.memory_space<hbm>>
      tpu.enqueue_dma source(%dma_start3A_109 : memref<200xi32, #tpu.memory_space<hbm>>) target(%arg9 : memref<200xi32, #tpu.memory_space<vmem>>) target_semaphore(%arg13 : memref<!tpu.dma_semaphore, #tpu.memory_space<semaphore_mem>>)
      "tpu.region"() ({
        %run_scoped3A = tpu.sem_alloc : memref<!tpu.dma_semaphore, #tpu.memory_space<semaphore_mem>>
        %dma_start3A_122 = arith.constant 0 : i32
        %dma_start3A_123 = arith.constant 0 : i32
        %dma_start3A_124 = tpu.memref_slice %arg2[%dma_start3A_122, %dma_start3A_123] : memref<20000x128xf32, #tpu.memory_space<hbm>> -> memref<20000x128xf32, #tpu.memory_space<hbm>>
        tpu.enqueue_indirect_dma source(%dma_start3A_124 : memref<20000x128xf32, #tpu.memory_space<hbm>>) target(%arg10 : memref<200x128xf32, #tpu.memory_space<vmem>>) offsets(%arg6 : memref<200xi32, #tpu.memory_space<vmem>>) semaphore(%run_scoped3A : memref<!tpu.dma_semaphore, #tpu.memory_space<semaphore_mem>>)
        %dma_wait3A_125 = arith.constant 0 : i32
        %dma_wait3A_126 = arith.constant 0 : i32
        %dma_wait3A_127 = tpu.memref_slice %arg2[%dma_wait3A_125, %dma_wait3A_126] : memref<20000x128xf32, #tpu.memory_space<hbm>> -> memref<20000x128xf32, #tpu.memory_space<hbm>>
        tpu.wait_indirect_dma semaphore(%run_scoped3A : memref<!tpu.dma_semaphore, #tpu.memory_space<semaphore_mem>>) src(%dma_wait3A_127 : memref<20000x128xf32, #tpu.memory_space<hbm>>) dst(%arg10 : memref<200x128xf32, #tpu.memory_space<vmem>>)
        tpu.yield
      }) : () -> ()
      "tpu.region"() ({
        %run_scoped3A = tpu.sem_alloc : memref<!tpu.dma_semaphore, #tpu.memory_space<semaphore_mem>>
        %dma_start3A_122 = arith.constant 0 : i32
        %dma_start3A_123 = arith.constant 0 : i32
        %dma_start3A_124 = tpu.memref_slice %arg11[%dma_start3A_122, %dma_start3A_123] : memref<10240x128xf32, #tpu.memory_space<vmem_shared>> -> memref<10240x128xf32, #tpu.memory_space<vmem_shared>>
        tpu.enqueue_indirect_dma source(%arg10 : memref<200x128xf32, #tpu.memory_space<vmem>>) target(%dma_start3A_124 : memref<10240x128xf32, #tpu.memory_space<vmem_shared>>) offsets(%arg7 : memref<200xi32, #tpu.memory_space<vmem>>) semaphore(%run_scoped3A : memref<!tpu.dma_semaphore, #tpu.memory_space<semaphore_mem>>) {add = true}
        %dma_wait3A_125 = arith.constant 0 : i32
        %dma_wait3A_126 = arith.constant 0 : i32
        %dma_wait3A_127 = tpu.memref_slice %arg11[%dma_wait3A_125, %dma_wait3A_126] : memref<10240x128xf32, #tpu.memory_space<vmem_shared>> -> memref<10240x128xf32, #tpu.memory_space<vmem_shared>>
        tpu.wait_indirect_dma semaphore(%run_scoped3A : memref<!tpu.dma_semaphore, #tpu.memory_space<semaphore_mem>>) src(%arg10 : memref<200x128xf32, #tpu.memory_space<vmem>>) dst(%dma_wait3A_127 : memref<10240x128xf32, #tpu.memory_space<vmem_shared>>)
        tpu.yield
      }) : () -> ()
      %dma_wait3A_110 = arith.constant 0 : i32
      %dma_wait3A_111 = tpu.memref_slice %arg3[%dma_wait3A_110] : memref<320000xi32, #tpu.memory_space<hbm>> -> memref<200xi32, #tpu.memory_space<hbm>>
      %dma_wait3A_112 = arith.constant 0 : i32
      %dma_wait3A_113 = tpu.memref_slice %arg3[%dma_wait3A_112] : memref<320000xi32, #tpu.memory_space<hbm>> -> memref<200xi32, #tpu.memory_space<hbm>>
      tpu.wait_dma2 semaphore(%arg13 : memref<!tpu.dma_semaphore, #tpu.memory_space<semaphore_mem>>) src(%dma_wait3A_113 : memref<200xi32, #tpu.memory_space<hbm>>) dst(%arg8 : memref<200xi32, #tpu.memory_space<vmem>>)
      %dma_wait3A_114 = arith.constant 0 : i32
      %dma_wait3A_115 = tpu.memref_slice %arg3[%dma_wait3A_114] : memref<320000xi32, #tpu.memory_space<hbm>> -> memref<200xi32, #tpu.memory_space<hbm>>
      %dma_wait3A_116 = arith.constant 0 : i32
      %dma_wait3A_117 = tpu.memref_slice %arg3[%dma_wait3A_116] : memref<320000xi32, #tpu.memory_space<hbm>> -> memref<200xi32, #tpu.memory_space<hbm>>
      tpu.wait_dma2 semaphore(%arg13 : memref<!tpu.dma_semaphore, #tpu.memory_space<semaphore_mem>>) src(%dma_wait3A_117 : memref<200xi32, #tpu.memory_space<hbm>>) dst(%arg9 : memref<200xi32, #tpu.memory_space<vmem>>)
      %dma_start3A_118 = tpu.memref_slice %arg3[%multiple_of3A_97] : memref<320000xi32, #tpu.memory_space<hbm>> -> memref<200xi32, #tpu.memory_space<hbm>>
      %dma_start3A_119 = tpu.memref_slice %arg3[%multiple_of3A_97] : memref<320000xi32, #tpu.memory_space<hbm>> -> memref<200xi32, #tpu.memory_space<hbm>>
      tpu.enqueue_dma source(%dma_start3A_119 : memref<200xi32, #tpu.memory_space<hbm>>) target(%arg6 : memref<200xi32, #tpu.memory_space<vmem>>) target_semaphore(%arg12 : memref<!tpu.dma_semaphore, #tpu.memory_space<semaphore_mem>>)
      %dma_start3A_120 = tpu.memref_slice %arg4[%multiple_of3A_97] : memref<320000xi32, #tpu.memory_space<hbm>> -> memref<200xi32, #tpu.memory_space<hbm>>
      %dma_start3A_121 = tpu.memref_slice %arg4[%multiple_of3A_97] : memref<320000xi32, #tpu.memory_space<hbm>> -> memref<200xi32, #tpu.memory_space<hbm>>
      tpu.enqueue_dma source(%dma_start3A_121 : memref<200xi32, #tpu.memory_space<hbm>>) target(%arg7 : memref<200xi32, #tpu.memory_space<vmem>>) target_semaphore(%arg12 : memref<!tpu.dma_semaphore, #tpu.memory_space<semaphore_mem>>)
      "tpu.region"() ({
        %run_scoped3A = tpu.sem_alloc : memref<!tpu.dma_semaphore, #tpu.memory_space<semaphore_mem>>
        %dma_start3A_122 = arith.constant 0 : i32
        %dma_start3A_123 = arith.constant 0 : i32
        %dma_start3A_124 = tpu.memref_slice %arg2[%dma_start3A_122, %dma_start3A_123] : memref<20000x128xf32, #tpu.memory_space<hbm>> -> memref<20000x128xf32, #tpu.memory_space<hbm>>
        tpu.enqueue_indirect_dma source(%dma_start3A_124 : memref<20000x128xf32, #tpu.memory_space<hbm>>) target(%arg10 : memref<200x128xf32, #tpu.memory_space<vmem>>) offsets(%arg8 : memref<200xi32, #tpu.memory_space<vmem>>) semaphore(%run_scoped3A : memref<!tpu.dma_semaphore, #tpu.memory_space<semaphore_mem>>)
        %dma_wait3A_125 = arith.constant 0 : i32
        %dma_wait3A_126 = arith.constant 0 : i32
        %dma_wait3A_127 = tpu.memref_slice %arg2[%dma_wait3A_125, %dma_wait3A_126] : memref<20000x128xf32, #tpu.memory_space<hbm>> -> memref<20000x128xf32, #tpu.memory_space<hbm>>
        tpu.wait_indirect_dma semaphore(%run_scoped3A : memref<!tpu.dma_semaphore, #tpu.memory_space<semaphore_mem>>) src(%dma_wait3A_127 : memref<20000x128xf32, #tpu.memory_space<hbm>>) dst(%arg10 : memref<200x128xf32, #tpu.memory_space<vmem>>)
        tpu.yield
      }) : () -> ()
      "tpu.region"() ({
        %run_scoped3A = tpu.sem_alloc : memref<!tpu.dma_semaphore, #tpu.memory_space<semaphore_mem>>
        %dma_start3A_122 = arith.constant 0 : i32
        %dma_start3A_123 = arith.constant 0 : i32
        %dma_start3A_124 = tpu.memref_slice %arg11[%dma_start3A_122, %dma_start3A_123] : memref<10240x128xf32, #tpu.memory_space<vmem_shared>> -> memref<10240x128xf32, #tpu.memory_space<vmem_shared>>
        tpu.enqueue_indirect_dma source(%arg10 : memref<200x128xf32, #tpu.memory_space<vmem>>) target(%dma_start3A_124 : memref<10240x128xf32, #tpu.memory_space<vmem_shared>>) offsets(%arg9 : memref<200xi32, #tpu.memory_space<vmem>>) semaphore(%run_scoped3A : memref<!tpu.dma_semaphore, #tpu.memory_space<semaphore_mem>>) {add = true}
        %dma_wait3A_125 = arith.constant 0 : i32
        %dma_wait3A_126 = arith.constant 0 : i32
        %dma_wait3A_127 = tpu.memref_slice %arg11[%dma_wait3A_125, %dma_wait3A_126] : memref<10240x128xf32, #tpu.memory_space<vmem_shared>> -> memref<10240x128xf32, #tpu.memory_space<vmem_shared>>
        tpu.wait_indirect_dma semaphore(%run_scoped3A : memref<!tpu.dma_semaphore, #tpu.memory_space<semaphore_mem>>) src(%arg10 : memref<200x128xf32, #tpu.memory_space<vmem>>) dst(%dma_wait3A_127 : memref<10240x128xf32, #tpu.memory_space<vmem_shared>>)
        tpu.yield
      }) : () -> ()
    }
    %scan3A_33 = arith.constant 25 : i32
    %dma_wait3A = arith.constant 0 : i32
    %dma_wait3A_34 = tpu.memref_slice %arg3[%dma_wait3A] : memref<320000xi32, #tpu.memory_space<hbm>> -> memref<200xi32, #tpu.memory_space<hbm>>
    %dma_wait3A_35 = arith.constant 0 : i32
    %dma_wait3A_36 = tpu.memref_slice %arg3[%dma_wait3A_35] : memref<320000xi32, #tpu.memory_space<hbm>> -> memref<200xi32, #tpu.memory_space<hbm>>
    tpu.wait_dma2 semaphore(%arg12 : memref<!tpu.dma_semaphore, #tpu.memory_space<semaphore_mem>>) src(%dma_wait3A_36 : memref<200xi32, #tpu.memory_space<hbm>>) dst(%arg6 : memref<200xi32, #tpu.memory_space<vmem>>)
    %dma_wait3A_37 = arith.constant 0 : i32
    %dma_wait3A_38 = tpu.memref_slice %arg3[%dma_wait3A_37] : memref<320000xi32, #tpu.memory_space<hbm>> -> memref<200xi32, #tpu.memory_space<hbm>>
    %dma_wait3A_39 = arith.constant 0 : i32
    %dma_wait3A_40 = tpu.memref_slice %arg3[%dma_wait3A_39] : memref<320000xi32, #tpu.memory_space<hbm>> -> memref<200xi32, #tpu.memory_space<hbm>>
    tpu.wait_dma2 semaphore(%arg12 : memref<!tpu.dma_semaphore, #tpu.memory_space<semaphore_mem>>) src(%dma_wait3A_40 : memref<200xi32, #tpu.memory_space<hbm>>) dst(%arg7 : memref<200xi32, #tpu.memory_space<vmem>>)
    %barrier3A_41 = arith.constant 0 : index
    tpu.barrier barrier_id(%barrier3A_41)
    %mul3A_42 = arith.constant 10240 : i32
    %mul3A_43 = arith.muli %arg0, %mul3A_42 : i32
    %mul3A_44 = arith.constant 640 : i32
    %mul3A_45 = arith.muli %arg1, %mul3A_44 : i32
    %add3A_46 = arith.addi %mul3A_43, %mul3A_45 : i32
    %multiple_of3A_47 = tpu.assume_multiple %add3A_46, 8 : i32
    %mul3A_48 = arith.constant 640 : i32
    %mul3A_49 = arith.muli %arg1, %mul3A_48 : i32
    %add3A_50 = arith.constant 0 : i32
    %add3A_51 = arith.addi %mul3A_49, %add3A_50 : i32
    "tpu.region"() ({
      %run_scoped3A = tpu.sem_alloc : memref<!tpu.dma_semaphore, #tpu.memory_space<semaphore_mem>>
      %dma_start3A_72 = arith.constant 0 : i32
      %dma_start3A_73 = arith.constant 0 : i32
      %dma_start3A_74 = tpu.memref_slice %arg10[%dma_start3A_72, %dma_start3A_73] : memref<200x128xf32, #tpu.memory_space<vmem>> -> memref<200x128xf32, #tpu.memory_space<vmem>>
      %dma_start3A_75 = arith.constant 0 : i32
      %dma_start3A_76 = tpu.memref_slice %arg11[%add3A_51, %dma_start3A_75] : memref<10240x128xf32, #tpu.memory_space<vmem_shared>> -> memref<200x128xf32, #tpu.memory_space<vmem_shared>>
      %dma_start3A_77 = arith.constant 0 : i32
      %dma_start3A_78 = arith.constant 0 : i32
      %dma_start3A_79 = tpu.memref_slice %arg10[%dma_start3A_77, %dma_start3A_78] : memref<200x128xf32, #tpu.memory_space<vmem>> -> memref<200x128xf32, #tpu.memory_space<vmem>>
      %dma_start3A_80 = arith.constant 0 : i32
      %dma_start3A_81 = tpu.memref_slice %arg11[%add3A_51, %dma_start3A_80] : memref<10240x128xf32, #tpu.memory_space<vmem_shared>> -> memref<200x128xf32, #tpu.memory_space<vmem_shared>>
      tpu.enqueue_dma source(%dma_start3A_81 : memref<200x128xf32, #tpu.memory_space<vmem_shared>>) target(%dma_start3A_79 : memref<200x128xf32, #tpu.memory_space<vmem>>) target_semaphore(%run_scoped3A : memref<!tpu.dma_semaphore, #tpu.memory_space<semaphore_mem>>)
      %dma_wait3A_82 = arith.constant 0 : i32
      %dma_wait3A_83 = arith.constant 0 : i32
      %dma_wait3A_84 = tpu.memref_slice %arg10[%dma_wait3A_82, %dma_wait3A_83] : memref<200x128xf32, #tpu.memory_space<vmem>> -> memref<200x128xf32, #tpu.memory_space<vmem>>
      %dma_wait3A_85 = arith.constant 0 : i32
      %dma_wait3A_86 = tpu.memref_slice %arg11[%add3A_51, %dma_wait3A_85] : memref<10240x128xf32, #tpu.memory_space<vmem_shared>> -> memref<200x128xf32, #tpu.memory_space<vmem_shared>>
      %dma_wait3A_87 = arith.constant 0 : i32
      %dma_wait3A_88 = arith.constant 0 : i32
      %dma_wait3A_89 = tpu.memref_slice %arg10[%dma_wait3A_87, %dma_wait3A_88] : memref<200x128xf32, #tpu.memory_space<vmem>> -> memref<200x128xf32, #tpu.memory_space<vmem>>
      %dma_wait3A_90 = arith.constant 0 : i32
      %dma_wait3A_91 = tpu.memref_slice %arg11[%add3A_51, %dma_wait3A_90] : memref<10240x128xf32, #tpu.memory_space<vmem_shared>> -> memref<200x128xf32, #tpu.memory_space<vmem_shared>>
      tpu.wait_dma2 semaphore(%run_scoped3A : memref<!tpu.dma_semaphore, #tpu.memory_space<semaphore_mem>>) src(%dma_wait3A_91 : memref<200x128xf32, #tpu.memory_space<vmem_shared>>) dst(%dma_wait3A_89 : memref<200x128xf32, #tpu.memory_space<vmem>>)
      tpu.yield
    }) : () -> ()
    %add3A_52 = arith.constant 0 : i32
    %add3A_53 = arith.addi %multiple_of3A_47, %add3A_52 : i32
    "tpu.region"() ({
      %run_scoped3A = tpu.sem_alloc : memref<!tpu.dma_semaphore, #tpu.memory_space<semaphore_mem>>
      %dma_start3A_72 = arith.constant 0 : i32
      %dma_start3A_73 = arith.constant 0 : i32
      %dma_start3A_74 = tpu.memref_slice %arg10[%dma_start3A_72, %dma_start3A_73] : memref<200x128xf32, #tpu.memory_space<vmem>> -> memref<200x128xf32, #tpu.memory_space<vmem>>
      %dma_start3A_75 = arith.constant 0 : i32
      %dma_start3A_76 = tpu.memref_slice %arg5[%add3A_53, %dma_start3A_75] : memref<20480x128xf32, #tpu.memory_space<hbm>> -> memref<200x128xf32, #tpu.memory_space<hbm>>
      %dma_start3A_77 = arith.constant 0 : i32
      %dma_start3A_78 = tpu.memref_slice %arg5[%add3A_53, %dma_start3A_77] : memref<20480x128xf32, #tpu.memory_space<hbm>> -> memref<200x128xf32, #tpu.memory_space<hbm>>
      %dma_start3A_79 = arith.constant 0 : i32
      %dma_start3A_80 = arith.constant 0 : i32
      %dma_start3A_81 = tpu.memref_slice %arg10[%dma_start3A_79, %dma_start3A_80] : memref<200x128xf32, #tpu.memory_space<vmem>> -> memref<200x128xf32, #tpu.memory_space<vmem>>
      tpu.enqueue_dma source(%dma_start3A_81 : memref<200x128xf32, #tpu.memory_space<vmem>>) target(%dma_start3A_78 : memref<200x128xf32, #tpu.memory_space<hbm>>) target_semaphore(%run_scoped3A : memref<!tpu.dma_semaphore, #tpu.memory_space<semaphore_mem>>)
      %dma_wait3A_82 = arith.constant 0 : i32
      %dma_wait3A_83 = arith.constant 0 : i32
      %dma_wait3A_84 = tpu.memref_slice %arg10[%dma_wait3A_82, %dma_wait3A_83] : memref<200x128xf32, #tpu.memory_space<vmem>> -> memref<200x128xf32, #tpu.memory_space<vmem>>
      %dma_wait3A_85 = arith.constant 0 : i32
      %dma_wait3A_86 = tpu.memref_slice %arg5[%add3A_53, %dma_wait3A_85] : memref<20480x128xf32, #tpu.memory_space<hbm>> -> memref<200x128xf32, #tpu.memory_space<hbm>>
      %dma_wait3A_87 = arith.constant 0 : i32
      %dma_wait3A_88 = tpu.memref_slice %arg5[%add3A_53, %dma_wait3A_87] : memref<20480x128xf32, #tpu.memory_space<hbm>> -> memref<200x128xf32, #tpu.memory_space<hbm>>
      %dma_wait3A_89 = arith.constant 0 : i32
      %dma_wait3A_90 = arith.constant 0 : i32
      %dma_wait3A_91 = tpu.memref_slice %arg10[%dma_wait3A_89, %dma_wait3A_90] : memref<200x128xf32, #tpu.memory_space<vmem>> -> memref<200x128xf32, #tpu.memory_space<vmem>>
      tpu.wait_dma2 semaphore(%run_scoped3A : memref<!tpu.dma_semaphore, #tpu.memory_space<semaphore_mem>>) src(%dma_wait3A_91 : memref<200x128xf32, #tpu.memory_space<vmem>>) dst(%dma_wait3A_88 : memref<200x128xf32, #tpu.memory_space<hbm>>)
      tpu.yield
    }) : () -> ()
    %mul3A_54 = arith.constant 640 : i32
    %mul3A_55 = arith.muli %arg1, %mul3A_54 : i32
    %add3A_56 = arith.constant 200 : i32
    %add3A_57 = arith.addi %mul3A_55, %add3A_56 : i32
    "tpu.region"() ({
      %run_scoped3A = tpu.sem_alloc : memref<!tpu.dma_semaphore, #tpu.memory_space<semaphore_mem>>
      %dma_start3A_72 = arith.constant 0 : i32
      %dma_start3A_73 = arith.constant 0 : i32
      %dma_start3A_74 = tpu.memref_slice %arg10[%dma_start3A_72, %dma_start3A_73] : memref<200x128xf32, #tpu.memory_space<vmem>> -> memref<200x128xf32, #tpu.memory_space<vmem>>
      %dma_start3A_75 = arith.constant 0 : i32
      %dma_start3A_76 = tpu.memref_slice %arg11[%add3A_57, %dma_start3A_75] : memref<10240x128xf32, #tpu.memory_space<vmem_shared>> -> memref<200x128xf32, #tpu.memory_space<vmem_shared>>
      %dma_start3A_77 = arith.constant 0 : i32
      %dma_start3A_78 = arith.constant 0 : i32
      %dma_start3A_79 = tpu.memref_slice %arg10[%dma_start3A_77, %dma_start3A_78] : memref<200x128xf32, #tpu.memory_space<vmem>> -> memref<200x128xf32, #tpu.memory_space<vmem>>
      %dma_start3A_80 = arith.constant 0 : i32
      %dma_start3A_81 = tpu.memref_slice %arg11[%add3A_57, %dma_start3A_80] : memref<10240x128xf32, #tpu.memory_space<vmem_shared>> -> memref<200x128xf32, #tpu.memory_space<vmem_shared>>
      tpu.enqueue_dma source(%dma_start3A_81 : memref<200x128xf32, #tpu.memory_space<vmem_shared>>) target(%dma_start3A_79 : memref<200x128xf32, #tpu.memory_space<vmem>>) target_semaphore(%run_scoped3A : memref<!tpu.dma_semaphore, #tpu.memory_space<semaphore_mem>>)
      %dma_wait3A_82 = arith.constant 0 : i32
      %dma_wait3A_83 = arith.constant 0 : i32
      %dma_wait3A_84 = tpu.memref_slice %arg10[%dma_wait3A_82, %dma_wait3A_83] : memref<200x128xf32, #tpu.memory_space<vmem>> -> memref<200x128xf32, #tpu.memory_space<vmem>>
      %dma_wait3A_85 = arith.constant 0 : i32
      %dma_wait3A_86 = tpu.memref_slice %arg11[%add3A_57, %dma_wait3A_85] : memref<10240x128xf32, #tpu.memory_space<vmem_shared>> -> memref<200x128xf32, #tpu.memory_space<vmem_shared>>
      %dma_wait3A_87 = arith.constant 0 : i32
      %dma_wait3A_88 = arith.constant 0 : i32
      %dma_wait3A_89 = tpu.memref_slice %arg10[%dma_wait3A_87, %dma_wait3A_88] : memref<200x128xf32, #tpu.memory_space<vmem>> -> memref<200x128xf32, #tpu.memory_space<vmem>>
      %dma_wait3A_90 = arith.constant 0 : i32
      %dma_wait3A_91 = tpu.memref_slice %arg11[%add3A_57, %dma_wait3A_90] : memref<10240x128xf32, #tpu.memory_space<vmem_shared>> -> memref<200x128xf32, #tpu.memory_space<vmem_shared>>
      tpu.wait_dma2 semaphore(%run_scoped3A : memref<!tpu.dma_semaphore, #tpu.memory_space<semaphore_mem>>) src(%dma_wait3A_91 : memref<200x128xf32, #tpu.memory_space<vmem_shared>>) dst(%dma_wait3A_89 : memref<200x128xf32, #tpu.memory_space<vmem>>)
      tpu.yield
    }) : () -> ()
    %add3A_58 = arith.constant 200 : i32
    %add3A_59 = arith.addi %multiple_of3A_47, %add3A_58 : i32
    "tpu.region"() ({
      %run_scoped3A = tpu.sem_alloc : memref<!tpu.dma_semaphore, #tpu.memory_space<semaphore_mem>>
      %dma_start3A_72 = arith.constant 0 : i32
      %dma_start3A_73 = arith.constant 0 : i32
      %dma_start3A_74 = tpu.memref_slice %arg10[%dma_start3A_72, %dma_start3A_73] : memref<200x128xf32, #tpu.memory_space<vmem>> -> memref<200x128xf32, #tpu.memory_space<vmem>>
      %dma_start3A_75 = arith.constant 0 : i32
      %dma_start3A_76 = tpu.memref_slice %arg5[%add3A_59, %dma_start3A_75] : memref<20480x128xf32, #tpu.memory_space<hbm>> -> memref<200x128xf32, #tpu.memory_space<hbm>>
      %dma_start3A_77 = arith.constant 0 : i32
      %dma_start3A_78 = tpu.memref_slice %arg5[%add3A_59, %dma_start3A_77] : memref<20480x128xf32, #tpu.memory_space<hbm>> -> memref<200x128xf32, #tpu.memory_space<hbm>>
      %dma_start3A_79 = arith.constant 0 : i32
      %dma_start3A_80 = arith.constant 0 : i32
      %dma_start3A_81 = tpu.memref_slice %arg10[%dma_start3A_79, %dma_start3A_80] : memref<200x128xf32, #tpu.memory_space<vmem>> -> memref<200x128xf32, #tpu.memory_space<vmem>>
      tpu.enqueue_dma source(%dma_start3A_81 : memref<200x128xf32, #tpu.memory_space<vmem>>) target(%dma_start3A_78 : memref<200x128xf32, #tpu.memory_space<hbm>>) target_semaphore(%run_scoped3A : memref<!tpu.dma_semaphore, #tpu.memory_space<semaphore_mem>>)
      %dma_wait3A_82 = arith.constant 0 : i32
      %dma_wait3A_83 = arith.constant 0 : i32
      %dma_wait3A_84 = tpu.memref_slice %arg10[%dma_wait3A_82, %dma_wait3A_83] : memref<200x128xf32, #tpu.memory_space<vmem>> -> memref<200x128xf32, #tpu.memory_space<vmem>>
      %dma_wait3A_85 = arith.constant 0 : i32
      %dma_wait3A_86 = tpu.memref_slice %arg5[%add3A_59, %dma_wait3A_85] : memref<20480x128xf32, #tpu.memory_space<hbm>> -> memref<200x128xf32, #tpu.memory_space<hbm>>
      %dma_wait3A_87 = arith.constant 0 : i32
      %dma_wait3A_88 = tpu.memref_slice %arg5[%add3A_59, %dma_wait3A_87] : memref<20480x128xf32, #tpu.memory_space<hbm>> -> memref<200x128xf32, #tpu.memory_space<hbm>>
      %dma_wait3A_89 = arith.constant 0 : i32
      %dma_wait3A_90 = arith.constant 0 : i32
      %dma_wait3A_91 = tpu.memref_slice %arg10[%dma_wait3A_89, %dma_wait3A_90] : memref<200x128xf32, #tpu.memory_space<vmem>> -> memref<200x128xf32, #tpu.memory_space<vmem>>
      tpu.wait_dma2 semaphore(%run_scoped3A : memref<!tpu.dma_semaphore, #tpu.memory_space<semaphore_mem>>) src(%dma_wait3A_91 : memref<200x128xf32, #tpu.memory_space<vmem>>) dst(%dma_wait3A_88 : memref<200x128xf32, #tpu.memory_space<hbm>>)
      tpu.yield
    }) : () -> ()
    %mul3A_60 = arith.constant 640 : i32
    %mul3A_61 = arith.muli %arg1, %mul3A_60 : i32
    %add3A_62 = arith.constant 400 : i32
    %add3A_63 = arith.addi %mul3A_61, %add3A_62 : i32
    "tpu.region"() ({
      %run_scoped3A = tpu.sem_alloc : memref<!tpu.dma_semaphore, #tpu.memory_space<semaphore_mem>>
      %dma_start3A_72 = arith.constant 0 : i32
      %dma_start3A_73 = arith.constant 0 : i32
      %dma_start3A_74 = tpu.memref_slice %arg10[%dma_start3A_72, %dma_start3A_73] : memref<200x128xf32, #tpu.memory_space<vmem>> -> memref<200x128xf32, #tpu.memory_space<vmem>>
      %dma_start3A_75 = arith.constant 0 : i32
      %dma_start3A_76 = tpu.memref_slice %arg11[%add3A_63, %dma_start3A_75] : memref<10240x128xf32, #tpu.memory_space<vmem_shared>> -> memref<200x128xf32, #tpu.memory_space<vmem_shared>>
      %dma_start3A_77 = arith.constant 0 : i32
      %dma_start3A_78 = arith.constant 0 : i32
      %dma_start3A_79 = tpu.memref_slice %arg10[%dma_start3A_77, %dma_start3A_78] : memref<200x128xf32, #tpu.memory_space<vmem>> -> memref<200x128xf32, #tpu.memory_space<vmem>>
      %dma_start3A_80 = arith.constant 0 : i32
      %dma_start3A_81 = tpu.memref_slice %arg11[%add3A_63, %dma_start3A_80] : memref<10240x128xf32, #tpu.memory_space<vmem_shared>> -> memref<200x128xf32, #tpu.memory_space<vmem_shared>>
      tpu.enqueue_dma source(%dma_start3A_81 : memref<200x128xf32, #tpu.memory_space<vmem_shared>>) target(%dma_start3A_79 : memref<200x128xf32, #tpu.memory_space<vmem>>) target_semaphore(%run_scoped3A : memref<!tpu.dma_semaphore, #tpu.memory_space<semaphore_mem>>)
      %dma_wait3A_82 = arith.constant 0 : i32
      %dma_wait3A_83 = arith.constant 0 : i32
      %dma_wait3A_84 = tpu.memref_slice %arg10[%dma_wait3A_82, %dma_wait3A_83] : memref<200x128xf32, #tpu.memory_space<vmem>> -> memref<200x128xf32, #tpu.memory_space<vmem>>
      %dma_wait3A_85 = arith.constant 0 : i32
      %dma_wait3A_86 = tpu.memref_slice %arg11[%add3A_63, %dma_wait3A_85] : memref<10240x128xf32, #tpu.memory_space<vmem_shared>> -> memref<200x128xf32, #tpu.memory_space<vmem_shared>>
      %dma_wait3A_87 = arith.constant 0 : i32
      %dma_wait3A_88 = arith.constant 0 : i32
      %dma_wait3A_89 = tpu.memref_slice %arg10[%dma_wait3A_87, %dma_wait3A_88] : memref<200x128xf32, #tpu.memory_space<vmem>> -> memref<200x128xf32, #tpu.memory_space<vmem>>
      %dma_wait3A_90 = arith.constant 0 : i32
      %dma_wait3A_91 = tpu.memref_slice %arg11[%add3A_63, %dma_wait3A_90] : memref<10240x128xf32, #tpu.memory_space<vmem_shared>> -> memref<200x128xf32, #tpu.memory_space<vmem_shared>>
      tpu.wait_dma2 semaphore(%run_scoped3A : memref<!tpu.dma_semaphore, #tpu.memory_space<semaphore_mem>>) src(%dma_wait3A_91 : memref<200x128xf32, #tpu.memory_space<vmem_shared>>) dst(%dma_wait3A_89 : memref<200x128xf32, #tpu.memory_space<vmem>>)
      tpu.yield
    }) : () -> ()
    %add3A_64 = arith.constant 400 : i32
    %add3A_65 = arith.addi %multiple_of3A_47, %add3A_64 : i32
    "tpu.region"() ({
      %run_scoped3A = tpu.sem_alloc : memref<!tpu.dma_semaphore, #tpu.memory_space<semaphore_mem>>
      %dma_start3A_72 = arith.constant 0 : i32
      %dma_start3A_73 = arith.constant 0 : i32
      %dma_start3A_74 = tpu.memref_slice %arg10[%dma_start3A_72, %dma_start3A_73] : memref<200x128xf32, #tpu.memory_space<vmem>> -> memref<200x128xf32, #tpu.memory_space<vmem>>
      %dma_start3A_75 = arith.constant 0 : i32
      %dma_start3A_76 = tpu.memref_slice %arg5[%add3A_65, %dma_start3A_75] : memref<20480x128xf32, #tpu.memory_space<hbm>> -> memref<200x128xf32, #tpu.memory_space<hbm>>
      %dma_start3A_77 = arith.constant 0 : i32
      %dma_start3A_78 = tpu.memref_slice %arg5[%add3A_65, %dma_start3A_77] : memref<20480x128xf32, #tpu.memory_space<hbm>> -> memref<200x128xf32, #tpu.memory_space<hbm>>
      %dma_start3A_79 = arith.constant 0 : i32
      %dma_start3A_80 = arith.constant 0 : i32
      %dma_start3A_81 = tpu.memref_slice %arg10[%dma_start3A_79, %dma_start3A_80] : memref<200x128xf32, #tpu.memory_space<vmem>> -> memref<200x128xf32, #tpu.memory_space<vmem>>
      tpu.enqueue_dma source(%dma_start3A_81 : memref<200x128xf32, #tpu.memory_space<vmem>>) target(%dma_start3A_78 : memref<200x128xf32, #tpu.memory_space<hbm>>) target_semaphore(%run_scoped3A : memref<!tpu.dma_semaphore, #tpu.memory_space<semaphore_mem>>)
      %dma_wait3A_82 = arith.constant 0 : i32
      %dma_wait3A_83 = arith.constant 0 : i32
      %dma_wait3A_84 = tpu.memref_slice %arg10[%dma_wait3A_82, %dma_wait3A_83] : memref<200x128xf32, #tpu.memory_space<vmem>> -> memref<200x128xf32, #tpu.memory_space<vmem>>
      %dma_wait3A_85 = arith.constant 0 : i32
      %dma_wait3A_86 = tpu.memref_slice %arg5[%add3A_65, %dma_wait3A_85] : memref<20480x128xf32, #tpu.memory_space<hbm>> -> memref<200x128xf32, #tpu.memory_space<hbm>>
      %dma_wait3A_87 = arith.constant 0 : i32
      %dma_wait3A_88 = tpu.memref_slice %arg5[%add3A_65, %dma_wait3A_87] : memref<20480x128xf32, #tpu.memory_space<hbm>> -> memref<200x128xf32, #tpu.memory_space<hbm>>
      %dma_wait3A_89 = arith.constant 0 : i32
      %dma_wait3A_90 = arith.constant 0 : i32
      %dma_wait3A_91 = tpu.memref_slice %arg10[%dma_wait3A_89, %dma_wait3A_90] : memref<200x128xf32, #tpu.memory_space<vmem>> -> memref<200x128xf32, #tpu.memory_space<vmem>>
      tpu.wait_dma2 semaphore(%run_scoped3A : memref<!tpu.dma_semaphore, #tpu.memory_space<semaphore_mem>>) src(%dma_wait3A_91 : memref<200x128xf32, #tpu.memory_space<vmem>>) dst(%dma_wait3A_88 : memref<200x128xf32, #tpu.memory_space<hbm>>)
      tpu.yield
    }) : () -> ()
    %mul3A_66 = arith.constant 640 : i32
    %mul3A_67 = arith.muli %arg1, %mul3A_66 : i32
    %add3A_68 = arith.constant 600 : i32
    %add3A_69 = arith.addi %mul3A_67, %add3A_68 : i32
    "tpu.region"() ({
      %run_scoped3A = tpu.sem_alloc : memref<!tpu.dma_semaphore, #tpu.memory_space<semaphore_mem>>
      %dma_start3A_72 = arith.constant 0 : i32
      %dma_start3A_73 = arith.constant 0 : i32
      %dma_start3A_74 = tpu.memref_slice %arg10[%dma_start3A_72, %dma_start3A_73] : memref<200x128xf32, #tpu.memory_space<vmem>> -> memref<40x128xf32, #tpu.memory_space<vmem>>
      %dma_start3A_75 = arith.constant 0 : i32
      %dma_start3A_76 = tpu.memref_slice %arg11[%add3A_69, %dma_start3A_75] : memref<10240x128xf32, #tpu.memory_space<vmem_shared>> -> memref<40x128xf32, #tpu.memory_space<vmem_shared>>
      %dma_start3A_77 = arith.constant 0 : i32
      %dma_start3A_78 = arith.constant 0 : i32
      %dma_start3A_79 = tpu.memref_slice %arg10[%dma_start3A_77, %dma_start3A_78] : memref<200x128xf32, #tpu.memory_space<vmem>> -> memref<40x128xf32, #tpu.memory_space<vmem>>
      %dma_start3A_80 = arith.constant 0 : i32
      %dma_start3A_81 = tpu.memref_slice %arg11[%add3A_69, %dma_start3A_80] : memref<10240x128xf32, #tpu.memory_space<vmem_shared>> -> memref<40x128xf32, #tpu.memory_space<vmem_shared>>
      tpu.enqueue_dma source(%dma_start3A_81 : memref<40x128xf32, #tpu.memory_space<vmem_shared>>) target(%dma_start3A_79 : memref<40x128xf32, #tpu.memory_space<vmem>>) target_semaphore(%run_scoped3A : memref<!tpu.dma_semaphore, #tpu.memory_space<semaphore_mem>>)
      %dma_wait3A_82 = arith.constant 0 : i32
      %dma_wait3A_83 = arith.constant 0 : i32
      %dma_wait3A_84 = tpu.memref_slice %arg10[%dma_wait3A_82, %dma_wait3A_83] : memref<200x128xf32, #tpu.memory_space<vmem>> -> memref<40x128xf32, #tpu.memory_space<vmem>>
      %dma_wait3A_85 = arith.constant 0 : i32
      %dma_wait3A_86 = tpu.memref_slice %arg11[%add3A_69, %dma_wait3A_85] : memref<10240x128xf32, #tpu.memory_space<vmem_shared>> -> memref<40x128xf32, #tpu.memory_space<vmem_shared>>
      %dma_wait3A_87 = arith.constant 0 : i32
      %dma_wait3A_88 = arith.constant 0 : i32
      %dma_wait3A_89 = tpu.memref_slice %arg10[%dma_wait3A_87, %dma_wait3A_88] : memref<200x128xf32, #tpu.memory_space<vmem>> -> memref<40x128xf32, #tpu.memory_space<vmem>>
      %dma_wait3A_90 = arith.constant 0 : i32
      %dma_wait3A_91 = tpu.memref_slice %arg11[%add3A_69, %dma_wait3A_90] : memref<10240x128xf32, #tpu.memory_space<vmem_shared>> -> memref<40x128xf32, #tpu.memory_space<vmem_shared>>
      tpu.wait_dma2 semaphore(%run_scoped3A : memref<!tpu.dma_semaphore, #tpu.memory_space<semaphore_mem>>) src(%dma_wait3A_91 : memref<40x128xf32, #tpu.memory_space<vmem_shared>>) dst(%dma_wait3A_89 : memref<40x128xf32, #tpu.memory_space<vmem>>)
      tpu.yield
    }) : () -> ()
    %add3A_70 = arith.constant 600 : i32
    %add3A_71 = arith.addi %multiple_of3A_47, %add3A_70 : i32
    "tpu.region"() ({
      %run_scoped3A = tpu.sem_alloc : memref<!tpu.dma_semaphore, #tpu.memory_space<semaphore_mem>>
      %dma_start3A_72 = arith.constant 0 : i32
      %dma_start3A_73 = arith.constant 0 : i32
      %dma_start3A_74 = tpu.memref_slice %arg10[%dma_start3A_72, %dma_start3A_73] : memref<200x128xf32, #tpu.memory_space<vmem>> -> memref<40x128xf32, #tpu.memory_space<vmem>>
      %dma_start3A_75 = arith.constant 0 : i32
      %dma_start3A_76 = tpu.memref_slice %arg5[%add3A_71, %dma_start3A_75] : memref<20480x128xf32, #tpu.memory_space<hbm>> -> memref<40x128xf32, #tpu.memory_space<hbm>>
      %dma_start3A_77 = arith.constant 0 : i32
      %dma_start3A_78 = tpu.memref_slice %arg5[%add3A_71, %dma_start3A_77] : memref<20480x128xf32, #tpu.memory_space<hbm>> -> memref<40x128xf32, #tpu.memory_space<hbm>>
      %dma_start3A_79 = arith.constant 0 : i32
      %dma_start3A_80 = arith.constant 0 : i32
      %dma_start3A_81 = tpu.memref_slice %arg10[%dma_start3A_79, %dma_start3A_80] : memref<200x128xf32, #tpu.memory_space<vmem>> -> memref<40x128xf32, #tpu.memory_space<vmem>>
      tpu.enqueue_dma source(%dma_start3A_81 : memref<40x128xf32, #tpu.memory_space<vmem>>) target(%dma_start3A_78 : memref<40x128xf32, #tpu.memory_space<hbm>>) target_semaphore(%run_scoped3A : memref<!tpu.dma_semaphore, #tpu.memory_space<semaphore_mem>>)
      %dma_wait3A_82 = arith.constant 0 : i32
      %dma_wait3A_83 = arith.constant 0 : i32
      %dma_wait3A_84 = tpu.memref_slice %arg10[%dma_wait3A_82, %dma_wait3A_83] : memref<200x128xf32, #tpu.memory_space<vmem>> -> memref<40x128xf32, #tpu.memory_space<vmem>>
      %dma_wait3A_85 = arith.constant 0 : i32
      %dma_wait3A_86 = tpu.memref_slice %arg5[%add3A_71, %dma_wait3A_85] : memref<20480x128xf32, #tpu.memory_space<hbm>> -> memref<40x128xf32, #tpu.memory_space<hbm>>
      %dma_wait3A_87 = arith.constant 0 : i32
      %dma_wait3A_88 = tpu.memref_slice %arg5[%add3A_71, %dma_wait3A_87] : memref<20480x128xf32, #tpu.memory_space<hbm>> -> memref<40x128xf32, #tpu.memory_space<hbm>>
      %dma_wait3A_89 = arith.constant 0 : i32
      %dma_wait3A_90 = arith.constant 0 : i32
      %dma_wait3A_91 = tpu.memref_slice %arg10[%dma_wait3A_89, %dma_wait3A_90] : memref<200x128xf32, #tpu.memory_space<vmem>> -> memref<40x128xf32, #tpu.memory_space<vmem>>
      tpu.wait_dma2 semaphore(%run_scoped3A : memref<!tpu.dma_semaphore, #tpu.memory_space<semaphore_mem>>) src(%dma_wait3A_91 : memref<40x128xf32, #tpu.memory_space<vmem>>) dst(%dma_wait3A_88 : memref<40x128xf32, #tpu.memory_space<hbm>>)
      tpu.yield
    }) : () -> ()
    return
  }
}

module attributes {stable_mosaic.version = 14 : i64} {
  func.func @_tca_body(%arg0: i32, %arg1: i32, %arg2: memref<1000x256xf32, #tpu.memory_space<vmem>>, %arg3: memref<256x128xf32, #tpu.memory_space<vmem>>, %arg4: memref<1x1000x128xf32, #tpu.memory_space<vmem>>, %arg5: memref<1000x128xf32, #tpu.memory_space<vmem>>) attributes {dimension_semantics = [#tpu.dimension_semantics<arbitrary>, #tpu.dimension_semantics<arbitrary>], iteration_bounds = array<i64: 10, 2>, scalar_prefetch = 0 : i64, scratch_operands = 0 : i64, tpu.core_type = #tpu.core_type<tc>, window_params = [{transform_indices = @transform_0, window_bounds = array<i64: 1000, 256>}, {transform_indices = @transform_1, window_bounds = array<i64: 256, 128>}, {transform_indices = @transform_2, window_bounds = array<i64: 1, 1000, 128>}, {transform_indices = @transform_3, window_bounds = array<i64: 1000, 128>}]} {
    %get3A = arith.constant 0 : index
    %get3A_0 = arith.constant 0 : index
    %get3A_1 = arith.constant 0 : index
    %get3A_2 = vector.load %arg4[%get3A, %get3A_0, %get3A_1] : memref<1x1000x128xf32, #tpu.memory_space<vmem>>, vector<1x1000x1xf32>
    %get3A_3 = vector.shape_cast %get3A_2 : vector<1x1000x1xf32> to vector<1000x1xf32>
    %add3A = arith.constant 1.000000e+00 : f32
    %add3A_4 = vector.broadcast %add3A : f32 to vector<1000x1xf32>
    %add3A_5 = arith.addf %get3A_3, %add3A_4 : vector<1000x1xf32>
    %rsqrt3A = math.rsqrt %add3A_5 : vector<1000x1xf32>
    %get3A_6 = arith.constant 0 : index
    %get3A_7 = arith.constant 0 : index
    %get3A_8 = vector.load %arg2[%get3A_6, %get3A_7] : memref<1000x256xf32, #tpu.memory_space<vmem>>, vector<1000x256xf32>
    %get3A_9 = arith.constant 0 : index
    %get3A_10 = arith.constant 0 : index
    %get3A_11 = vector.load %arg3[%get3A_9, %get3A_10] : memref<256x128xf32, #tpu.memory_space<vmem>>, vector<256x128xf32>
    %dot_general3A = arith.constant dense<0.000000e+00> : vector<1000x128xf32>
    %dot_general3A_12 = tpu.matmul %get3A_8, %get3A_11, %dot_general3A {dimension_numbers = #tpu.dot_dimension_numbers<[1], [0], [0], [1], [0, 0, 1, 1], [], []>, transpose_lhs_hint = false} : vector<1000x256xf32>, vector<256x128xf32>, vector<1000x128xf32> -> vector<1000x128xf32>
    %mul3A = vector.broadcast %rsqrt3A : vector<1000x1xf32> to vector<1000x128xf32>
    %mul3A_13 = arith.mulf %dot_general3A_12, %mul3A : vector<1000x128xf32>
    %swap3A = arith.constant 0 : index
    %swap3A_14 = arith.constant 0 : index
    %swap3A_15 = vector.load %arg5[%swap3A, %swap3A_14] : memref<1000x128xf32, #tpu.memory_space<vmem>>, vector<1000x128xf32>
    tpu.vector_store %arg5[%swap3A, %swap3A_14], %mul3A_13 {strides = array<i32>} : memref<1000x128xf32, #tpu.memory_space<vmem>>, vector<1000x128xf32>,
    return
  }
  func.func @transform_0(%arg0: i32, %arg1: i32) -> (i32, i32) {
    %c0_i32 = arith.constant 0 : i32
    %c0_i32_0 = arith.constant 0 : i32
    return %arg0, %c0_i32 : i32, i32
  }
  func.func @transform_1(%arg0: i32, %arg1: i32) -> (i32, i32) {
    %c0_i32 = arith.constant 0 : i32
    %c0_i32_0 = arith.constant 0 : i32
    return %c0_i32, %arg1 : i32, i32
  }
  func.func @transform_2(%arg0: i32, %arg1: i32) -> (i32, i32, i32) {
    %c0_i32 = arith.constant 0 : i32
    %c0_i32_0 = arith.constant 0 : i32
    %c0_i32_1 = arith.constant 0 : i32
    return %c0_i32, %arg0, %c0_i32_0 : i32, i32, i32
  }
  func.func @transform_3(%arg0: i32, %arg1: i32) -> (i32, i32) {
    %mul3A = arith.constant 10 : i32
    %mul3A_0 = arith.muli %arg1, %mul3A : i32
    %add3A = arith.addi %mul3A_0, %arg0 : i32
    %c0_i32 = arith.constant 0 : i32
    %c0_i32_1 = arith.constant 0 : i32
    return %add3A, %c0_i32 : i32, i32
  }
}

module attributes {stable_mosaic.version = 14 : i64} {
  func.func @_tcb_body(%arg0: i32, %arg1: memref<2x1000x128xf32, #tpu.memory_space<vmem>>, %arg2: memref<2x1000x128xf32, #tpu.memory_space<vmem>>, %arg3: memref<1x1000x128xf32, #tpu.memory_space<vmem>>, %arg4: memref<256x64xf32, #tpu.memory_space<vmem>>, %arg5: memref<1x256xf32, #tpu.memory_space<vmem>>, %arg6: memref<1000x128xf32, #tpu.memory_space<vmem>>) attributes {dimension_semantics = [#tpu.dimension_semantics<arbitrary>], iteration_bounds = array<i64: 10>, scalar_prefetch = 0 : i64, scratch_operands = 0 : i64, tpu.core_type = #tpu.core_type<tc>, window_params = [{transform_indices = @transform_0, window_bounds = array<i64: 2, 1000, 128>}, {transform_indices = @transform_1, window_bounds = array<i64: 2, 1000, 128>}, {transform_indices = @transform_2, window_bounds = array<i64: 1, 1000, 128>}, {pipeline_mode = #tpu.pipeline_mode<synchronous>, transform_indices = @transform_3, window_bounds = array<i64: 256, 64>}, {pipeline_mode = #tpu.pipeline_mode<synchronous>, transform_indices = @transform_4, window_bounds = array<i64: 1, 256>}, {transform_indices = @transform_5, window_bounds = array<i64: 1000, 128>}]} {
    %get3A = arith.constant 0 : index
    %get3A_0 = arith.constant 0 : index
    %get3A_1 = arith.constant 0 : index
    %get3A_2 = vector.load %arg3[%get3A, %get3A_0, %get3A_1] : memref<1x1000x128xf32, #tpu.memory_space<vmem>>, vector<1x1000x1xf32>
    %get3A_3 = vector.shape_cast %get3A_2 : vector<1x1000x1xf32> to vector<1000x1xf32>
    %add3A = arith.constant 1.000000e+00 : f32
    %add3A_4 = vector.broadcast %add3A : f32 to vector<1000x1xf32>
    %add3A_5 = arith.addf %get3A_3, %add3A_4 : vector<1000x1xf32>
    %rsqrt3A = math.rsqrt %add3A_5 : vector<1000x1xf32>
    %get3A_6 = arith.constant 0 : index
    %get3A_7 = arith.constant 0 : index
    %get3A_8 = arith.constant 0 : index
    %get3A_9 = vector.load %arg1[%get3A_6, %get3A_7, %get3A_8] : memref<2x1000x128xf32, #tpu.memory_space<vmem>>, vector<1x1000x128xf32>
    %get3A_10 = vector.shape_cast %get3A_9 : vector<1x1000x128xf32> to vector<1000x128xf32>
    %get3A_11 = arith.constant 1 : index
    %get3A_12 = arith.constant 0 : index
    %get3A_13 = arith.constant 0 : index
    %get3A_14 = vector.load %arg1[%get3A_11, %get3A_12, %get3A_13] : memref<2x1000x128xf32, #tpu.memory_space<vmem>>, vector<1x1000x128xf32>
    %get3A_15 = vector.shape_cast %get3A_14 : vector<1x1000x128xf32> to vector<1000x128xf32>
    %concatenate3A = tpu.concatenate %get3A_10, %get3A_15 in 1 : vector<1000x128xf32>, vector<1000x128xf32> -> vector<1000x256xf32>
    %get3A_16 = arith.constant 0 : index
    %get3A_17 = arith.constant 0 : index
    %get3A_18 = arith.constant 0 : index
    %get3A_19 = vector.load %arg2[%get3A_16, %get3A_17, %get3A_18] : memref<2x1000x128xf32, #tpu.memory_space<vmem>>, vector<1x1000x128xf32>
    %get3A_20 = vector.shape_cast %get3A_19 : vector<1x1000x128xf32> to vector<1000x128xf32>
    %get3A_21 = arith.constant 1 : index
    %get3A_22 = arith.constant 0 : index
    %get3A_23 = arith.constant 0 : index
    %get3A_24 = vector.load %arg2[%get3A_21, %get3A_22, %get3A_23] : memref<2x1000x128xf32, #tpu.memory_space<vmem>>, vector<1x1000x128xf32>
    %get3A_25 = vector.shape_cast %get3A_24 : vector<1x1000x128xf32> to vector<1000x128xf32>
    %concatenate3A_26 = tpu.concatenate %get3A_20, %get3A_25 in 1 : vector<1000x128xf32>, vector<1000x128xf32> -> vector<1000x256xf32>
    %add3A_27 = arith.addf %concatenate3A, %concatenate3A_26 : vector<1000x256xf32>
    %mul3A = vector.broadcast %rsqrt3A : vector<1000x1xf32> to vector<1000x256xf32>
    %mul3A_28 = arith.mulf %add3A_27, %mul3A : vector<1000x256xf32>
    %get3A_29 = arith.constant 0 : index
    %get3A_30 = arith.constant 0 : index
    %get3A_31 = vector.load %arg5[%get3A_29, %get3A_30] : memref<1x256xf32, #tpu.memory_space<vmem>>, vector<1x256xf32>
    %add3A_32 = vector.broadcast %get3A_31 : vector<1x256xf32> to vector<1000x256xf32>
    %add3A_33 = arith.addf %mul3A_28, %add3A_32 : vector<1000x256xf32>
    %max3A = arith.constant 0.000000e+00 : f32
    %max3A_34 = vector.broadcast %max3A : f32 to vector<1000x256xf32>
    %max3A_35 = arith.maximumf %add3A_33, %max3A_34 : vector<1000x256xf32>
    %get3A_36 = arith.constant 0 : index
    %get3A_37 = arith.constant 0 : index
    %get3A_38 = vector.load %arg4[%get3A_36, %get3A_37] : memref<256x64xf32, #tpu.memory_space<vmem>>, vector<256x64xf32>
    %dot_general3A = arith.constant dense<0.000000e+00> : vector<1000x64xf32>
    %dot_general3A_39 = tpu.matmul %max3A_35, %get3A_38, %dot_general3A {dimension_numbers = #tpu.dot_dimension_numbers<[1], [0], [0], [1], [0, 0, 1, 1], [], []>, transpose_lhs_hint = false} : vector<1000x256xf32>, vector<256x64xf32>, vector<1000x64xf32> -> vector<1000x64xf32>
    %mul3A_40 = vector.broadcast %rsqrt3A : vector<1000x1xf32> to vector<1000x64xf32>
    %mul3A_41 = arith.mulf %dot_general3A_39, %mul3A_40 : vector<1000x64xf32>
    %broadcast_in_dim3A = arith.constant 0.000000e+00 : f32
    %broadcast_in_dim3A_42 = vector.broadcast %broadcast_in_dim3A : f32 to vector<1000x64xf32>
    %concatenate3A_43 = tpu.concatenate %mul3A_41, %broadcast_in_dim3A_42 in 1 : vector<1000x64xf32>, vector<1000x64xf32> -> vector<1000x128xf32>
    %swap3A = arith.constant 0 : index
    %swap3A_44 = arith.constant 0 : index
    %swap3A_45 = vector.load %arg6[%swap3A, %swap3A_44] : memref<1000x128xf32, #tpu.memory_space<vmem>>, vector<1000x128xf32>
    tpu.vector_store %arg6[%swap3A, %swap3A_44], %concatenate3A_43 {strides = array<i32>} : memref<1000x128xf32, #tpu.memory_space<vmem>>, vector<1000x128xf32>,
    return
  }
  func.func @transform_0(%arg0: i32) -> (i32, i32, i32) {
    %c0_i32 = arith.constant 0 : i32
    %c0_i32_0 = arith.constant 0 : i32
    %c0_i32_1 = arith.constant 0 : i32
    return %c0_i32, %arg0, %c0_i32_0 : i32, i32, i32
  }
  func.func @transform_1(%arg0: i32) -> (i32, i32, i32) {
    %c0_i32 = arith.constant 0 : i32
    %c0_i32_0 = arith.constant 0 : i32
    %c0_i32_1 = arith.constant 0 : i32
    return %c0_i32, %arg0, %c0_i32_0 : i32, i32, i32
  }
  func.func @transform_2(%arg0: i32) -> (i32, i32, i32) {
    %c0_i32 = arith.constant 0 : i32
    %c0_i32_0 = arith.constant 0 : i32
    %c0_i32_1 = arith.constant 0 : i32
    return %c0_i32, %arg0, %c0_i32_0 : i32, i32, i32
  }
  func.func @transform_3(%arg0: i32) -> (i32, i32) {
    %c0_i32 = arith.constant 0 : i32
    %c0_i32_0 = arith.constant 0 : i32
    %c0_i32_1 = arith.constant 0 : i32
    return %c0_i32, %c0_i32_0 : i32, i32
  }
  func.func @transform_4(%arg0: i32) -> (i32, i32) {
    %c0_i32 = arith.constant 0 : i32
    %c0_i32_0 = arith.constant 0 : i32
    %c0_i32_1 = arith.constant 0 : i32
    return %c0_i32, %c0_i32_0 : i32, i32
  }
  func.func @transform_5(%arg0: i32) -> (i32, i32) {
    %c0_i32 = arith.constant 0 : i32
    %c0_i32_0 = arith.constant 0 : i32
    return %arg0, %c0_i32 : i32, i32
  }
}

module attributes {stable_mosaic.version = 14 : i64} {
  func.func @_tcc_body(%arg0: i32, %arg1: memref<1x1000x128xf32, #tpu.memory_space<vmem>>, %arg2: memref<1000x128xf32, #tpu.memory_space<vmem>>, %arg3: memref<1x1000x128xf32, #tpu.memory_space<vmem>>, %arg4: memref<1x64xf32, #tpu.memory_space<vmem>>, %arg5: memref<1000x64xf32, #tpu.memory_space<vmem>>) attributes {dimension_semantics = [#tpu.dimension_semantics<arbitrary>], iteration_bounds = array<i64: 10>, scalar_prefetch = 0 : i64, scratch_operands = 0 : i64, tpu.core_type = #tpu.core_type<tc>, window_params = [{transform_indices = @transform_0, window_bounds = array<i64: 1, 1000, 128>}, {transform_indices = @transform_1, window_bounds = array<i64: 1000, 128>}, {transform_indices = @transform_2, window_bounds = array<i64: 1, 1000, 128>}, {pipeline_mode = #tpu.pipeline_mode<synchronous>, transform_indices = @transform_3, window_bounds = array<i64: 1, 64>}, {transform_indices = @transform_4, window_bounds = array<i64: 1000, 64>}]} {
    %get3A = arith.constant 0 : index
    %get3A_0 = arith.constant 0 : index
    %get3A_1 = arith.constant 0 : index
    %get3A_2 = vector.load %arg3[%get3A, %get3A_0, %get3A_1] : memref<1x1000x128xf32, #tpu.memory_space<vmem>>, vector<1x1000x1xf32>
    %get3A_3 = vector.shape_cast %get3A_2 : vector<1x1000x1xf32> to vector<1000x1xf32>
    %add3A = arith.constant 1.000000e+00 : f32
    %add3A_4 = vector.broadcast %add3A : f32 to vector<1000x1xf32>
    %add3A_5 = arith.addf %get3A_3, %add3A_4 : vector<1000x1xf32>
    %rsqrt3A = math.rsqrt %add3A_5 : vector<1000x1xf32>
    %get3A_6 = arith.constant 0 : index
    %get3A_7 = arith.constant 0 : index
    %get3A_8 = arith.constant 0 : index
    %get3A_9 = vector.load %arg1[%get3A_6, %get3A_7, %get3A_8] : memref<1x1000x128xf32, #tpu.memory_space<vmem>>, vector<1x1000x64xf32>
    %get3A_10 = vector.shape_cast %get3A_9 : vector<1x1000x64xf32> to vector<1000x64xf32>
    %get3A_11 = arith.constant 0 : index
    %get3A_12 = arith.constant 0 : index
    %get3A_13 = vector.load %arg2[%get3A_11, %get3A_12] : memref<1000x128xf32, #tpu.memory_space<vmem>>, vector<1000x64xf32>
    %add3A_14 = arith.addf %get3A_10, %get3A_13 : vector<1000x64xf32>
    %mul3A = vector.broadcast %rsqrt3A : vector<1000x1xf32> to vector<1000x64xf32>
    %mul3A_15 = arith.mulf %add3A_14, %mul3A : vector<1000x64xf32>
    %get3A_16 = arith.constant 0 : index
    %get3A_17 = arith.constant 0 : index
    %get3A_18 = vector.load %arg4[%get3A_16, %get3A_17] : memref<1x64xf32, #tpu.memory_space<vmem>>, vector<1x64xf32>
    %add3A_19 = vector.broadcast %get3A_18 : vector<1x64xf32> to vector<1000x64xf32>
    %add3A_20 = arith.addf %mul3A_15, %add3A_19 : vector<1000x64xf32>
    %swap3A = arith.constant 0 : index
    %swap3A_21 = arith.constant 0 : index
    %swap3A_22 = vector.load %arg5[%swap3A, %swap3A_21] : memref<1000x64xf32, #tpu.memory_space<vmem>>, vector<1000x64xf32>
    tpu.vector_store %arg5[%swap3A, %swap3A_21], %add3A_20 {strides = array<i32>} : memref<1000x64xf32, #tpu.memory_space<vmem>>, vector<1000x64xf32>,
    return
  }
  func.func @transform_0(%arg0: i32) -> (i32, i32, i32) {
    %c0_i32 = arith.constant 0 : i32
    %c0_i32_0 = arith.constant 0 : i32
    %c0_i32_1 = arith.constant 0 : i32
    return %c0_i32, %arg0, %c0_i32_0 : i32, i32, i32
  }
  func.func @transform_1(%arg0: i32) -> (i32, i32) {
    %c0_i32 = arith.constant 0 : i32
    %c0_i32_0 = arith.constant 0 : i32
    return %arg0, %c0_i32 : i32, i32
  }
  func.func @transform_2(%arg0: i32) -> (i32, i32, i32) {
    %c0_i32 = arith.constant 0 : i32
    %c0_i32_0 = arith.constant 0 : i32
    %c0_i32_1 = arith.constant 0 : i32
    return %c0_i32, %arg0, %c0_i32_0 : i32, i32, i32
  }
  func.func @transform_3(%arg0: i32) -> (i32, i32) {
    %c0_i32 = arith.constant 0 : i32
    %c0_i32_0 = arith.constant 0 : i32
    %c0_i32_1 = arith.constant 0 : i32
    return %c0_i32, %c0_i32_0 : i32, i32
  }
  func.func @transform_4(%arg0: i32) -> (i32, i32) {
    %c0_i32 = arith.constant 0 : i32
    %c0_i32_0 = arith.constant 0 : i32
    return %arg0, %c0_i32 : i32, i32
  }
}

</mosaic_0001>

<sc_bundles>
// kernel: kernel.11.cloned.1.call-start
scs
__scs_entry_jumppad:
0x0: {  	(pc) =	sbr.rel $0x88, $3  }
0x1: {  	(tag) =	ssettag $0x0;
	lr =	simm.s32 $0x1  }
0x2: {  	[smem:$0x3F9B] =	sst lr;
	_ =	strace $0xD0000000  }
0x3: {  	_ = 	snop  }
0x4: {  	_ = 	snop  }
0x5: {  	_ = 	snop  }
0x6: {  	_ = 	snop  }
0x7: {  	_ = 	snop  }
__scs_overlays_trampoline_lowered:
0x8: {  	[smem:$0x3FAA] =	sst s0  }
0x9: {  	[smem:$0x3FAB] =	sst s1  }
0xa: {  	[smem:$0x3FAC] =	sst s2  }
0xb: {  	[smem:$0x3FAD] =	sst s3  }
0xc: {  	[smem:$0x3FAE] =	sst s4  }
0xd: {  	[smem:$0x3FAF] =	sst s5  }
0xe: {  	[smem:$0x3FB0] =	sst s6  }
0xf: {  	[smem:$0x3FB1] =	sst s7  }
0x10: {  	[smem:$0x3FB2] =	sst s8  }
0x11: {  	[smem:$0x3FB3] =	sst s9;
	s0 =	simm.s32 @!p0 $0x0  }
0x12: {  	s1 =	sld [smem:$0x3F99];
	s0 =	simm.s32 @p0 $0x1  }
0x13: {  	[smem:$0x3FB4] =	sst s0;
	s0 =	simm.s32 @!p1 $0x0  }
0x14: {  	s2 =	sld [smem:$0x3F98];
	s0 =	simm.s32 @p1 $0x1  }
0x15: {  	[smem:$0x3FB5] =	sst s0;
	s0 =	simm.s32 @!p2 $0x0  }
0x16: {  	s3 =	sld [smem:$0x3FDB];
	s0 =	simm.s32 @p2 $0x1  }
0x17: {  	s4 =	simm.s32 $0x1BF5;
	[smem:$0x3FB7] =	sst s0  }
0x18: {  	s0 =	sld [smem:$0x3F9A];
	_ =	swait.ge [sflag:s4], $0x0  }
0x19: {  	s7 =	sld [smem:$0x3F9B]  }
0x1a: {  	s8 =	sadd.s32 $0xFFFFE003, lr  }
0x1b: {  	s9 =	sadd.s32 $0xFFFFFEF7, lr;
	s5 =	simm.s32 $0xFFFFFFFF;
	p2 =	slt.u32 s8, $0xFFFFF086  }
0x1c: {  	p1 =	slt.u32 s9, $0xF7A;
	s5 =	simm.s32 @!p2 $0x0  }
0x1d: {  	s5 =	simm.s32 @p1 $0x1;
	p0 =	seq.s32 s7, s2  }
0x1e: {  	s7 =	smul.u32 @!p0 $0xF7A, s2;
	p2 =	seq.s32 @!p0 s5, $0x0  }
0x1f: {  	s9 =	smul.u32 $0xF7A, s1;
	s8 =	simm.s32 @!p0 $0x1BF5;
	p2 =	por !p2, p0  }
0x20: {  	[sflag:s8] =	ssyncset.s32 @!p0 $0xFFFFF086;
	s6 =	sadd.s32 @!p0 s3, s7;
	s7 =	simm.s32 @!p0 $0x108  }
0x21: {  	s3 =	sadd.s32 s3, s9;
	s6 =	sadd.s32 @!p0 $0x88, s6;
	s7 =	simm.s32 @p2 $0x1082  }
0x22: {  	[simem:s7], [sflag:s8] =	dma.local @!p0 [hbm:s6], $0xF7A  }
0x23: {  	s9 =	sor.u32 $0xD0000000, s2;
	s6 =	simm.s32 $0x108;
	_ =	swait.ge @!p0 [sflag:s8], $0x0  }
0x24: {  	s3 =	sadd.s32 $0x88, s3;
	s6 =	simm.s32 @!p1 $0x1082;
	[sflag:s4] =	ssyncset.s32 $0xFFFFF086  }
0x25: {  	[simem:s6], [sflag:s4] =	dma.local [hbm:s3], $0xF7A  }
0x26: {  	[smem:$0x3F9B] =	sst s1;
	(tag) =	ssettag s2;
	_ =	strace s9  }
0x27: {  	s1 =	sld [smem:$0x3FAB]  }
0x28: {  	s2 =	sld [smem:$0x3FAC]  }
0x29: {  	s4 =	sld [smem:$0x3FAE]  }
0x2a: {  	p0 =	seq.s32 s5, $0x0;
	s5 =	sld [smem:$0x3FAF]  }
0x2b: {  	s6 =	sld [smem:$0x3FB0]  }
0x2c: {  	s7 =	sld [smem:$0x3FB1]  }
0x2d: {  	s3 =	simm.s32 $0x108;
	s8 =	sld [smem:$0x3FB2]  }
0x2e: {  	s3 =	simm.s32 @!p0 $0x1082;
	s9 =	sld [smem:$0x3FB3]  }
0x2f: {  	lr =	sadd.s32 s0, s3;
	s0 =	sld [smem:$0x3FAA]  }
0x30: {  	s3 =	sld [smem:$0x3FAD]  }
0x31: {  	[smem:$0x3FB6] =	sst s10  }
0x32: {  	s10 =	sld [smem:$0x3FB4];
	_ =	sdelay $0x3  }
0x33: {  	p0 =	seq.s32 s10, $0x1;
	s10 =	sld [smem:$0x3FB6];
	_ =	sdelay $0x3  }
0x34: {  	[smem:$0x3FB6] =	sst s10  }
0x35: {  	s10 =	sld [smem:$0x3FB5];
	_ =	sdelay $0x3  }
0x36: {  	p1 =	seq.s32 s10, $0x1;
	s10 =	sld [smem:$0x3FB6];
	_ =	sdelay $0x3  }
0x37: {  	[smem:$0x3FB6] =	sst s10  }
0x38: {  	s10 =	sld [smem:$0x3FB7]  }
0x39: {  	_ = 	snop;
	(pc) =	sbr.ind lr, $3  }
0x3a: {  	_ = 	snop  }
0x3b: {  	_ = 	snop  }
0x3c: {  	p2 =	seq.s32 s10, $0x1;
	s10 =	sld [smem:$0x3FB6]  }
0x3d: {  	_ =	shalt  }
0x3e: {  	_ =	shalt  }
0x3f: {  	_ =	shalt  }
0x40: {  	_ =	shalt  }
0x41: {  	_ =	shalt  }
0x42: {  	_ =	shalt  }
0x43: {  	_ =	shalt  }
0x44: {  	_ =	shalt  }
0x45: {  	_ =	shalt  }
0x46: {  	_ =	shalt  }
0x47: {  	_ =	shalt  }
0x48: {  	_ =	shalt  }
0x49: {  	_ =	shalt  }
0x4a: {  	_ =	shalt  }
0x4b: {  	_ =	shalt  }
0x4c: {  	_ =	shalt  }
0x4d: {  	_ =	shalt  }
0x4e: {  	_ =	shalt  }
0x4f: {  	_ =	shalt  }
0x50: {  	_ =	shalt  }
0x51: {  	_ =	shalt  }
0x52: {  	_ =	shalt  }
0x53: {  	_ =	shalt  }
0x54: {  	_ =	shalt  }
0x55: {  	_ =	shalt  }
0x56: {  	_ =	shalt  }
0x57: {  	_ =	shalt  }
0x58: {  	_ =	shalt  }
0x59: {  	_ =	shalt  }
0x5a: {  	_ =	shalt  }
0x5b: {  	_ =	shalt  }
0x5c: {  	_ =	shalt  }
0x5d: {  	_ =	shalt  }
0x5e: {  	_ =	shalt  }
0x5f: {  	_ =	shalt  }
0x60: {  	_ =	shalt  }
0x61: {  	_ =	shalt  }
0x62: {  	_ =	shalt  }
0x63: {  	_ =	shalt  }
0x64: {  	_ =	shalt  }
0x65: {  	_ =	shalt  }
0x66: {  	_ =	shalt  }
0x67: {  	_ =	shalt  }
0x68: {  	_ =	shalt  }
0x69: {  	_ =	shalt  }
0x6a: {  	_ =	shalt  }
0x6b: {  	_ =	shalt  }
0x6c: {  	_ =	shalt  }
0x6d: {  	_ =	shalt  }
0x6e: {  	_ =	shalt  }
0x6f: {  	_ =	shalt  }
0x70: {  	_ =	shalt  }
0x71: {  	_ =	shalt  }
0x72: {  	_ =	shalt  }
0x73: {  	_ =	shalt  }
0x74: {  	_ =	shalt  }
0x75: {  	_ =	shalt  }
0x76: {  	_ =	shalt  }
0x77: {  	_ =	shalt  }
0x78: {  	_ =	shalt  }
0x79: {  	_ =	shalt  }
0x7a: {  	_ =	shalt  }
0x7b: {  	_ =	shalt  }
0x7c: {  	_ =	shalt  }
0x7d: {  	_ =	shalt  }
0x7e: {  	_ =	shalt  }
0x7f: {  	_ =	shalt  }
0x80: {  	_ =	shalt  }
0x81: {  	_ =	shalt  }
0x82: {  	_ =	shalt  }
0x83: {  	_ =	shalt  }
0x84: {  	_ =	shalt  }
0x85: {  	_ =	shalt  }
0x86: {  	_ =	shalt  }
0x87: {  	_ =	shalt  }
.Lfunc_end0:
.L_simem_size_0:
called_computation.1_lowered:
.L_overlay_start_0:
0x88: {  	s2 =	sld [smem:$0x3FD9]  }
0x89: {  	s3 =	sld [smem:$0x3FFE];
	_ =	sdelay $0x1  }
0x8a: {  	s1 =	srdreg.scid  }
0x8b: {  	s0 =	sand.u32 $0x1, s1  }
0x8c: {  	s16 =	sshll.u32 s0, $0xA;
	s2 =	sadd.s32 s3, s2  }
0x8d: {  	s2 =	sadd.s32 s2, s16  }
0x8e: {  	[smem:$0x3FC2] =	sst s2  }
0x8f: {  	_ = 	snop  }
0x90: {  	(tm) =	ssettm $0x1  }
0x91: {  	s17 =	sld [smem:$0x3FFB];
	_ =	sdelay $0x3  }
0x92: {  	_ =	strace s17  }
0x93: {  	s2 =	sld [smem:$0x3FFC];
	_ =	sdelay $0x3  }
0x94: {  	_ =	strace s2  }
0x95: {  	s2 =	sld [smem:$0x3FFD];
	_ =	sdelay $0x3  }
0x96: {  	_ =	strace s2  }
0x97: {  	_ =	strace $0x8FFFFFFF  }
0x98: {  	s18 =	sld [smem:$0x3FDB];
	_ =	sdelay $0x1  }
0x99: {  	s19 =	simm.s32 $_scs_section_size  }
0x9a: {  	s4 =	simm.s32 $_size__tile_overlayer_lowered;
	s5 =	simm.s32 $_tile_overlayer_lowered  }
0x9b: {  	s22 =	simm.s32 $0x1BFF;
	s21 =	sshll.u32 s5, $0x1;
	s2 =	sadd.s32 s19, s18  }
0x9c: {  	s6 =	simm.s32 $0x0;
	s20 =	sshll.u32 s4, $0x1;
	s4 =	sadd.s32 s21, s2  }
0x9d: {  	[timem:s6], [sflag:s22] =	dma.local [hbm:s4], s20  }
0x9e: {  	_ =	swait.ge [sflag:s22], s20  }
0x9f: {  	s3 =	ssub.s32 $0x0, s20;
	[sflag:s22] =	ssyncset.done $0x0  }
0xa0: {  	[sflag:s22] =	ssyncadd.s32 s3;
	_ =	sdelay $0x1  }
0xa1: {  	s23 =	simm.s32 $0x1B8B  }
0xa2: {  	_ =	swait.ge [sflag:s23], $0x1  }
0xa3: {  	[sflag:s23] =	ssyncset.done $0x0  }
0xa4: {  	s25 =	simm.s32 $0x1B8E;
	s24 =	sld [smem:$0x3FFE];
	[sflag:s23] =	ssyncadd.s32 $0xFFFFFFFF  }
0xa5: {  	s26 =	simm.s32 $execute0_lowered;
	[smem:$0x3FD2] =	sst s25  }
0xa6: {  	s4 =	sshll.u32 s26, $0x1;
	_ =	strace $0x80000049;
	[dreg:$0x1] =	wrdreg $0xFFFFFFFF  }
0xa7: {  	s28 =	simm.s32 $_size_execute0_lowered;
	s2 =	sadd.s32 s2, s4;
	[dreg:$0x0] =	wrdreg $0x0  }
0xa8: {  	s4 =	sshll.u32 s28, $0x1;
	[dreg:$0x2] =	wrdreg s2  }
0xa9: {  	[dreg:$0x3] =	wrdreg s4  }
0xaa: {  	[dreg:$0x4] =	wrdreg $0xC0  }
0xab: {  	_ =	task [dreg:s6], $0x5FFFF  }
0xac: {  	[dreg:$0x1] =	wrdreg $0xFFFFFFFF  }
0xad: {  	[dreg:$0x0] =	wrdreg $0x60  }
0xae: {  	[dreg:$0x2] =	wrdreg s24  }
0xaf: {  	[dreg:$0x3] =	wrdreg $0x68000  }
0xb0: {  	[dreg:$0x4] =	wrdreg $0x9  }
0xb1: {  	_ =	task.clear_ibuf [dreg:s6], $0x5FFFF;
	_ =	strace $0x90000049  }
0xb2: {  	s29 =	simm.s32 $0x9;
	_ =	strace $0x8000004B  }
0xb3: {  	_ =	swait.ge [sflag:s29], $0x1  }
0xb4: {  	[sflag:s29] =	ssyncadd.s32 $0xFFFFFFFF  }
0xb5: {  	_ =	strace $0x9000004B  }
0xb6: {  	_ =	sfence  }
0xb7: {  	s30 =	sld [smem:$0x0];
	_ =	sdelay $0x2  }
0xb8: {  	s31 =	sshll.u32 s1, $0xD;
	s1 =	sshrl.u32 s1, $0x2  }
0xb9: {  	s3 =	sand.u32 $0x4000, s31;
	s1 =	sadd.s32 s1, s30  }
0xba: {  	s0 =	sor.u32 s3, s0;
	s1 =	sshll.u32 s1, $0x11  }
0xbb: {  	s0 =	sor.u32 s1, s0  }
0xbc: {  	s0 =	sadd.s32 $0x8F2B, s0  }
0xbd: {  	[sflag:s0] =	ssyncadd.remote.s32 $0x1  }
0xbe: {  	_ =	sfence.sel $0xFFFF  }
0xbf: {  	[dreg:$0x0] =	wrdreg $0xFFFFFFFF;
	(pc) =	sbr.abs _section_cstart, $3  }
0xc0: {  	[dreg:$0x1] =	wrdreg $0xFFFFFFFF  }
0xc1: {  	_ =	task.clear_ibuf [dreg:s6], $0x2FFFF;
	_ =	strace $0x9FFFFFFF  }
0xc2: {  	(tm) =	ssettm $0x7FFFFFFF  }
0xc3: {  	_ =	shalt  }
tec
execute0_lowered:
.L_overlay_start_1:
0x0: {  	(tag) =	ssettag $0x1  }
0x1: {  	s0 =	rddreg [dreg:$0x0]  }
0x2: {  	s1 =	srdreg.scid;
	s15 =	stileid.u32  }
0x3: {  	s2 =	rddreg [dreg:$0x1];
	s3 =	simm.s32 $0x0;
	s28 =	simm.s32 $0x200  }
0x4: {  	s29 =	simm.s32 $0x300;
	s30 =	simm.s32 $0xC8;
	s5 =	smul.u32 $0x280, s15  }
0x5: {  	s31 =	simm.s32 $0x2;
	s1 =	sand.u32 $0x1, s1;
	s8 =	smul.u32 $0x50000, s15  }
0x6: {  	[smem:$0x7FF] =	sst s3;
	s4 =	sadd.s32 $0x16A00, s0;
	s17 =	smul.u32 $0x2710, s15  }
0x7: {  	s6 =	smul.u32 $0x2800, s1;
	_ =	strace $0x8000004A;
	s20 =	sshll.u32 s1, $0x4  }
0x8: {  	s9 =	ssub.s32 $0x2, s1;
	s1 =	smul.u32 $0x27100, s1;
	s8 =	sshrl.u32 s8, $0x2  }
0x9: {  	s10 =	sor.u32 s15, s20;
	s11 =	sshrl.u32 s9, $0x1;
	s6 =	sadd.s32 s5, s6  }
0xa: {  	s5 =	sadd.s32 $0x2E00, s0;
	s13 =	smul.u32 $0x2710, s10;
	s14 =	ssub.s32 s9, s11  }
0xb: {  	s1 =	sadd.s32 s17, s1;
	s7 =	sshll.u32 s6, $0x4;
	s6 =	sadd.s32 $0xCC00, s0  }
0xc: {  	s17 =	smax.u32 s14, $0x1;
	s25 =	sadd.s32 $0xC8, s1;
	s0 =	sadd.s32 s7, s0  }
0xd: {  	s7 =	sadd.s32 s8, s2;
	s12 =	sshrl.u32 s13, $0x3;
	s24 =	sadd.s32 $0x2648, s13  }
0xe: {  	s26 =	sshrl.u32 s25, $0x3;
	s13 =	sadd.s32 $0x190, s1;
	s25 =	simm.s32 $0x100  }
0xf: {  	s1 =	simm.s32 $0x0;
	s8 =	sadd.s32 $0x6400, s7;
	s9 =	sadd.s32 $0xC800, s7  }
0x10: {  	s10 =	sadd.s32 $0x12C00, s7;
	s11 =	sadd.s32 s5, s12;
	s21 =	sadd.s32 $0xB4C00, s0  }
0x11: {  	s12 =	sadd.s32 s6, s12;
	s22 =	sadd.s32 $0xB5880, s0;
	[dreg:$0x3] =	wrdreg s21  }
0x12: {  	s23 =	sadd.s32 $0xB6500, s0;
	s16 =	sadd.s32 $0xB7180, s0;
	[dreg:$0x4] =	wrdreg s22  }
0x13: {  	s0 =	sshrl.u32 s24, $0x3;
	s24 =	simm.s32 $0x3;
	[dreg:$0x5] =	wrdreg s23  }
0x14: {  	s18 =	sadd.s32 s5, s0;
	s19 =	sadd.s32 s6, s0;
	s21 =	sadd.s32 s26, s6  }
0x15: {  	v0 =	vimm.f32 $0.0e+00;
	s22 =	sadd.s32 s26, s5;
	s23 =	simm.s32 $0x400;
	s26 =	simm.s32 $0x1  }
.LBB2_1:
0x16: {  	s0 =	sand.u32 $0x1FE00, s3  }
0x17: {  	s14 =	sand.u32 $0x70, s3;
	s20 =	sshrl.u32 s0, $0x2  }
0x18: {  	s0 =	simm.s32 $0x40;
	s14 =	sor.u32 s14, s20;
	s20 =	simm.s32 $0x0  }
.LBB2_2:
0x19: {  	p0 =	sne.s32 s0, $0x18FC0  }
0x1a: {  	[tilespmem:s14+$0x400] =	vst v0;
	s20 =	sadd.s32 $0x10, s20;
	s14 =	smov.u32 s0;
	s0 =	sadd.s32 $0x40, s0  }
.Ltmp0:
0x1b: {  	(pc) =	sbr.rel @p0 .LBB2_2-.Ltmp0, $4  }
0x1c: {  	_ = 	snop  }
0x1d: {  	s14 =	sand.u32 $0x1FE00, s14  }
0x1e: {  	s15 =	sand.u32 $0x70, s20;
	s14 =	sshrl.u32 s14, $0x2  }
0x1f: {  	s14 =	sor.u32 s15, s14  }
0x20: {  	[tilespmem:s14+$0x400] =	vst v0  }
0x21: {  	[spmem:s7] =	stream.linear.scatter [tilespmem:s23], [sflag:$0x3], $0x6400, $0x38;
	[tilespmem:$0x1A800] =	vst v63  }
0x22: {  	_ =	swait.ge [sflag:s24], $0x6400  }
0x23: {  	[sflag:s24] =	ssyncset.done $0x0  }
0x24: {  	[sflag:s24] =	ssyncadd.s32 $0xFFFF9C00  }
0x25: {  	[spmem:s8] =	stream.linear.scatter [tilespmem:s23], [sflag:$0x3], $0x6400, $0x38;
	[tilespmem:$0x1A800] =	vst v63  }
0x26: {  	_ =	swait.ge [sflag:s24], $0x6400  }
0x27: {  	[sflag:s24] =	ssyncset.done $0x0  }
0x28: {  	[sflag:s24] =	ssyncadd.s32 $0xFFFF9C00  }
0x29: {  	[spmem:s9] =	stream.linear.scatter [tilespmem:s23], [sflag:$0x3], $0x6400, $0x38;
	[tilespmem:$0x1A800] =	vst v63  }
0x2a: {  	_ =	swait.ge [sflag:s24], $0x6400  }
0x2b: {  	[sflag:s24] =	ssyncset.done $0x0  }
0x2c: {  	[sflag:s24] =	ssyncadd.s32 $0xFFFF9C00  }
0x2d: {  	[spmem:s10] =	stream.linear.scatter [tilespmem:s23], [sflag:$0x3], $0x1400, $0x38;
	[tilespmem:$0x1A800] =	vst v63  }
0x2e: {  	_ =	swait.ge [sflag:s24], $0x1400  }
0x2f: {  	[sflag:s24] =	ssyncset.done $0x0  }
0x30: {  	[sflag:s24] =	ssyncadd.s32 $0xFFFFEC00  }
0x31: {  	s0 =	simm.s32 $0x0;
	[bflag:$0x0] =	sbarrier.arrive $0xFFFF  }
0x32: {  	[tilespmem:s0], [sflag:$0x1] =	stream.linear.gather [hbm4b:s11+s0], $0xC8, $0x38;
	[tilespmem:$0x1A800] =	vst v63  }
0x33: {  	_ = 	snop  }
0x34: {  	[tilespmem:s25], [sflag:$0x1] =	stream.linear.gather [hbm4b:s12+s0], $0xC8, $0x38;
	[tilespmem:$0x1A800] =	vst v63  }
0x35: {  	_ =	swait.ge [sflag:s26], $0xC8  }
0x36: {  	[sflag:s26] =	ssyncset.done $0x0  }
0x37: {  	[sflag:s26] =	ssyncadd.s32 $0xFFFFFF38  }
0x38: {  	_ =	swait.ge [sflag:s26], $0xC8  }
0x39: {  	[sflag:s26] =	ssyncset.done $0x0  }
0x3a: {  	s20 =	sadd.s32 $0x0, s22;
	[sflag:s26] =	ssyncadd.s32 $0xFFFFFF38  }
0x3b: {  	[tilespmem:s28], [sflag:$0x2] =	stream.linear.gather [hbm4b:s20+s3], $0xC8, $0x38;
	[tilespmem:$0x1A800] =	vst v63  }
0x3c: {  	s14 =	sadd.s32 $0x0, s21  }
0x3d: {  	[tilespmem:s29], [sflag:$0x2] =	stream.linear.gather [hbm4b:s14+s3], $0xC8, $0x38;
	[tilespmem:$0x1A800] =	vst v63  }
0x3e: {  	_ = 	snop  }
0x3f: {  	[tilespmem:s23], [sflag:$0x3] =	stream.indirect.gather [hbm4b:s4+s30], $0x80, s3, s30, $0xb8;
	[tilespmem:$0x1A800] =	vst v63  }
0x40: {  	_ =	swait.ge [sflag:s24], $0x6400  }
0x41: {  	[sflag:s24] =	ssyncset.done $0x0  }
0x42: {  	[sflag:s24] =	ssyncadd.s32 $0xFFFF9C00  }
0x43: {  	[spmem:s2] =	stream.indirect.scatter.add.f32 [tilespmem:s23], [sflag:$0x3], $0x80, s25, s30, $0xb8;
	[tilespmem:$0x1A800] =	vst v63  }
0x44: {  	_ =	swait.ge [sflag:s24], $0x6400  }
0x45: {  	[sflag:s24] =	ssyncset.done $0x0  }
0x46: {  	[sflag:s24] =	ssyncadd.s32 $0xFFFF9C00  }
0x47: {  	_ =	swait.ge [sflag:s31], $0xC8  }
0x48: {  	[sflag:s31] =	ssyncset.done $0x0  }
0x49: {  	[sflag:s31] =	ssyncadd.s32 $0xFFFFFF38  }
0x4a: {  	_ =	swait.ge [sflag:s31], $0xC8  }
0x4b: {  	s15 =	sshrl.u32 s13, $0x3;
	[sflag:s31] =	ssyncset.done $0x0  }
0x4c: {  	s20 =	sadd.s32 s5, s15;
	[sflag:s31] =	ssyncadd.s32 $0xFFFFFF38  }
0x4d: {  	[tilespmem:s3], [sflag:$0x1] =	stream.linear.gather [hbm4b:s20+s3], $0xC8, $0x38;
	[tilespmem:$0x1A800] =	vst v63  }
0x4e: {  	s0 =	sadd.s32 s6, s15  }
0x4f: {  	[tilespmem:s25], [sflag:$0x1] =	stream.linear.gather [hbm4b:s0+s3], $0xC8, $0x38;
	[tilespmem:$0x1A800] =	vst v63  }
0x50: {  	_ = 	snop  }
0x51: {  	[tilespmem:s23], [sflag:$0x3] =	stream.indirect.gather [hbm4b:s4+s30], $0x80, s28, s30, $0xb8;
	[tilespmem:$0x1A800] =	vst v63  }
0x52: {  	_ =	swait.ge [sflag:s24], $0x6400  }
0x53: {  	[sflag:s24] =	ssyncset.done $0x0  }
0x54: {  	[sflag:s24] =	ssyncadd.s32 $0xFFFF9C00  }
0x55: {  	[spmem:s2] =	stream.indirect.scatter.add.f32 [tilespmem:s23], [sflag:$0x3], $0x80, s29, s30, $0xb8;
	[tilespmem:$0x1A800] =	vst v63  }
0x56: {  	_ =	swait.ge [sflag:s24], $0x6400  }
0x57: {  	s20 =	smov.u32 s13;
	s0 =	simm.s32 $0x32;
	[sflag:s24] =	ssyncset.done $0x0  }
.LBB2_4:
0x58: {  	p0 =	sne.s32 s0, $0x47E;
	[sflag:s24] =	ssyncadd.s32 $0xFFFF9C00;
	s20 =	sadd.s32 $0x190, s20  }
0x59: {  	s14 =	smov.u32 s0;
	s0 =	sadd.s32 $0x32, s0;
	_ =	swait.ge [sflag:s26], $0xC8  }
0x5a: {  	[sflag:s26] =	ssyncset.done $0x0  }
0x5b: {  	[sflag:s26] =	ssyncadd.s32 $0xFFFFFF38  }
0x5c: {  	_ =	swait.ge [sflag:s26], $0xC8  }
0x5d: {  	[sflag:s26] =	ssyncset.done $0x0  }
0x5e: {  	s15 =	sadd.s32 s14, s22;
	[sflag:s26] =	ssyncadd.s32 $0xFFFFFF38  }
0x5f: {  	[tilespmem:s28], [sflag:$0x2] =	stream.linear.gather [hbm4b:s15+s3], $0xC8, $0x38;
	[tilespmem:$0x1A800] =	vst v63  }
0x60: {  	s14 =	sadd.s32 s14, s21  }
0x61: {  	[tilespmem:s29], [sflag:$0x2] =	stream.linear.gather [hbm4b:s14+s3], $0xC8, $0x38;
	[tilespmem:$0x1A800] =	vst v63  }
0x62: {  	_ = 	snop  }
0x63: {  	[tilespmem:s23], [sflag:$0x3] =	stream.indirect.gather [hbm4b:s4+s30], $0x80, s3, s30, $0xb8;
	[tilespmem:$0x1A800] =	vst v63  }
0x64: {  	_ =	swait.ge [sflag:s24], $0x6400  }
0x65: {  	[sflag:s24] =	ssyncset.done $0x0  }
0x66: {  	[sflag:s24] =	ssyncadd.s32 $0xFFFF9C00  }
0x67: {  	[spmem:s2] =	stream.indirect.scatter.add.f32 [tilespmem:s23], [sflag:$0x3], $0x80, s25, s30, $0xb8;
	[tilespmem:$0x1A800] =	vst v63  }
0x68: {  	_ =	swait.ge [sflag:s24], $0x6400  }
0x69: {  	[sflag:s24] =	ssyncset.done $0x0  }
0x6a: {  	[sflag:s24] =	ssyncadd.s32 $0xFFFF9C00  }
0x6b: {  	_ =	swait.ge [sflag:s31], $0xC8  }
0x6c: {  	[sflag:s31] =	ssyncset.done $0x0  }
0x6d: {  	[sflag:s31] =	ssyncadd.s32 $0xFFFFFF38  }
0x6e: {  	_ =	swait.ge [sflag:s31], $0xC8  }
0x6f: {  	s14 =	sshrl.u32 s20, $0x3;
	[sflag:s31] =	ssyncset.done $0x0  }
0x70: {  	s15 =	sadd.s32 s5, s14;
	[sflag:s31] =	ssyncadd.s32 $0xFFFFFF38  }
0x71: {  	[tilespmem:s3], [sflag:$0x1] =	stream.linear.gather [hbm4b:s15+s3], $0xC8, $0x38;
	[tilespmem:$0x1A800] =	vst v63  }
0x72: {  	s14 =	sadd.s32 s6, s14  }
0x73: {  	[tilespmem:s25], [sflag:$0x1] =	stream.linear.gather [hbm4b:s14+s3], $0xC8, $0x38;
	[tilespmem:$0x1A800] =	vst v63  }
0x74: {  	_ = 	snop  }
0x75: {  	[tilespmem:s23], [sflag:$0x3] =	stream.indirect.gather [hbm4b:s4+s30], $0x80, s28, s30, $0xb8;
	[tilespmem:$0x1A800] =	vst v63  }
0x76: {  	_ =	swait.ge [sflag:s24], $0x6400  }
.Ltmp1:
0x77: {  	[sflag:s24] =	ssyncset.done $0x0;
	(pc) =	sbr.rel @p0 .LBB2_4-.Ltmp1, $4  }
0x78: {  	[sflag:s24] =	ssyncadd.s32 $0xFFFF9C00  }
0x79: {  	[spmem:s2] =	stream.indirect.scatter.add.f32 [tilespmem:s23], [sflag:$0x3], $0x80, s29, s30, $0xb8;
	[tilespmem:$0x1A800] =	vst v63  }
0x7a: {  	_ =	swait.ge [sflag:s24], $0x6400  }
0x7b: {  	[sflag:s24] =	ssyncset.done $0x0  }
0x7c: {  	[sflag:s24] =	ssyncadd.s32 $0xFFFF9C00  }
0x7d: {  	_ =	swait.ge [sflag:s26], $0xC8  }
0x7e: {  	[sflag:s26] =	ssyncset.done $0x0  }
0x7f: {  	[sflag:s26] =	ssyncadd.s32 $0xFFFFFF38  }
0x80: {  	_ =	swait.ge [sflag:s26], $0xC8  }
0x81: {  	[sflag:s26] =	ssyncset.done $0x0  }
0x82: {  	[sflag:s26] =	ssyncadd.s32 $0xFFFFFF38  }
0x83: {  	[tilespmem:s28], [sflag:$0x2] =	stream.linear.gather [hbm4b:s18+s3], $0xC8, $0x38;
	[tilespmem:$0x1A800] =	vst v63  }
0x84: {  	_ = 	snop  }
0x85: {  	[tilespmem:s29], [sflag:$0x2] =	stream.linear.gather [hbm4b:s19+s3], $0xC8, $0x38;
	[tilespmem:$0x1A800] =	vst v63  }
0x86: {  	_ = 	snop  }
0x87: {  	[tilespmem:s23], [sflag:$0x3] =	stream.indirect.gather [hbm4b:s4+s30], $0x80, s3, s30, $0xb8;
	[tilespmem:$0x1A800] =	vst v63  }
0x88: {  	_ =	swait.ge [sflag:s24], $0x6400  }
0x89: {  	[sflag:s24] =	ssyncset.done $0x0  }
0x8a: {  	[sflag:s24] =	ssyncadd.s32 $0xFFFF9C00  }
0x8b: {  	[spmem:s2] =	stream.indirect.scatter.add.f32 [tilespmem:s23], [sflag:$0x3], $0x80, s25, s30, $0xb8;
	[tilespmem:$0x1A800] =	vst v63  }
0x8c: {  	_ =	swait.ge [sflag:s24], $0x6400  }
0x8d: {  	[sflag:s24] =	ssyncset.done $0x0  }
0x8e: {  	[sflag:s24] =	ssyncadd.s32 $0xFFFF9C00  }
0x8f: {  	_ =	swait.ge [sflag:s31], $0xC8  }
0x90: {  	[sflag:s31] =	ssyncset.done $0x0  }
0x91: {  	[sflag:s31] =	ssyncadd.s32 $0xFFFFFF38  }
0x92: {  	_ =	swait.ge [sflag:s31], $0xC8  }
0x93: {  	[sflag:s31] =	ssyncset.done $0x0  }
0x94: {  	[sflag:s31] =	ssyncadd.s32 $0xFFFFFF38  }
0x95: {  	[tilespmem:s3], [sflag:$0x1] =	stream.linear.gather [hbm4b:s11+s3], $0xC8, $0x38;
	[tilespmem:$0x1A800] =	vst v63  }
0x96: {  	_ = 	snop  }
0x97: {  	[tilespmem:s25], [sflag:$0x1] =	stream.linear.gather [hbm4b:s12+s3], $0xC8, $0x38;
	[tilespmem:$0x1A800] =	vst v63  }
0x98: {  	_ = 	snop  }
0x99: {  	[tilespmem:s23], [sflag:$0x3] =	stream.indirect.gather [hbm4b:s4+s30], $0x80, s28, s30, $0xb8;
	[tilespmem:$0x1A800] =	vst v63  }
0x9a: {  	_ =	swait.ge [sflag:s24], $0x6400  }
0x9b: {  	[sflag:s24] =	ssyncset.done $0x0  }
0x9c: {  	[sflag:s24] =	ssyncadd.s32 $0xFFFF9C00  }
0x9d: {  	[spmem:s2] =	stream.indirect.scatter.add.f32 [tilespmem:s23], [sflag:$0x3], $0x80, s29, s30, $0xb8;
	[tilespmem:$0x1A800] =	vst v63  }
0x9e: {  	_ =	swait.ge [sflag:s24], $0x6400  }
0x9f: {  	[sflag:s24] =	ssyncset.done $0x0  }
0xa0: {  	[sflag:s24] =	ssyncadd.s32 $0xFFFF9C00  }
0xa1: {  	_ =	swait.ge [sflag:s26], $0xC8  }
0xa2: {  	[sflag:s26] =	ssyncset.done $0x0  }
0xa3: {  	[sflag:s26] =	ssyncadd.s32 $0xFFFFFF38  }
0xa4: {  	_ =	swait.ge [sflag:s26], $0xC8  }
0xa5: {  	[sflag:s26] =	ssyncset.done $0x0  }
0xa6: {  	[sflag:s26] =	ssyncadd.s32 $0xFFFFFF38  }
0xa7: {  	[bflag:$0x0] =	sbarrier.arrive $0xFFFF  }
0xa8: {  	[tilespmem:s23], [sflag:$0x3] =	stream.linear.gather [spmem:s7], $0x6400, $0x38;
	[tilespmem:$0x1A800] =	vst v63  }
0xa9: {  	_ =	swait.ge [sflag:s24], $0x6400  }
0xaa: {  	[sflag:s24] =	ssyncset.done $0x0  }
0xab: {  	s0 =	rddreg [dreg:$0x3];
	[sflag:s24] =	ssyncadd.s32 $0xFFFF9C00  }
0xac: {  	[hbm4b:s0+s3] =	stream.linear.scatter [tilespmem:s23], [sflag:$0x3], $0x6400, $0x38;
	[tilespmem:$0x1A800] =	vst v63  }
0xad: {  	_ =	swait.ge [sflag:s24], $0x6400  }
0xae: {  	[sflag:s24] =	ssyncset.done $0x0  }
0xaf: {  	[sflag:s24] =	ssyncadd.s32 $0xFFFF9C00  }
0xb0: {  	[tilespmem:s23], [sflag:$0x3] =	stream.linear.gather [spmem:s8], $0x6400, $0x38;
	[tilespmem:$0x1A800] =	vst v63  }
0xb1: {  	_ =	swait.ge [sflag:s24], $0x6400  }
0xb2: {  	[sflag:s24] =	ssyncset.done $0x0  }
0xb3: {  	s15 =	rddreg [dreg:$0x4];
	[sflag:s24] =	ssyncadd.s32 $0xFFFF9C00  }
0xb4: {  	[hbm4b:s15+s3] =	stream.linear.scatter [tilespmem:s23], [sflag:$0x3], $0x6400, $0x38;
	[tilespmem:$0x1A800] =	vst v63  }
0xb5: {  	_ =	swait.ge [sflag:s24], $0x6400  }
0xb6: {  	[sflag:s24] =	ssyncset.done $0x0  }
0xb7: {  	[sflag:s24] =	ssyncadd.s32 $0xFFFF9C00  }
0xb8: {  	[tilespmem:s23], [sflag:$0x3] =	stream.linear.gather [spmem:s9], $0x6400, $0x38;
	[tilespmem:$0x1A800] =	vst v63  }
0xb9: {  	_ =	swait.ge [sflag:s24], $0x6400  }
0xba: {  	[sflag:s24] =	ssyncset.done $0x0  }
0xbb: {  	s20 =	rddreg [dreg:$0x5];
	[sflag:s24] =	ssyncadd.s32 $0xFFFF9C00  }
0xbc: {  	[hbm4b:s20+s3] =	stream.linear.scatter [tilespmem:s23], [sflag:$0x3], $0x6400, $0x38;
	[tilespmem:$0x1A800] =	vst v63  }
0xbd: {  	_ =	swait.ge [sflag:s24], $0x6400  }
0xbe: {  	[sflag:s24] =	ssyncset.done $0x0  }
0xbf: {  	[sflag:s24] =	ssyncadd.s32 $0xFFFF9C00  }
0xc0: {  	[tilespmem:s23], [sflag:$0x3] =	stream.linear.gather [spmem:s10], $0x1400, $0x38;
	[tilespmem:$0x1A800] =	vst v63  }
0xc1: {  	s1 =	sadd.s32 $0x1, s1;
	_ =	swait.ge [sflag:s24], $0x1400  }
0xc2: {  	p0 =	sne.s32 s1, s17;
	[sflag:s24] =	ssyncset.done $0x0  }
.Ltmp2:
0xc3: {  	[sflag:s24] =	ssyncadd.s32 $0xFFFFEC00;
	(pc) =	sbr.rel @p0 .LBB2_1-.Ltmp2, $4  }
0xc4: {  	[hbm4b:s16+s3] =	stream.linear.scatter [tilespmem:s23], [sflag:$0x3], $0x1400, $0x38;
	[tilespmem:$0x1A800] =	vst v63  }
0xc5: {  	_ =	swait.ge [sflag:s24], $0x1400  }
0xc6: {  	[sflag:s24] =	ssyncset.done $0x0  }
0xc7: {  	[sflag:s24] =	ssyncadd.s32 $0xFFFFEC00  }
0xc8: {  	_ =	sfence.sel $0x180000  }
0xc9: {  	[bflag:$0x0] =	sbarrier.arrive $0xFFFF  }
0xca: {  	_ =	strace $0x9000004A  }
0xcb: {  	s0 =	stileid.u32;
	[bflag:$0x2] =	sbarrier.arrive $0xFFFF  }
0xcc: {  	p0 =	sne.s32 s0, $0x0;
	s0 =	rddreg [dreg:$0x2]  }
0xcd: {  	s0 =	sadd.s32 @!p0 $0x100000, s0  }
0xce: {  	[sflag:s0] =	ssyncadd.tile.s32 @!p0 $0x1;
	_ =	shalt  }
.Lfunc_end2:
_tile_overlayer_lowered:
.L_overlay_start_2:
0xcf: {  	(tag) =	ssettag $0x2  }
0xd0: {  	s0 =	rddreg [dreg:$0x0];
	s2 =	stileid.u32  }
0xd1: {  	s1 =	rddreg [dreg:$0x1];
	p0 =	sne.s32 s2, $0x0  }
0xd2: {  	s3 =	rddreg [dreg:$0x2];
	[bflag:$0x3] =	sbarrier.arrive $0xFFFF;
	s2 =	simm.s32 @!p0 $0x1C03  }
0xd3: {  	[timem:s3], [sflag:s2] =	dma.local @!p0 [hbm:s0], s1  }
0xd4: {  	s0 =	simm.s32 @!p0 $0x3  }
0xd5: {  	_ =	swait.ge @!p0 [sflag:s0], s1  }
0xd6: {  	s1 =	ssub.s32 @!p0 $0x0, s1;
	[sflag:s0] =	ssyncset.done @!p0 $0x0  }
0xd7: {  	[sflag:s0] =	ssyncadd.s32 @!p0 s1  }
0xd8: {  	[bflag:$0x3] =	sbarrier.arrive $0xFFFF  }
0xd9: {  	_ =	shalt  }

// kernel: kernel.14.cloned.1.call-start
scs
__scs_entry_jumppad:
0x0: {  	(pc) =	sbr.rel $0x88, $3  }
0x1: {  	(tag) =	ssettag $0x0;
	lr =	simm.s32 $0x1  }
0x2: {  	[smem:$0x3F9B] =	sst lr;
	_ =	strace $0xD0000000  }
0x3: {  	_ = 	snop  }
0x4: {  	_ = 	snop  }
0x5: {  	_ = 	snop  }
0x6: {  	_ = 	snop  }
0x7: {  	_ = 	snop  }
__scs_overlays_trampoline_lowered:
0x8: {  	[smem:$0x3FAA] =	sst s0  }
0x9: {  	[smem:$0x3FAB] =	sst s1  }
0xa: {  	[smem:$0x3FAC] =	sst s2  }
0xb: {  	[smem:$0x3FAD] =	sst s3  }
0xc: {  	[smem:$0x3FAE] =	sst s4  }
0xd: {  	[smem:$0x3FAF] =	sst s5  }
0xe: {  	[smem:$0x3FB0] =	sst s6  }
0xf: {  	[smem:$0x3FB1] =	sst s7  }
0x10: {  	[smem:$0x3FB2] =	sst s8  }
0x11: {  	[smem:$0x3FB3] =	sst s9;
	s0 =	simm.s32 @!p0 $0x0  }
0x12: {  	s1 =	sld [smem:$0x3F99];
	s0 =	simm.s32 @p0 $0x1  }
0x13: {  	[smem:$0x3FB4] =	sst s0;
	s0 =	simm.s32 @!p1 $0x0  }
0x14: {  	s2 =	sld [smem:$0x3F98];
	s0 =	simm.s32 @p1 $0x1  }
0x15: {  	[smem:$0x3FB5] =	sst s0;
	s0 =	simm.s32 @!p2 $0x0  }
0x16: {  	s3 =	sld [smem:$0x3FDB];
	s0 =	simm.s32 @p2 $0x1  }
0x17: {  	s4 =	simm.s32 $0x1BF5;
	[smem:$0x3FB7] =	sst s0  }
0x18: {  	s0 =	sld [smem:$0x3F9A];
	_ =	swait.ge [sflag:s4], $0x0  }
0x19: {  	s7 =	sld [smem:$0x3F9B]  }
0x1a: {  	s8 =	sadd.s32 $0xFFFFE003, lr  }
0x1b: {  	s9 =	sadd.s32 $0xFFFFFEF7, lr;
	s5 =	simm.s32 $0xFFFFFFFF;
	p2 =	slt.u32 s8, $0xFFFFF086  }
0x1c: {  	p1 =	slt.u32 s9, $0xF7A;
	s5 =	simm.s32 @!p2 $0x0  }
0x1d: {  	s5 =	simm.s32 @p1 $0x1;
	p0 =	seq.s32 s7, s2  }
0x1e: {  	s7 =	smul.u32 @!p0 $0xF7A, s2;
	p2 =	seq.s32 @!p0 s5, $0x0  }
0x1f: {  	s9 =	smul.u32 $0xF7A, s1;
	s8 =	simm.s32 @!p0 $0x1BF5;
	p2 =	por !p2, p0  }
0x20: {  	[sflag:s8] =	ssyncset.s32 @!p0 $0xFFFFF086;
	s6 =	sadd.s32 @!p0 s3, s7;
	s7 =	simm.s32 @!p0 $0x108  }
0x21: {  	s3 =	sadd.s32 s3, s9;
	s6 =	sadd.s32 @!p0 $0x88, s6;
	s7 =	simm.s32 @p2 $0x1082  }
0x22: {  	[simem:s7], [sflag:s8] =	dma.local @!p0 [hbm:s6], $0xF7A  }
0x23: {  	s9 =	sor.u32 $0xD0000000, s2;
	s6 =	simm.s32 $0x108;
	_ =	swait.ge @!p0 [sflag:s8], $0x0  }
0x24: {  	s3 =	sadd.s32 $0x88, s3;
	s6 =	simm.s32 @!p1 $0x1082;
	[sflag:s4] =	ssyncset.s32 $0xFFFFF086  }
0x25: {  	[simem:s6], [sflag:s4] =	dma.local [hbm:s3], $0xF7A  }
0x26: {  	[smem:$0x3F9B] =	sst s1;
	(tag) =	ssettag s2;
	_ =	strace s9  }
0x27: {  	s1 =	sld [smem:$0x3FAB]  }
0x28: {  	s2 =	sld [smem:$0x3FAC]  }
0x29: {  	s4 =	sld [smem:$0x3FAE]  }
0x2a: {  	p0 =	seq.s32 s5, $0x0;
	s5 =	sld [smem:$0x3FAF]  }
0x2b: {  	s6 =	sld [smem:$0x3FB0]  }
0x2c: {  	s7 =	sld [smem:$0x3FB1]  }
0x2d: {  	s3 =	simm.s32 $0x108;
	s8 =	sld [smem:$0x3FB2]  }
0x2e: {  	s3 =	simm.s32 @!p0 $0x1082;
	s9 =	sld [smem:$0x3FB3]  }
0x2f: {  	lr =	sadd.s32 s0, s3;
	s0 =	sld [smem:$0x3FAA]  }
0x30: {  	s3 =	sld [smem:$0x3FAD]  }
0x31: {  	[smem:$0x3FB6] =	sst s10  }
0x32: {  	s10 =	sld [smem:$0x3FB4];
	_ =	sdelay $0x3  }
0x33: {  	p0 =	seq.s32 s10, $0x1;
	s10 =	sld [smem:$0x3FB6];
	_ =	sdelay $0x3  }
0x34: {  	[smem:$0x3FB6] =	sst s10  }
0x35: {  	s10 =	sld [smem:$0x3FB5];
	_ =	sdelay $0x3  }
0x36: {  	p1 =	seq.s32 s10, $0x1;
	s10 =	sld [smem:$0x3FB6];
	_ =	sdelay $0x3  }
0x37: {  	[smem:$0x3FB6] =	sst s10  }
0x38: {  	s10 =	sld [smem:$0x3FB7]  }
0x39: {  	_ = 	snop;
	(pc) =	sbr.ind lr, $3  }
0x3a: {  	_ = 	snop  }
0x3b: {  	_ = 	snop  }
0x3c: {  	p2 =	seq.s32 s10, $0x1;
	s10 =	sld [smem:$0x3FB6]  }
0x3d: {  	_ =	shalt  }
0x3e: {  	_ =	shalt  }
0x3f: {  	_ =	shalt  }
0x40: {  	_ =	shalt  }
0x41: {  	_ =	shalt  }
0x42: {  	_ =	shalt  }
0x43: {  	_ =	shalt  }
0x44: {  	_ =	shalt  }
0x45: {  	_ =	shalt  }
0x46: {  	_ =	shalt  }
0x47: {  	_ =	shalt  }
0x48: {  	_ =	shalt  }
0x49: {  	_ =	shalt  }
0x4a: {  	_ =	shalt  }
0x4b: {  	_ =	shalt  }
0x4c: {  	_ =	shalt  }
0x4d: {  	_ =	shalt  }
0x4e: {  	_ =	shalt  }
0x4f: {  	_ =	shalt  }
0x50: {  	_ =	shalt  }
0x51: {  	_ =	shalt  }
0x52: {  	_ =	shalt  }
0x53: {  	_ =	shalt  }
0x54: {  	_ =	shalt  }
0x55: {  	_ =	shalt  }
0x56: {  	_ =	shalt  }
0x57: {  	_ =	shalt  }
0x58: {  	_ =	shalt  }
0x59: {  	_ =	shalt  }
0x5a: {  	_ =	shalt  }
0x5b: {  	_ =	shalt  }
0x5c: {  	_ =	shalt  }
0x5d: {  	_ =	shalt  }
0x5e: {  	_ =	shalt  }
0x5f: {  	_ =	shalt  }
0x60: {  	_ =	shalt  }
0x61: {  	_ =	shalt  }
0x62: {  	_ =	shalt  }
0x63: {  	_ =	shalt  }
0x64: {  	_ =	shalt  }
0x65: {  	_ =	shalt  }
0x66: {  	_ =	shalt  }
0x67: {  	_ =	shalt  }
0x68: {  	_ =	shalt  }
0x69: {  	_ =	shalt  }
0x6a: {  	_ =	shalt  }
0x6b: {  	_ =	shalt  }
0x6c: {  	_ =	shalt  }
0x6d: {  	_ =	shalt  }
0x6e: {  	_ =	shalt  }
0x6f: {  	_ =	shalt  }
0x70: {  	_ =	shalt  }
0x71: {  	_ =	shalt  }
0x72: {  	_ =	shalt  }
0x73: {  	_ =	shalt  }
0x74: {  	_ =	shalt  }
0x75: {  	_ =	shalt  }
0x76: {  	_ =	shalt  }
0x77: {  	_ =	shalt  }
0x78: {  	_ =	shalt  }
0x79: {  	_ =	shalt  }
0x7a: {  	_ =	shalt  }
0x7b: {  	_ =	shalt  }
0x7c: {  	_ =	shalt  }
0x7d: {  	_ =	shalt  }
0x7e: {  	_ =	shalt  }
0x7f: {  	_ =	shalt  }
0x80: {  	_ =	shalt  }
0x81: {  	_ =	shalt  }
0x82: {  	_ =	shalt  }
0x83: {  	_ =	shalt  }
0x84: {  	_ =	shalt  }
0x85: {  	_ =	shalt  }
0x86: {  	_ =	shalt  }
0x87: {  	_ =	shalt  }
.Lfunc_end0:
.L_simem_size_0:
called_computation.2_lowered:
.L_overlay_start_0:
0x88: {  	s2 =	sld [smem:$0x3FD9]  }
0x89: {  	s3 =	sld [smem:$0x3FFE];
	_ =	sdelay $0x1  }
0x8a: {  	s1 =	srdreg.scid  }
0x8b: {  	s0 =	sand.u32 $0x1, s1  }
0x8c: {  	s17 =	sshll.u32 s0, $0xA;
	s2 =	sadd.s32 s3, s2  }
0x8d: {  	s2 =	sadd.s32 s2, s17  }
0x8e: {  	[smem:$0x3FC2] =	sst s2  }
0x8f: {  	_ = 	snop  }
0x90: {  	s2 =	sld [smem:$0x3FD0];
	(tm) =	ssettm $0x1  }
0x91: {  	s18 =	sld [smem:$0x3FFB];
	_ =	sdelay $0x3  }
0x92: {  	_ =	strace s18  }
0x93: {  	s3 =	sld [smem:$0x3FFC];
	_ =	sdelay $0x3  }
0x94: {  	_ =	strace s3  }
0x95: {  	s3 =	sld [smem:$0x3FFD];
	_ =	sdelay $0x3  }
0x96: {  	_ =	strace s3  }
0x97: {  	_ =	strace $0x8FFFFFFF  }
0x98: {  	s19 =	sld [smem:$0x3FDB];
	_ =	sdelay $0x1  }
0x99: {  	s4 =	simm.s32 $_scs_section_size  }
0x9a: {  	s5 =	simm.s32 $_size__tile_overlayer_lowered;
	s6 =	simm.s32 $_tile_overlayer_lowered  }
0x9b: {  	s22 =	simm.s32 $0x1BFF;
	s21 =	sshll.u32 s6, $0x1;
	s3 =	sadd.s32 s4, s19  }
0x9c: {  	s7 =	simm.s32 $0x0;
	s20 =	sshll.u32 s5, $0x1;
	s5 =	sadd.s32 s21, s3  }
0x9d: {  	[timem:s7], [sflag:s22] =	dma.local [hbm:s5], s20  }
0x9e: {  	_ =	swait.ge [sflag:s22], s20  }
0x9f: {  	s4 =	ssub.s32 $0x0, s20;
	[sflag:s22] =	ssyncset.done $0x0  }
0xa0: {  	[sflag:s22] =	ssyncadd.s32 s4;
	_ =	sdelay $0x1  }
0xa1: {  	s23 =	simm.s32 $0x1B8B  }
0xa2: {  	_ =	swait.ge [sflag:s23], $0x1  }
0xa3: {  	[sflag:s23] =	ssyncset.done $0x0  }
0xa4: {  	s25 =	simm.s32 $0x1B8E;
	s24 =	sld [smem:$0x3FFE];
	[sflag:s23] =	ssyncadd.s32 $0xFFFFFFFF  }
0xa5: {  	s26 =	simm.s32 $execute0_lowered;
	[smem:$0x3FD2] =	sst s25  }
0xa6: {  	s5 =	sshll.u32 s26, $0x1;
	_ =	strace $0x8000004C;
	[dreg:$0x1] =	wrdreg $0xFFFFFFFF  }
0xa7: {  	s28 =	simm.s32 $_size_execute0_lowered;
	s3 =	sadd.s32 s3, s5;
	[dreg:$0x0] =	wrdreg $0x0  }
0xa8: {  	s5 =	sshll.u32 s28, $0x1;
	[dreg:$0x2] =	wrdreg s3  }
0xa9: {  	[dreg:$0x3] =	wrdreg s5  }
0xaa: {  	[dreg:$0x4] =	wrdreg $0xC0  }
0xab: {  	_ =	task [dreg:s7], $0x5FFFF  }
0xac: {  	[dreg:$0x1] =	wrdreg $0xFFFFFFFF  }
0xad: {  	[dreg:$0x0] =	wrdreg $0x60  }
0xae: {  	[dreg:$0x2] =	wrdreg s24  }
0xaf: {  	[dreg:$0x3] =	wrdreg s2  }
0xb0: {  	[dreg:$0x4] =	wrdreg $0x68000  }
0xb1: {  	[dreg:$0x5] =	wrdreg $0x9  }
0xb2: {  	_ =	task.clear_ibuf [dreg:s7], $0x6FFFF;
	_ =	strace $0x9000004C  }
0xb3: {  	s29 =	simm.s32 $0x9;
	_ =	strace $0x8000004E  }
0xb4: {  	_ =	swait.ge [sflag:s29], $0x1  }
0xb5: {  	[sflag:s29] =	ssyncadd.s32 $0xFFFFFFFF  }
0xb6: {  	_ =	strace $0x9000004E  }
0xb7: {  	_ =	sfence  }
0xb8: {  	s30 =	sld [smem:$0x0];
	_ =	sdelay $0x2  }
0xb9: {  	s31 =	sshll.u32 s1, $0xD;
	s1 =	sshrl.u32 s1, $0x2  }
0xba: {  	s3 =	sand.u32 $0x4000, s31;
	s1 =	sadd.s32 s1, s30  }
0xbb: {  	s0 =	sor.u32 s3, s0;
	s1 =	sshll.u32 s1, $0x11  }
0xbc: {  	s0 =	sor.u32 s1, s0  }
0xbd: {  	s0 =	sadd.s32 $0x8F2B, s0  }
0xbe: {  	[sflag:s0] =	ssyncadd.remote.s32 $0x1  }
0xbf: {  	_ =	sfence.sel $0xFFFF  }
0xc0: {  	[dreg:$0x0] =	wrdreg $0xFFFFFFFF;
	(pc) =	sbr.abs _section_cstart, $3  }
0xc1: {  	[dreg:$0x1] =	wrdreg $0xFFFFFFFF  }
0xc2: {  	_ =	task.clear_ibuf [dreg:s7], $0x2FFFF;
	_ =	strace $0x9FFFFFFF  }
0xc3: {  	(tm) =	ssettm $0x7FFFFFFF  }
tec
execute0_lowered:
.L_overlay_start_1:
0x0: {  	(tag) =	ssettag $0x1  }
0x1: {  	s0 =	rddreg [dreg:$0x0]  }
0x2: {  	s2 =	rddreg [dreg:$0x1];
	s1 =	srdreg.scid  }
0x3: {  	s15 =	stileid.u32;
	s3 =	rddreg [dreg:$0x2];
	s4 =	simm.s32 $0x0  }
0x4: {  	s28 =	simm.s32 $0x200;
	s29 =	simm.s32 $0x300;
	s5 =	smul.u32 $0x280, s15  }
0x5: {  	s30 =	simm.s32 $0xC8;
	s31 =	simm.s32 $0x2;
	s8 =	smul.u32 $0x50000, s15  }
0x6: {  	s1 =	sand.u32 $0x1, s1;
	[smem:$0x7FF] =	sst s4;
	s17 =	smul.u32 $0x2710, s15  }
0x7: {  	s6 =	smul.u32 $0x2800, s1;
	_ =	strace $0x8000004D;
	s20 =	sshll.u32 s1, $0x4  }
0x8: {  	s9 =	ssub.s32 $0x2, s1;
	s1 =	smul.u32 $0x27100, s1;
	s8 =	sshrl.u32 s8, $0x2  }
0x9: {  	s10 =	sor.u32 s15, s20;
	s11 =	sshrl.u32 s9, $0x1;
	s6 =	sadd.s32 s5, s6  }
0xa: {  	s5 =	sadd.s32 $0x16A00, s0;
	s13 =	smul.u32 $0x2710, s10;
	s14 =	ssub.s32 s9, s11  }
0xb: {  	s1 =	sadd.s32 s17, s1;
	s7 =	sshll.u32 s6, $0x4;
	s6 =	sadd.s32 $0xCC00, s0  }
0xc: {  	s17 =	smax.u32 s14, $0x1;
	s25 =	sadd.s32 $0xC8, s1;
	s0 =	sadd.s32 s7, s0  }
0xd: {  	s7 =	sadd.s32 s8, s3;
	s12 =	sshrl.u32 s13, $0x3;
	s24 =	sadd.s32 $0x2648, s13  }
0xe: {  	s26 =	sshrl.u32 s25, $0x3;
	s13 =	sadd.s32 $0x190, s1;
	s25 =	simm.s32 $0x100  }
0xf: {  	s1 =	simm.s32 $0x0;
	s8 =	sadd.s32 $0x6400, s7;
	s9 =	sadd.s32 $0xC800, s7  }
0x10: {  	s10 =	sadd.s32 $0x12C00, s7;
	s11 =	sadd.s32 s2, s12;
	s21 =	sadd.s32 $0xB4C00, s0  }
0x11: {  	s12 =	sadd.s32 s6, s12;
	s22 =	sadd.s32 $0xB5880, s0;
	[dreg:$0x4] =	wrdreg s21  }
0x12: {  	s23 =	sadd.s32 $0xB6500, s0;
	s16 =	sadd.s32 $0xB7180, s0;
	[dreg:$0x5] =	wrdreg s22  }
0x13: {  	s0 =	sshrl.u32 s24, $0x3;
	s24 =	simm.s32 $0x3;
	[dreg:$0x6] =	wrdreg s23  }
0x14: {  	s18 =	sadd.s32 s2, s0;
	s19 =	sadd.s32 s6, s0;
	s21 =	sadd.s32 s26, s6  }
0x15: {  	v0 =	vimm.f32 $0.0e+00;
	s22 =	sadd.s32 s26, s2;
	s23 =	simm.s32 $0x400;
	s26 =	simm.s32 $0x1  }
.LBB2_1:
0x16: {  	s0 =	sand.u32 $0x1FE00, s4  }
0x17: {  	s14 =	sand.u32 $0x70, s4;
	s20 =	sshrl.u32 s0, $0x2  }
0x18: {  	s0 =	simm.s32 $0x40;
	s14 =	sor.u32 s14, s20;
	s20 =	simm.s32 $0x0  }
.LBB2_2:
0x19: {  	p0 =	sne.s32 s0, $0x18FC0  }
0x1a: {  	[tilespmem:s14+$0x400] =	vst v0;
	s20 =	sadd.s32 $0x10, s20;
	s14 =	smov.u32 s0;
	s0 =	sadd.s32 $0x40, s0  }
.Ltmp0:
0x1b: {  	(pc) =	sbr.rel @p0 .LBB2_2-.Ltmp0, $4  }
0x1c: {  	_ = 	snop  }
0x1d: {  	s14 =	sand.u32 $0x1FE00, s14  }
0x1e: {  	s15 =	sand.u32 $0x70, s20;
	s14 =	sshrl.u32 s14, $0x2  }
0x1f: {  	s14 =	sor.u32 s15, s14  }
0x20: {  	[tilespmem:s14+$0x400] =	vst v0  }
0x21: {  	[spmem:s7] =	stream.linear.scatter [tilespmem:s23], [sflag:$0x3], $0x6400, $0x38;
	[tilespmem:$0x1A800] =	vst v63  }
0x22: {  	_ =	swait.ge [sflag:s24], $0x6400  }
0x23: {  	[sflag:s24] =	ssyncset.done $0x0  }
0x24: {  	[sflag:s24] =	ssyncadd.s32 $0xFFFF9C00  }
0x25: {  	[spmem:s8] =	stream.linear.scatter [tilespmem:s23], [sflag:$0x3], $0x6400, $0x38;
	[tilespmem:$0x1A800] =	vst v63  }
0x26: {  	_ =	swait.ge [sflag:s24], $0x6400  }
0x27: {  	[sflag:s24] =	ssyncset.done $0x0  }
0x28: {  	[sflag:s24] =	ssyncadd.s32 $0xFFFF9C00  }
0x29: {  	[spmem:s9] =	stream.linear.scatter [tilespmem:s23], [sflag:$0x3], $0x6400, $0x38;
	[tilespmem:$0x1A800] =	vst v63  }
0x2a: {  	_ =	swait.ge [sflag:s24], $0x6400  }
0x2b: {  	[sflag:s24] =	ssyncset.done $0x0  }
0x2c: {  	[sflag:s24] =	ssyncadd.s32 $0xFFFF9C00  }
0x2d: {  	[spmem:s10] =	stream.linear.scatter [tilespmem:s23], [sflag:$0x3], $0x1400, $0x38;
	[tilespmem:$0x1A800] =	vst v63  }
0x2e: {  	_ =	swait.ge [sflag:s24], $0x1400  }
0x2f: {  	[sflag:s24] =	ssyncset.done $0x0  }
0x30: {  	[sflag:s24] =	ssyncadd.s32 $0xFFFFEC00  }
0x31: {  	s0 =	simm.s32 $0x0;
	[bflag:$0x0] =	sbarrier.arrive $0xFFFF  }
0x32: {  	[tilespmem:s0], [sflag:$0x1] =	stream.linear.gather [hbm4b:s11+s0], $0xC8, $0x38;
	[tilespmem:$0x1A800] =	vst v63  }
0x33: {  	_ = 	snop  }
0x34: {  	[tilespmem:s25], [sflag:$0x1] =	stream.linear.gather [hbm4b:s12+s0], $0xC8, $0x38;
	[tilespmem:$0x1A800] =	vst v63  }
0x35: {  	_ =	swait.ge [sflag:s26], $0xC8  }
0x36: {  	[sflag:s26] =	ssyncset.done $0x0  }
0x37: {  	[sflag:s26] =	ssyncadd.s32 $0xFFFFFF38  }
0x38: {  	_ =	swait.ge [sflag:s26], $0xC8  }
0x39: {  	[sflag:s26] =	ssyncset.done $0x0  }
0x3a: {  	s20 =	sadd.s32 $0x0, s22;
	[sflag:s26] =	ssyncadd.s32 $0xFFFFFF38  }
0x3b: {  	[tilespmem:s28], [sflag:$0x2] =	stream.linear.gather [hbm4b:s20+s4], $0xC8, $0x38;
	[tilespmem:$0x1A800] =	vst v63  }
0x3c: {  	s14 =	sadd.s32 $0x0, s21  }
0x3d: {  	[tilespmem:s29], [sflag:$0x2] =	stream.linear.gather [hbm4b:s14+s4], $0xC8, $0x38;
	[tilespmem:$0x1A800] =	vst v63  }
0x3e: {  	_ = 	snop  }
0x3f: {  	[tilespmem:s23], [sflag:$0x3] =	stream.indirect.gather [hbm4b:s5+s30], $0x80, s4, s30, $0xb8;
	[tilespmem:$0x1A800] =	vst v63  }
0x40: {  	_ =	swait.ge [sflag:s24], $0x6400  }
0x41: {  	[sflag:s24] =	ssyncset.done $0x0  }
0x42: {  	[sflag:s24] =	ssyncadd.s32 $0xFFFF9C00  }
0x43: {  	[spmem:s3] =	stream.indirect.scatter.add.f32 [tilespmem:s23], [sflag:$0x3], $0x80, s25, s30, $0xb8;
	[tilespmem:$0x1A800] =	vst v63  }
0x44: {  	_ =	swait.ge [sflag:s24], $0x6400  }
0x45: {  	[sflag:s24] =	ssyncset.done $0x0  }
0x46: {  	[sflag:s24] =	ssyncadd.s32 $0xFFFF9C00  }
0x47: {  	_ =	swait.ge [sflag:s31], $0xC8  }
0x48: {  	[sflag:s31] =	ssyncset.done $0x0  }
0x49: {  	[sflag:s31] =	ssyncadd.s32 $0xFFFFFF38  }
0x4a: {  	_ =	swait.ge [sflag:s31], $0xC8  }
0x4b: {  	s15 =	sshrl.u32 s13, $0x3;
	[sflag:s31] =	ssyncset.done $0x0  }
0x4c: {  	s20 =	sadd.s32 s2, s15;
	[sflag:s31] =	ssyncadd.s32 $0xFFFFFF38  }
0x4d: {  	[tilespmem:s4], [sflag:$0x1] =	stream.linear.gather [hbm4b:s20+s4], $0xC8, $0x38;
	[tilespmem:$0x1A800] =	vst v63  }
0x4e: {  	s0 =	sadd.s32 s6, s15  }
0x4f: {  	[tilespmem:s25], [sflag:$0x1] =	stream.linear.gather [hbm4b:s0+s4], $0xC8, $0x38;
	[tilespmem:$0x1A800] =	vst v63  }
0x50: {  	_ = 	snop  }
0x51: {  	[tilespmem:s23], [sflag:$0x3] =	stream.indirect.gather [hbm4b:s5+s30], $0x80, s28, s30, $0xb8;
	[tilespmem:$0x1A800] =	vst v63  }
0x52: {  	_ =	swait.ge [sflag:s24], $0x6400  }
0x53: {  	[sflag:s24] =	ssyncset.done $0x0  }
0x54: {  	[sflag:s24] =	ssyncadd.s32 $0xFFFF9C00  }
0x55: {  	[spmem:s3] =	stream.indirect.scatter.add.f32 [tilespmem:s23], [sflag:$0x3], $0x80, s29, s30, $0xb8;
	[tilespmem:$0x1A800] =	vst v63  }
0x56: {  	_ =	swait.ge [sflag:s24], $0x6400  }
0x57: {  	s20 =	smov.u32 s13;
	s0 =	simm.s32 $0x32;
	[sflag:s24] =	ssyncset.done $0x0  }
.LBB2_4:
0x58: {  	p0 =	sne.s32 s0, $0x47E;
	[sflag:s24] =	ssyncadd.s32 $0xFFFF9C00;
	s20 =	sadd.s32 $0x190, s20  }
0x59: {  	s14 =	smov.u32 s0;
	s0 =	sadd.s32 $0x32, s0;
	_ =	swait.ge [sflag:s26], $0xC8  }
0x5a: {  	[sflag:s26] =	ssyncset.done $0x0  }
0x5b: {  	[sflag:s26] =	ssyncadd.s32 $0xFFFFFF38  }
0x5c: {  	_ =	swait.ge [sflag:s26], $0xC8  }
0x5d: {  	[sflag:s26] =	ssyncset.done $0x0  }
0x5e: {  	s15 =	sadd.s32 s14, s22;
	[sflag:s26] =	ssyncadd.s32 $0xFFFFFF38  }
0x5f: {  	[tilespmem:s28], [sflag:$0x2] =	stream.linear.gather [hbm4b:s15+s4], $0xC8, $0x38;
	[tilespmem:$0x1A800] =	vst v63  }
0x60: {  	s14 =	sadd.s32 s14, s21  }
0x61: {  	[tilespmem:s29], [sflag:$0x2] =	stream.linear.gather [hbm4b:s14+s4], $0xC8, $0x38;
	[tilespmem:$0x1A800] =	vst v63  }
0x62: {  	_ = 	snop  }
0x63: {  	[tilespmem:s23], [sflag:$0x3] =	stream.indirect.gather [hbm4b:s5+s30], $0x80, s4, s30, $0xb8;
	[tilespmem:$0x1A800] =	vst v63  }
0x64: {  	_ =	swait.ge [sflag:s24], $0x6400  }
0x65: {  	[sflag:s24] =	ssyncset.done $0x0  }
0x66: {  	[sflag:s24] =	ssyncadd.s32 $0xFFFF9C00  }
0x67: {  	[spmem:s3] =	stream.indirect.scatter.add.f32 [tilespmem:s23], [sflag:$0x3], $0x80, s25, s30, $0xb8;
	[tilespmem:$0x1A800] =	vst v63  }
0x68: {  	_ =	swait.ge [sflag:s24], $0x6400  }
0x69: {  	[sflag:s24] =	ssyncset.done $0x0  }
0x6a: {  	[sflag:s24] =	ssyncadd.s32 $0xFFFF9C00  }
0x6b: {  	_ =	swait.ge [sflag:s31], $0xC8  }
0x6c: {  	[sflag:s31] =	ssyncset.done $0x0  }
0x6d: {  	[sflag:s31] =	ssyncadd.s32 $0xFFFFFF38  }
0x6e: {  	_ =	swait.ge [sflag:s31], $0xC8  }
0x6f: {  	s14 =	sshrl.u32 s20, $0x3;
	[sflag:s31] =	ssyncset.done $0x0  }
0x70: {  	s15 =	sadd.s32 s2, s14;
	[sflag:s31] =	ssyncadd.s32 $0xFFFFFF38  }
0x71: {  	[tilespmem:s4], [sflag:$0x1] =	stream.linear.gather [hbm4b:s15+s4], $0xC8, $0x38;
	[tilespmem:$0x1A800] =	vst v63  }
0x72: {  	s14 =	sadd.s32 s6, s14  }
0x73: {  	[tilespmem:s25], [sflag:$0x1] =	stream.linear.gather [hbm4b:s14+s4], $0xC8, $0x38;
	[tilespmem:$0x1A800] =	vst v63  }
0x74: {  	_ = 	snop  }
0x75: {  	[tilespmem:s23], [sflag:$0x3] =	stream.indirect.gather [hbm4b:s5+s30], $0x80, s28, s30, $0xb8;
	[tilespmem:$0x1A800] =	vst v63  }
0x76: {  	_ =	swait.ge [sflag:s24], $0x6400  }
.Ltmp1:
0x77: {  	[sflag:s24] =	ssyncset.done $0x0;
	(pc) =	sbr.rel @p0 .LBB2_4-.Ltmp1, $4  }
0x78: {  	[sflag:s24] =	ssyncadd.s32 $0xFFFF9C00  }
0x79: {  	[spmem:s3] =	stream.indirect.scatter.add.f32 [tilespmem:s23], [sflag:$0x3], $0x80, s29, s30, $0xb8;
	[tilespmem:$0x1A800] =	vst v63  }
0x7a: {  	_ =	swait.ge [sflag:s24], $0x6400  }
0x7b: {  	[sflag:s24] =	ssyncset.done $0x0  }
0x7c: {  	[sflag:s24] =	ssyncadd.s32 $0xFFFF9C00  }
0x7d: {  	_ =	swait.ge [sflag:s26], $0xC8  }
0x7e: {  	[sflag:s26] =	ssyncset.done $0x0  }
0x7f: {  	[sflag:s26] =	ssyncadd.s32 $0xFFFFFF38  }
0x80: {  	_ =	swait.ge [sflag:s26], $0xC8  }
0x81: {  	[sflag:s26] =	ssyncset.done $0x0  }
0x82: {  	[sflag:s26] =	ssyncadd.s32 $0xFFFFFF38  }
0x83: {  	[tilespmem:s28], [sflag:$0x2] =	stream.linear.gather [hbm4b:s18+s4], $0xC8, $0x38;
	[tilespmem:$0x1A800] =	vst v63  }
0x84: {  	_ = 	snop  }
0x85: {  	[tilespmem:s29], [sflag:$0x2] =	stream.linear.gather [hbm4b:s19+s4], $0xC8, $0x38;
	[tilespmem:$0x1A800] =	vst v63  }
0x86: {  	_ = 	snop  }
0x87: {  	[tilespmem:s23], [sflag:$0x3] =	stream.indirect.gather [hbm4b:s5+s30], $0x80, s4, s30, $0xb8;
	[tilespmem:$0x1A800] =	vst v63  }
0x88: {  	_ =	swait.ge [sflag:s24], $0x6400  }
0x89: {  	[sflag:s24] =	ssyncset.done $0x0  }
0x8a: {  	[sflag:s24] =	ssyncadd.s32 $0xFFFF9C00  }
0x8b: {  	[spmem:s3] =	stream.indirect.scatter.add.f32 [tilespmem:s23], [sflag:$0x3], $0x80, s25, s30, $0xb8;
	[tilespmem:$0x1A800] =	vst v63  }
0x8c: {  	_ =	swait.ge [sflag:s24], $0x6400  }
0x8d: {  	[sflag:s24] =	ssyncset.done $0x0  }
0x8e: {  	[sflag:s24] =	ssyncadd.s32 $0xFFFF9C00  }
0x8f: {  	_ =	swait.ge [sflag:s31], $0xC8  }
0x90: {  	[sflag:s31] =	ssyncset.done $0x0  }
0x91: {  	[sflag:s31] =	ssyncadd.s32 $0xFFFFFF38  }
0x92: {  	_ =	swait.ge [sflag:s31], $0xC8  }
0x93: {  	[sflag:s31] =	ssyncset.done $0x0  }
0x94: {  	[sflag:s31] =	ssyncadd.s32 $0xFFFFFF38  }
0x95: {  	[tilespmem:s4], [sflag:$0x1] =	stream.linear.gather [hbm4b:s11+s4], $0xC8, $0x38;
	[tilespmem:$0x1A800] =	vst v63  }
0x96: {  	_ = 	snop  }
0x97: {  	[tilespmem:s25], [sflag:$0x1] =	stream.linear.gather [hbm4b:s12+s4], $0xC8, $0x38;
	[tilespmem:$0x1A800] =	vst v63  }
0x98: {  	_ = 	snop  }
0x99: {  	[tilespmem:s23], [sflag:$0x3] =	stream.indirect.gather [hbm4b:s5+s30], $0x80, s28, s30, $0xb8;
	[tilespmem:$0x1A800] =	vst v63  }
0x9a: {  	_ =	swait.ge [sflag:s24], $0x6400  }
0x9b: {  	[sflag:s24] =	ssyncset.done $0x0  }
0x9c: {  	[sflag:s24] =	ssyncadd.s32 $0xFFFF9C00  }
0x9d: {  	[spmem:s3] =	stream.indirect.scatter.add.f32 [tilespmem:s23], [sflag:$0x3], $0x80, s29, s30, $0xb8;
	[tilespmem:$0x1A800] =	vst v63  }
0x9e: {  	_ =	swait.ge [sflag:s24], $0x6400  }
0x9f: {  	[sflag:s24] =	ssyncset.done $0x0  }
0xa0: {  	[sflag:s24] =	ssyncadd.s32 $0xFFFF9C00  }
0xa1: {  	_ =	swait.ge [sflag:s26], $0xC8  }
0xa2: {  	[sflag:s26] =	ssyncset.done $0x0  }
0xa3: {  	[sflag:s26] =	ssyncadd.s32 $0xFFFFFF38  }
0xa4: {  	_ =	swait.ge [sflag:s26], $0xC8  }
0xa5: {  	[sflag:s26] =	ssyncset.done $0x0  }
0xa6: {  	[sflag:s26] =	ssyncadd.s32 $0xFFFFFF38  }
0xa7: {  	[bflag:$0x0] =	sbarrier.arrive $0xFFFF  }
0xa8: {  	[tilespmem:s23], [sflag:$0x3] =	stream.linear.gather [spmem:s7], $0x6400, $0x38;
	[tilespmem:$0x1A800] =	vst v63  }
0xa9: {  	_ =	swait.ge [sflag:s24], $0x6400  }
0xaa: {  	[sflag:s24] =	ssyncset.done $0x0  }
0xab: {  	s0 =	rddreg [dreg:$0x4];
	[sflag:s24] =	ssyncadd.s32 $0xFFFF9C00  }
0xac: {  	[hbm4b:s0+s4] =	stream.linear.scatter [tilespmem:s23], [sflag:$0x3], $0x6400, $0x38;
	[tilespmem:$0x1A800] =	vst v63  }
0xad: {  	_ =	swait.ge [sflag:s24], $0x6400  }
0xae: {  	[sflag:s24] =	ssyncset.done $0x0  }
0xaf: {  	[sflag:s24] =	ssyncadd.s32 $0xFFFF9C00  }
0xb0: {  	[tilespmem:s23], [sflag:$0x3] =	stream.linear.gather [spmem:s8], $0x6400, $0x38;
	[tilespmem:$0x1A800] =	vst v63  }
0xb1: {  	_ =	swait.ge [sflag:s24], $0x6400  }
0xb2: {  	[sflag:s24] =	ssyncset.done $0x0  }
0xb3: {  	s15 =	rddreg [dreg:$0x5];
	[sflag:s24] =	ssyncadd.s32 $0xFFFF9C00  }
0xb4: {  	[hbm4b:s15+s4] =	stream.linear.scatter [tilespmem:s23], [sflag:$0x3], $0x6400, $0x38;
	[tilespmem:$0x1A800] =	vst v63  }
0xb5: {  	_ =	swait.ge [sflag:s24], $0x6400  }
0xb6: {  	[sflag:s24] =	ssyncset.done $0x0  }
0xb7: {  	[sflag:s24] =	ssyncadd.s32 $0xFFFF9C00  }
0xb8: {  	[tilespmem:s23], [sflag:$0x3] =	stream.linear.gather [spmem:s9], $0x6400, $0x38;
	[tilespmem:$0x1A800] =	vst v63  }
0xb9: {  	_ =	swait.ge [sflag:s24], $0x6400  }
0xba: {  	[sflag:s24] =	ssyncset.done $0x0  }
0xbb: {  	s20 =	rddreg [dreg:$0x6];
	[sflag:s24] =	ssyncadd.s32 $0xFFFF9C00  }
0xbc: {  	[hbm4b:s20+s4] =	stream.linear.scatter [tilespmem:s23], [sflag:$0x3], $0x6400, $0x38;
	[tilespmem:$0x1A800] =	vst v63  }
0xbd: {  	_ =	swait.ge [sflag:s24], $0x6400  }
0xbe: {  	[sflag:s24] =	ssyncset.done $0x0  }
0xbf: {  	[sflag:s24] =	ssyncadd.s32 $0xFFFF9C00  }
0xc0: {  	[tilespmem:s23], [sflag:$0x3] =	stream.linear.gather [spmem:s10], $0x1400, $0x38;
	[tilespmem:$0x1A800] =	vst v63  }
0xc1: {  	s1 =	sadd.s32 $0x1, s1;
	_ =	swait.ge [sflag:s24], $0x1400  }
0xc2: {  	p0 =	sne.s32 s1, s17;
	[sflag:s24] =	ssyncset.done $0x0  }
.Ltmp2:
0xc3: {  	[sflag:s24] =	ssyncadd.s32 $0xFFFFEC00;
	(pc) =	sbr.rel @p0 .LBB2_1-.Ltmp2, $4  }
0xc4: {  	[hbm4b:s16+s4] =	stream.linear.scatter [tilespmem:s23], [sflag:$0x3], $0x1400, $0x38;
	[tilespmem:$0x1A800] =	vst v63  }
0xc5: {  	_ =	swait.ge [sflag:s24], $0x1400  }
0xc6: {  	[sflag:s24] =	ssyncset.done $0x0  }
0xc7: {  	[sflag:s24] =	ssyncadd.s32 $0xFFFFEC00  }
0xc8: {  	_ =	sfence.sel $0x180000  }
0xc9: {  	[bflag:$0x0] =	sbarrier.arrive $0xFFFF  }
0xca: {  	_ =	strace $0x9000004D  }
0xcb: {  	s0 =	stileid.u32;
	[bflag:$0x2] =	sbarrier.arrive $0xFFFF  }
0xcc: {  	p0 =	sne.s32 s0, $0x0;
	s0 =	rddreg [dreg:$0x3]  }
0xcd: {  	s0 =	sadd.s32 @!p0 $0x100000, s0  }
0xce: {  	[sflag:s0] =	ssyncadd.tile.s32 @!p0 $0x1;
	_ =	shalt  }
.Lfunc_end2:
_tile_overlayer_lowered:
.L_overlay_start_2:
0xcf: {  	(tag) =	ssettag $0x2  }
0xd0: {  	s0 =	rddreg [dreg:$0x0];
	s2 =	stileid.u32  }
0xd1: {  	s1 =	rddreg [dreg:$0x1];
	p0 =	sne.s32 s2, $0x0  }
0xd2: {  	s3 =	rddreg [dreg:$0x2];
	[bflag:$0x3] =	sbarrier.arrive $0xFFFF;
	s2 =	simm.s32 @!p0 $0x1C03  }
0xd3: {  	[timem:s3], [sflag:s2] =	dma.local @!p0 [hbm:s0], s1  }
0xd4: {  	s0 =	simm.s32 @!p0 $0x3  }
0xd5: {  	_ =	swait.ge @!p0 [sflag:s0], s1  }
0xd6: {  	s1 =	ssub.s32 @!p0 $0x0, s1;
	[sflag:s0] =	ssyncset.done @!p0 $0x0  }
0xd7: {  	[sflag:s0] =	ssyncadd.s32 @!p0 s1  }
0xd8: {  	[bflag:$0x3] =	sbarrier.arrive $0xFFFF  }
0xd9: {  	_ =	shalt  }

// kernel: kernel.8.cloned.1.call-start
scs
__scs_entry_jumppad:
0x0: {  	(pc) =	sbr.rel $0x88, $3  }
0x1: {  	(tag) =	ssettag $0x0;
	lr =	simm.s32 $0x1  }
0x2: {  	[smem:$0x3F9B] =	sst lr;
	_ =	strace $0xD0000000  }
0x3: {  	_ = 	snop  }
0x4: {  	_ = 	snop  }
0x5: {  	_ = 	snop  }
0x6: {  	_ = 	snop  }
0x7: {  	_ = 	snop  }
__scs_overlays_trampoline_lowered:
0x8: {  	[smem:$0x3FAA] =	sst s0  }
0x9: {  	[smem:$0x3FAB] =	sst s1  }
0xa: {  	[smem:$0x3FAC] =	sst s2  }
0xb: {  	[smem:$0x3FAD] =	sst s3  }
0xc: {  	[smem:$0x3FAE] =	sst s4  }
0xd: {  	[smem:$0x3FAF] =	sst s5  }
0xe: {  	[smem:$0x3FB0] =	sst s6  }
0xf: {  	[smem:$0x3FB1] =	sst s7  }
0x10: {  	[smem:$0x3FB2] =	sst s8  }
0x11: {  	[smem:$0x3FB3] =	sst s9;
	s0 =	simm.s32 @!p0 $0x0  }
0x12: {  	s1 =	sld [smem:$0x3F99];
	s0 =	simm.s32 @p0 $0x1  }
0x13: {  	[smem:$0x3FB4] =	sst s0;
	s0 =	simm.s32 @!p1 $0x0  }
0x14: {  	s2 =	sld [smem:$0x3F98];
	s0 =	simm.s32 @p1 $0x1  }
0x15: {  	[smem:$0x3FB5] =	sst s0;
	s0 =	simm.s32 @!p2 $0x0  }
0x16: {  	s3 =	sld [smem:$0x3FDB];
	s0 =	simm.s32 @p2 $0x1  }
0x17: {  	s4 =	simm.s32 $0x1BF5;
	[smem:$0x3FB7] =	sst s0  }
0x18: {  	s0 =	sld [smem:$0x3F9A];
	_ =	swait.ge [sflag:s4], $0x0  }
0x19: {  	s7 =	sld [smem:$0x3F9B]  }
0x1a: {  	s8 =	sadd.s32 $0xFFFFE003, lr  }
0x1b: {  	s9 =	sadd.s32 $0xFFFFFEF7, lr;
	s5 =	simm.s32 $0xFFFFFFFF;
	p2 =	slt.u32 s8, $0xFFFFF086  }
0x1c: {  	p1 =	slt.u32 s9, $0xF7A;
	s5 =	simm.s32 @!p2 $0x0  }
0x1d: {  	s5 =	simm.s32 @p1 $0x1;
	p0 =	seq.s32 s7, s2  }
0x1e: {  	s7 =	smul.u32 @!p0 $0xF7A, s2;
	p2 =	seq.s32 @!p0 s5, $0x0  }
0x1f: {  	s9 =	smul.u32 $0xF7A, s1;
	s8 =	simm.s32 @!p0 $0x1BF5;
	p2 =	por !p2, p0  }
0x20: {  	[sflag:s8] =	ssyncset.s32 @!p0 $0xFFFFF086;
	s6 =	sadd.s32 @!p0 s3, s7;
	s7 =	simm.s32 @!p0 $0x108  }
0x21: {  	s3 =	sadd.s32 s3, s9;
	s6 =	sadd.s32 @!p0 $0x88, s6;
	s7 =	simm.s32 @p2 $0x1082  }
0x22: {  	[simem:s7], [sflag:s8] =	dma.local @!p0 [hbm:s6], $0xF7A  }
0x23: {  	s9 =	sor.u32 $0xD0000000, s2;
	s6 =	simm.s32 $0x108;
	_ =	swait.ge @!p0 [sflag:s8], $0x0  }
0x24: {  	s3 =	sadd.s32 $0x88, s3;
	s6 =	simm.s32 @!p1 $0x1082;
	[sflag:s4] =	ssyncset.s32 $0xFFFFF086  }
0x25: {  	[simem:s6], [sflag:s4] =	dma.local [hbm:s3], $0xF7A  }
0x26: {  	[smem:$0x3F9B] =	sst s1;
	(tag) =	ssettag s2;
	_ =	strace s9  }
0x27: {  	s1 =	sld [smem:$0x3FAB]  }
0x28: {  	s2 =	sld [smem:$0x3FAC]  }
0x29: {  	s4 =	sld [smem:$0x3FAE]  }
0x2a: {  	p0 =	seq.s32 s5, $0x0;
	s5 =	sld [smem:$0x3FAF]  }
0x2b: {  	s6 =	sld [smem:$0x3FB0]  }
0x2c: {  	s7 =	sld [smem:$0x3FB1]  }
0x2d: {  	s3 =	simm.s32 $0x108;
	s8 =	sld [smem:$0x3FB2]  }
0x2e: {  	s3 =	simm.s32 @!p0 $0x1082;
	s9 =	sld [smem:$0x3FB3]  }
0x2f: {  	lr =	sadd.s32 s0, s3;
	s0 =	sld [smem:$0x3FAA]  }
0x30: {  	s3 =	sld [smem:$0x3FAD]  }
0x31: {  	[smem:$0x3FB6] =	sst s10  }
0x32: {  	s10 =	sld [smem:$0x3FB4];
	_ =	sdelay $0x3  }
0x33: {  	p0 =	seq.s32 s10, $0x1;
	s10 =	sld [smem:$0x3FB6];
	_ =	sdelay $0x3  }
0x34: {  	[smem:$0x3FB6] =	sst s10  }
0x35: {  	s10 =	sld [smem:$0x3FB5];
	_ =	sdelay $0x3  }
0x36: {  	p1 =	seq.s32 s10, $0x1;
	s10 =	sld [smem:$0x3FB6];
	_ =	sdelay $0x3  }
0x37: {  	[smem:$0x3FB6] =	sst s10  }
0x38: {  	s10 =	sld [smem:$0x3FB7]  }
0x39: {  	_ = 	snop;
	(pc) =	sbr.ind lr, $3  }
0x3a: {  	_ = 	snop  }
0x3b: {  	_ = 	snop  }
0x3c: {  	p2 =	seq.s32 s10, $0x1;
	s10 =	sld [smem:$0x3FB6]  }
0x3d: {  	_ =	shalt  }
0x3e: {  	_ =	shalt  }
0x3f: {  	_ =	shalt  }
0x40: {  	_ =	shalt  }
0x41: {  	_ =	shalt  }
0x42: {  	_ =	shalt  }
0x43: {  	_ =	shalt  }
0x44: {  	_ =	shalt  }
0x45: {  	_ =	shalt  }
0x46: {  	_ =	shalt  }
0x47: {  	_ =	shalt  }
0x48: {  	_ =	shalt  }
0x49: {  	_ =	shalt  }
0x4a: {  	_ =	shalt  }
0x4b: {  	_ =	shalt  }
0x4c: {  	_ =	shalt  }
0x4d: {  	_ =	shalt  }
0x4e: {  	_ =	shalt  }
0x4f: {  	_ =	shalt  }
0x50: {  	_ =	shalt  }
0x51: {  	_ =	shalt  }
0x52: {  	_ =	shalt  }
0x53: {  	_ =	shalt  }
0x54: {  	_ =	shalt  }
0x55: {  	_ =	shalt  }
0x56: {  	_ =	shalt  }
0x57: {  	_ =	shalt  }
0x58: {  	_ =	shalt  }
0x59: {  	_ =	shalt  }
0x5a: {  	_ =	shalt  }
0x5b: {  	_ =	shalt  }
0x5c: {  	_ =	shalt  }
0x5d: {  	_ =	shalt  }
0x5e: {  	_ =	shalt  }
0x5f: {  	_ =	shalt  }
0x60: {  	_ =	shalt  }
0x61: {  	_ =	shalt  }
0x62: {  	_ =	shalt  }
0x63: {  	_ =	shalt  }
0x64: {  	_ =	shalt  }
0x65: {  	_ =	shalt  }
0x66: {  	_ =	shalt  }
0x67: {  	_ =	shalt  }
0x68: {  	_ =	shalt  }
0x69: {  	_ =	shalt  }
0x6a: {  	_ =	shalt  }
0x6b: {  	_ =	shalt  }
0x6c: {  	_ =	shalt  }
0x6d: {  	_ =	shalt  }
0x6e: {  	_ =	shalt  }
0x6f: {  	_ =	shalt  }
0x70: {  	_ =	shalt  }
0x71: {  	_ =	shalt  }
0x72: {  	_ =	shalt  }
0x73: {  	_ =	shalt  }
0x74: {  	_ =	shalt  }
0x75: {  	_ =	shalt  }
0x76: {  	_ =	shalt  }
0x77: {  	_ =	shalt  }
0x78: {  	_ =	shalt  }
0x79: {  	_ =	shalt  }
0x7a: {  	_ =	shalt  }
0x7b: {  	_ =	shalt  }
0x7c: {  	_ =	shalt  }
0x7d: {  	_ =	shalt  }
0x7e: {  	_ =	shalt  }
0x7f: {  	_ =	shalt  }
0x80: {  	_ =	shalt  }
0x81: {  	_ =	shalt  }
0x82: {  	_ =	shalt  }
0x83: {  	_ =	shalt  }
0x84: {  	_ =	shalt  }
0x85: {  	_ =	shalt  }
0x86: {  	_ =	shalt  }
0x87: {  	_ =	shalt  }
.Lfunc_end0:
.L_simem_size_0:
called_computation_lowered:
.L_overlay_start_0:
0x88: {  	s2 =	sld [smem:$0x3FD9]  }
0x89: {  	s3 =	sld [smem:$0x3FFE];
	_ =	sdelay $0x1  }
0x8a: {  	s1 =	srdreg.scid  }
0x8b: {  	s0 =	sand.u32 $0x1, s1  }
0x8c: {  	s16 =	sshll.u32 s0, $0xA;
	s2 =	sadd.s32 s3, s2  }
0x8d: {  	s2 =	sadd.s32 s2, s16  }
0x8e: {  	[smem:$0x3FC2] =	sst s2  }
0x8f: {  	_ = 	snop  }
0x90: {  	(tm) =	ssettm $0x1  }
0x91: {  	s17 =	sld [smem:$0x3FFB];
	_ =	sdelay $0x3  }
0x92: {  	_ =	strace s17  }
0x93: {  	s2 =	sld [smem:$0x3FFC];
	_ =	sdelay $0x3  }
0x94: {  	_ =	strace s2  }
0x95: {  	s2 =	sld [smem:$0x3FFD];
	_ =	sdelay $0x3  }
0x96: {  	_ =	strace s2  }
0x97: {  	_ =	strace $0x8FFFFFFF  }
0x98: {  	s18 =	sld [smem:$0x3FDB];
	_ =	sdelay $0x1  }
0x99: {  	s19 =	simm.s32 $_scs_section_size  }
0x9a: {  	s4 =	simm.s32 $_size__tile_overlayer_lowered;
	s5 =	simm.s32 $_tile_overlayer_lowered  }
0x9b: {  	s22 =	simm.s32 $0x1BFF;
	s21 =	sshll.u32 s5, $0x1;
	s2 =	sadd.s32 s19, s18  }
0x9c: {  	s6 =	simm.s32 $0x0;
	s20 =	sshll.u32 s4, $0x1;
	s4 =	sadd.s32 s21, s2  }
0x9d: {  	[timem:s6], [sflag:s22] =	dma.local [hbm:s4], s20  }
0x9e: {  	_ =	swait.ge [sflag:s22], s20  }
0x9f: {  	s3 =	ssub.s32 $0x0, s20;
	[sflag:s22] =	ssyncset.done $0x0  }
0xa0: {  	[sflag:s22] =	ssyncadd.s32 s3;
	_ =	sdelay $0x1  }
0xa1: {  	s23 =	simm.s32 $0x1B8B  }
0xa2: {  	_ =	swait.ge [sflag:s23], $0x1  }
0xa3: {  	[sflag:s23] =	ssyncset.done $0x0  }
0xa4: {  	s25 =	simm.s32 $0x1B8E;
	s24 =	sld [smem:$0x3FFE];
	[sflag:s23] =	ssyncadd.s32 $0xFFFFFFFF  }
0xa5: {  	s26 =	simm.s32 $execute0_lowered;
	[smem:$0x3FD2] =	sst s25  }
0xa6: {  	s4 =	sshll.u32 s26, $0x1;
	_ =	strace $0x80000046;
	[dreg:$0x1] =	wrdreg $0xFFFFFFFF  }
0xa7: {  	s28 =	simm.s32 $_size_execute0_lowered;
	s2 =	sadd.s32 s2, s4;
	[dreg:$0x0] =	wrdreg $0x0  }
0xa8: {  	s4 =	sshll.u32 s28, $0x1;
	[dreg:$0x2] =	wrdreg s2  }
0xa9: {  	[dreg:$0x3] =	wrdreg s4  }
0xaa: {  	[dreg:$0x4] =	wrdreg $0xC0  }
0xab: {  	_ =	task [dreg:s6], $0x5FFFF  }
0xac: {  	[dreg:$0x1] =	wrdreg $0xFFFFFFFF  }
0xad: {  	[dreg:$0x0] =	wrdreg $0x60  }
0xae: {  	[dreg:$0x2] =	wrdreg s24  }
0xaf: {  	[dreg:$0x3] =	wrdreg $0x68000  }
0xb0: {  	[dreg:$0x4] =	wrdreg $0x9  }
0xb1: {  	_ =	task.clear_ibuf [dreg:s6], $0x5FFFF;
	_ =	strace $0x90000046  }
0xb2: {  	s29 =	simm.s32 $0x9;
	_ =	strace $0x80000048  }
0xb3: {  	_ =	swait.ge [sflag:s29], $0x1  }
0xb4: {  	[sflag:s29] =	ssyncadd.s32 $0xFFFFFFFF  }
0xb5: {  	_ =	strace $0x90000048  }
0xb6: {  	_ =	sfence  }
0xb7: {  	s30 =	sld [smem:$0x0];
	_ =	sdelay $0x2  }
0xb8: {  	s31 =	sshll.u32 s1, $0xD;
	s1 =	sshrl.u32 s1, $0x2  }
0xb9: {  	s3 =	sand.u32 $0x4000, s31;
	s1 =	sadd.s32 s1, s30  }
0xba: {  	s0 =	sor.u32 s3, s0;
	s1 =	sshll.u32 s1, $0x11  }
0xbb: {  	s0 =	sor.u32 s1, s0  }
0xbc: {  	s0 =	sadd.s32 $0x8F2B, s0  }
0xbd: {  	[sflag:s0] =	ssyncadd.remote.s32 $0x1  }
0xbe: {  	_ =	sfence.sel $0xFFFF  }
0xbf: {  	[dreg:$0x0] =	wrdreg $0xFFFFFFFF;
	(pc) =	sbr.abs _section_cstart, $3  }
0xc0: {  	[dreg:$0x1] =	wrdreg $0xFFFFFFFF  }
0xc1: {  	_ =	task.clear_ibuf [dreg:s6], $0x2FFFF;
	_ =	strace $0x9FFFFFFF  }
0xc2: {  	(tm) =	ssettm $0x7FFFFFFF  }
0xc3: {  	_ =	shalt  }
tec
execute0_lowered:
.L_overlay_start_1:
0x0: {  	(tag) =	ssettag $0x1  }
0x1: {  	s0 =	rddreg [dreg:$0x0]  }
0x2: {  	s1 =	srdreg.scid;
	s15 =	stileid.u32  }
0x3: {  	s2 =	rddreg [dreg:$0x1];
	s3 =	simm.s32 $0x0;
	s28 =	simm.s32 $0x200  }
0x4: {  	s29 =	simm.s32 $0x300;
	s30 =	simm.s32 $0xC8;
	s5 =	smul.u32 $0x280, s15  }
0x5: {  	s31 =	simm.s32 $0x2;
	s1 =	sand.u32 $0x1, s1;
	s8 =	smul.u32 $0x50000, s15  }
0x6: {  	[smem:$0x7FF] =	sst s3;
	s4 =	sadd.s32 $0x16A00, s0;
	s17 =	smul.u32 $0x2710, s15  }
0x7: {  	s6 =	smul.u32 $0x2800, s1;
	_ =	strace $0x80000047;
	s20 =	sshll.u32 s1, $0x4  }
0x8: {  	s9 =	ssub.s32 $0x2, s1;
	s1 =	smul.u32 $0x27100, s1;
	s8 =	sshrl.u32 s8, $0x2  }
0x9: {  	s10 =	sor.u32 s15, s20;
	s11 =	sshrl.u32 s9, $0x1;
	s6 =	sadd.s32 s5, s6  }
0xa: {  	s5 =	sadd.s32 $0x2E00, s0;
	s13 =	smul.u32 $0x2710, s10;
	s14 =	ssub.s32 s9, s11  }
0xb: {  	s1 =	sadd.s32 s17, s1;
	s7 =	sshll.u32 s6, $0x4;
	s6 =	sadd.s32 $0xCC00, s0  }
0xc: {  	s17 =	smax.u32 s14, $0x1;
	s25 =	sadd.s32 $0xC8, s1;
	s0 =	sadd.s32 s7, s0  }
0xd: {  	s7 =	sadd.s32 s8, s2;
	s12 =	sshrl.u32 s13, $0x3;
	s24 =	sadd.s32 $0x2648, s13  }
0xe: {  	s26 =	sshrl.u32 s25, $0x3;
	s13 =	sadd.s32 $0x190, s1;
	s25 =	simm.s32 $0x100  }
0xf: {  	s1 =	simm.s32 $0x0;
	s8 =	sadd.s32 $0x6400, s7;
	s9 =	sadd.s32 $0xC800, s7  }
0x10: {  	s10 =	sadd.s32 $0x12C00, s7;
	s11 =	sadd.s32 s5, s12;
	s21 =	sadd.s32 $0x64C00, s0  }
0x11: {  	s12 =	sadd.s32 s6, s12;
	s22 =	sadd.s32 $0x65880, s0;
	[dreg:$0x3] =	wrdreg s21  }
0x12: {  	s23 =	sadd.s32 $0x66500, s0;
	s16 =	sadd.s32 $0x67180, s0;
	[dreg:$0x4] =	wrdreg s22  }
0x13: {  	s0 =	sshrl.u32 s24, $0x3;
	s24 =	simm.s32 $0x3;
	[dreg:$0x5] =	wrdreg s23  }
0x14: {  	s18 =	sadd.s32 s5, s0;
	s19 =	sadd.s32 s6, s0;
	s21 =	sadd.s32 s26, s6  }
0x15: {  	v0 =	vimm.f32 $0.0e+00;
	s22 =	sadd.s32 s26, s5;
	s23 =	simm.s32 $0x400;
	s26 =	simm.s32 $0x1  }
.LBB2_1:
0x16: {  	s0 =	sand.u32 $0x1FE00, s3  }
0x17: {  	s14 =	sand.u32 $0x70, s3;
	s20 =	sshrl.u32 s0, $0x2  }
0x18: {  	s0 =	simm.s32 $0x40;
	s14 =	sor.u32 s14, s20;
	s20 =	simm.s32 $0x0  }
.LBB2_2:
0x19: {  	p0 =	sne.s32 s0, $0x18FC0  }
0x1a: {  	[tilespmem:s14+$0x400] =	vst v0;
	s20 =	sadd.s32 $0x10, s20;
	s14 =	smov.u32 s0;
	s0 =	sadd.s32 $0x40, s0  }
.Ltmp0:
0x1b: {  	(pc) =	sbr.rel @p0 .LBB2_2-.Ltmp0, $4  }
0x1c: {  	_ = 	snop  }
0x1d: {  	s14 =	sand.u32 $0x1FE00, s14  }
0x1e: {  	s15 =	sand.u32 $0x70, s20;
	s14 =	sshrl.u32 s14, $0x2  }
0x1f: {  	s14 =	sor.u32 s15, s14  }
0x20: {  	[tilespmem:s14+$0x400] =	vst v0  }
0x21: {  	[spmem:s7] =	stream.linear.scatter [tilespmem:s23], [sflag:$0x3], $0x6400, $0x38;
	[tilespmem:$0x1A800] =	vst v63  }
0x22: {  	_ =	swait.ge [sflag:s24], $0x6400  }
0x23: {  	[sflag:s24] =	ssyncset.done $0x0  }
0x24: {  	[sflag:s24] =	ssyncadd.s32 $0xFFFF9C00  }
0x25: {  	[spmem:s8] =	stream.linear.scatter [tilespmem:s23], [sflag:$0x3], $0x6400, $0x38;
	[tilespmem:$0x1A800] =	vst v63  }
0x26: {  	_ =	swait.ge [sflag:s24], $0x6400  }
0x27: {  	[sflag:s24] =	ssyncset.done $0x0  }
0x28: {  	[sflag:s24] =	ssyncadd.s32 $0xFFFF9C00  }
0x29: {  	[spmem:s9] =	stream.linear.scatter [tilespmem:s23], [sflag:$0x3], $0x6400, $0x38;
	[tilespmem:$0x1A800] =	vst v63  }
0x2a: {  	_ =	swait.ge [sflag:s24], $0x6400  }
0x2b: {  	[sflag:s24] =	ssyncset.done $0x0  }
0x2c: {  	[sflag:s24] =	ssyncadd.s32 $0xFFFF9C00  }
0x2d: {  	[spmem:s10] =	stream.linear.scatter [tilespmem:s23], [sflag:$0x3], $0x1400, $0x38;
	[tilespmem:$0x1A800] =	vst v63  }
0x2e: {  	_ =	swait.ge [sflag:s24], $0x1400  }
0x2f: {  	[sflag:s24] =	ssyncset.done $0x0  }
0x30: {  	[sflag:s24] =	ssyncadd.s32 $0xFFFFEC00  }
0x31: {  	s0 =	simm.s32 $0x0;
	[bflag:$0x0] =	sbarrier.arrive $0xFFFF  }
0x32: {  	[tilespmem:s0], [sflag:$0x1] =	stream.linear.gather [hbm4b:s11+s0], $0xC8, $0x38;
	[tilespmem:$0x1A800] =	vst v63  }
0x33: {  	_ = 	snop  }
0x34: {  	[tilespmem:s25], [sflag:$0x1] =	stream.linear.gather [hbm4b:s12+s0], $0xC8, $0x38;
	[tilespmem:$0x1A800] =	vst v63  }
0x35: {  	_ =	swait.ge [sflag:s26], $0xC8  }
0x36: {  	[sflag:s26] =	ssyncset.done $0x0  }
0x37: {  	[sflag:s26] =	ssyncadd.s32 $0xFFFFFF38  }
0x38: {  	_ =	swait.ge [sflag:s26], $0xC8  }
0x39: {  	[sflag:s26] =	ssyncset.done $0x0  }
0x3a: {  	s20 =	sadd.s32 $0x0, s22;
	[sflag:s26] =	ssyncadd.s32 $0xFFFFFF38  }
0x3b: {  	[tilespmem:s28], [sflag:$0x2] =	stream.linear.gather [hbm4b:s20+s3], $0xC8, $0x38;
	[tilespmem:$0x1A800] =	vst v63  }
0x3c: {  	s14 =	sadd.s32 $0x0, s21  }
0x3d: {  	[tilespmem:s29], [sflag:$0x2] =	stream.linear.gather [hbm4b:s14+s3], $0xC8, $0x38;
	[tilespmem:$0x1A800] =	vst v63  }
0x3e: {  	_ = 	snop  }
0x3f: {  	[tilespmem:s23], [sflag:$0x3] =	stream.indirect.gather [hbm4b:s4+s30], $0x80, s3, s30, $0xb8;
	[tilespmem:$0x1A800] =	vst v63  }
0x40: {  	_ =	swait.ge [sflag:s24], $0x6400  }
0x41: {  	[sflag:s24] =	ssyncset.done $0x0  }
0x42: {  	[sflag:s24] =	ssyncadd.s32 $0xFFFF9C00  }
0x43: {  	[spmem:s2] =	stream.indirect.scatter.add.f32 [tilespmem:s23], [sflag:$0x3], $0x80, s25, s30, $0xb8;
	[tilespmem:$0x1A800] =	vst v63  }
0x44: {  	_ =	swait.ge [sflag:s24], $0x6400  }
0x45: {  	[sflag:s24] =	ssyncset.done $0x0  }
0x46: {  	[sflag:s24] =	ssyncadd.s32 $0xFFFF9C00  }
0x47: {  	_ =	swait.ge [sflag:s31], $0xC8  }
0x48: {  	[sflag:s31] =	ssyncset.done $0x0  }
0x49: {  	[sflag:s31] =	ssyncadd.s32 $0xFFFFFF38  }
0x4a: {  	_ =	swait.ge [sflag:s31], $0xC8  }
0x4b: {  	s15 =	sshrl.u32 s13, $0x3;
	[sflag:s31] =	ssyncset.done $0x0  }
0x4c: {  	s20 =	sadd.s32 s5, s15;
	[sflag:s31] =	ssyncadd.s32 $0xFFFFFF38  }
0x4d: {  	[tilespmem:s3], [sflag:$0x1] =	stream.linear.gather [hbm4b:s20+s3], $0xC8, $0x38;
	[tilespmem:$0x1A800] =	vst v63  }
0x4e: {  	s0 =	sadd.s32 s6, s15  }
0x4f: {  	[tilespmem:s25], [sflag:$0x1] =	stream.linear.gather [hbm4b:s0+s3], $0xC8, $0x38;
	[tilespmem:$0x1A800] =	vst v63  }
0x50: {  	_ = 	snop  }
0x51: {  	[tilespmem:s23], [sflag:$0x3] =	stream.indirect.gather [hbm4b:s4+s30], $0x80, s28, s30, $0xb8;
	[tilespmem:$0x1A800] =	vst v63  }
0x52: {  	_ =	swait.ge [sflag:s24], $0x6400  }
0x53: {  	[sflag:s24] =	ssyncset.done $0x0  }
0x54: {  	[sflag:s24] =	ssyncadd.s32 $0xFFFF9C00  }
0x55: {  	[spmem:s2] =	stream.indirect.scatter.add.f32 [tilespmem:s23], [sflag:$0x3], $0x80, s29, s30, $0xb8;
	[tilespmem:$0x1A800] =	vst v63  }
0x56: {  	_ =	swait.ge [sflag:s24], $0x6400  }
0x57: {  	s20 =	smov.u32 s13;
	s0 =	simm.s32 $0x32;
	[sflag:s24] =	ssyncset.done $0x0  }
.LBB2_4:
0x58: {  	p0 =	sne.s32 s0, $0x47E;
	[sflag:s24] =	ssyncadd.s32 $0xFFFF9C00;
	s20 =	sadd.s32 $0x190, s20  }
0x59: {  	s14 =	smov.u32 s0;
	s0 =	sadd.s32 $0x32, s0;
	_ =	swait.ge [sflag:s26], $0xC8  }
0x5a: {  	[sflag:s26] =	ssyncset.done $0x0  }
0x5b: {  	[sflag:s26] =	ssyncadd.s32 $0xFFFFFF38  }
0x5c: {  	_ =	swait.ge [sflag:s26], $0xC8  }
0x5d: {  	[sflag:s26] =	ssyncset.done $0x0  }
0x5e: {  	s15 =	sadd.s32 s14, s22;
	[sflag:s26] =	ssyncadd.s32 $0xFFFFFF38  }
0x5f: {  	[tilespmem:s28], [sflag:$0x2] =	stream.linear.gather [hbm4b:s15+s3], $0xC8, $0x38;
	[tilespmem:$0x1A800] =	vst v63  }
0x60: {  	s14 =	sadd.s32 s14, s21  }
0x61: {  	[tilespmem:s29], [sflag:$0x2] =	stream.linear.gather [hbm4b:s14+s3], $0xC8, $0x38;
	[tilespmem:$0x1A800] =	vst v63  }
0x62: {  	_ = 	snop  }
0x63: {  	[tilespmem:s23], [sflag:$0x3] =	stream.indirect.gather [hbm4b:s4+s30], $0x80, s3, s30, $0xb8;
	[tilespmem:$0x1A800] =	vst v63  }
0x64: {  	_ =	swait.ge [sflag:s24], $0x6400  }
0x65: {  	[sflag:s24] =	ssyncset.done $0x0  }
0x66: {  	[sflag:s24] =	ssyncadd.s32 $0xFFFF9C00  }
0x67: {  	[spmem:s2] =	stream.indirect.scatter.add.f32 [tilespmem:s23], [sflag:$0x3], $0x80, s25, s30, $0xb8;
	[tilespmem:$0x1A800] =	vst v63  }
0x68: {  	_ =	swait.ge [sflag:s24], $0x6400  }
0x69: {  	[sflag:s24] =	ssyncset.done $0x0  }
0x6a: {  	[sflag:s24] =	ssyncadd.s32 $0xFFFF9C00  }
0x6b: {  	_ =	swait.ge [sflag:s31], $0xC8  }
0x6c: {  	[sflag:s31] =	ssyncset.done $0x0  }
0x6d: {  	[sflag:s31] =	ssyncadd.s32 $0xFFFFFF38  }
0x6e: {  	_ =	swait.ge [sflag:s31], $0xC8  }
0x6f: {  	s14 =	sshrl.u32 s20, $0x3;
	[sflag:s31] =	ssyncset.done $0x0  }
0x70: {  	s15 =	sadd.s32 s5, s14;
	[sflag:s31] =	ssyncadd.s32 $0xFFFFFF38  }
0x71: {  	[tilespmem:s3], [sflag:$0x1] =	stream.linear.gather [hbm4b:s15+s3], $0xC8, $0x38;
	[tilespmem:$0x1A800] =	vst v63  }
0x72: {  	s14 =	sadd.s32 s6, s14  }
0x73: {  	[tilespmem:s25], [sflag:$0x1] =	stream.linear.gather [hbm4b:s14+s3], $0xC8, $0x38;
	[tilespmem:$0x1A800] =	vst v63  }
0x74: {  	_ = 	snop  }
0x75: {  	[tilespmem:s23], [sflag:$0x3] =	stream.indirect.gather [hbm4b:s4+s30], $0x80, s28, s30, $0xb8;
	[tilespmem:$0x1A800] =	vst v63  }
0x76: {  	_ =	swait.ge [sflag:s24], $0x6400  }
.Ltmp1:
0x77: {  	[sflag:s24] =	ssyncset.done $0x0;
	(pc) =	sbr.rel @p0 .LBB2_4-.Ltmp1, $4  }
0x78: {  	[sflag:s24] =	ssyncadd.s32 $0xFFFF9C00  }
0x79: {  	[spmem:s2] =	stream.indirect.scatter.add.f32 [tilespmem:s23], [sflag:$0x3], $0x80, s29, s30, $0xb8;
	[tilespmem:$0x1A800] =	vst v63  }
0x7a: {  	_ =	swait.ge [sflag:s24], $0x6400  }
0x7b: {  	[sflag:s24] =	ssyncset.done $0x0  }
0x7c: {  	[sflag:s24] =	ssyncadd.s32 $0xFFFF9C00  }
0x7d: {  	_ =	swait.ge [sflag:s26], $0xC8  }
0x7e: {  	[sflag:s26] =	ssyncset.done $0x0  }
0x7f: {  	[sflag:s26] =	ssyncadd.s32 $0xFFFFFF38  }
0x80: {  	_ =	swait.ge [sflag:s26], $0xC8  }
0x81: {  	[sflag:s26] =	ssyncset.done $0x0  }
0x82: {  	[sflag:s26] =	ssyncadd.s32 $0xFFFFFF38  }
0x83: {  	[tilespmem:s28], [sflag:$0x2] =	stream.linear.gather [hbm4b:s18+s3], $0xC8, $0x38;
	[tilespmem:$0x1A800] =	vst v63  }
0x84: {  	_ = 	snop  }
0x85: {  	[tilespmem:s29], [sflag:$0x2] =	stream.linear.gather [hbm4b:s19+s3], $0xC8, $0x38;
	[tilespmem:$0x1A800] =	vst v63  }
0x86: {  	_ = 	snop  }
0x87: {  	[tilespmem:s23], [sflag:$0x3] =	stream.indirect.gather [hbm4b:s4+s30], $0x80, s3, s30, $0xb8;
	[tilespmem:$0x1A800] =	vst v63  }
0x88: {  	_ =	swait.ge [sflag:s24], $0x6400  }
0x89: {  	[sflag:s24] =	ssyncset.done $0x0  }
0x8a: {  	[sflag:s24] =	ssyncadd.s32 $0xFFFF9C00  }
0x8b: {  	[spmem:s2] =	stream.indirect.scatter.add.f32 [tilespmem:s23], [sflag:$0x3], $0x80, s25, s30, $0xb8;
	[tilespmem:$0x1A800] =	vst v63  }
0x8c: {  	_ =	swait.ge [sflag:s24], $0x6400  }
0x8d: {  	[sflag:s24] =	ssyncset.done $0x0  }
0x8e: {  	[sflag:s24] =	ssyncadd.s32 $0xFFFF9C00  }
0x8f: {  	_ =	swait.ge [sflag:s31], $0xC8  }
0x90: {  	[sflag:s31] =	ssyncset.done $0x0  }
0x91: {  	[sflag:s31] =	ssyncadd.s32 $0xFFFFFF38  }
0x92: {  	_ =	swait.ge [sflag:s31], $0xC8  }
0x93: {  	[sflag:s31] =	ssyncset.done $0x0  }
0x94: {  	[sflag:s31] =	ssyncadd.s32 $0xFFFFFF38  }
0x95: {  	[tilespmem:s3], [sflag:$0x1] =	stream.linear.gather [hbm4b:s11+s3], $0xC8, $0x38;
	[tilespmem:$0x1A800] =	vst v63  }
0x96: {  	_ = 	snop  }
0x97: {  	[tilespmem:s25], [sflag:$0x1] =	stream.linear.gather [hbm4b:s12+s3], $0xC8, $0x38;
	[tilespmem:$0x1A800] =	vst v63  }
0x98: {  	_ = 	snop  }
0x99: {  	[tilespmem:s23], [sflag:$0x3] =	stream.indirect.gather [hbm4b:s4+s30], $0x80, s28, s30, $0xb8;
	[tilespmem:$0x1A800] =	vst v63  }
0x9a: {  	_ =	swait.ge [sflag:s24], $0x6400  }
0x9b: {  	[sflag:s24] =	ssyncset.done $0x0  }
0x9c: {  	[sflag:s24] =	ssyncadd.s32 $0xFFFF9C00  }
0x9d: {  	[spmem:s2] =	stream.indirect.scatter.add.f32 [tilespmem:s23], [sflag:$0x3], $0x80, s29, s30, $0xb8;
	[tilespmem:$0x1A800] =	vst v63  }
0x9e: {  	_ =	swait.ge [sflag:s24], $0x6400  }
0x9f: {  	[sflag:s24] =	ssyncset.done $0x0  }
0xa0: {  	[sflag:s24] =	ssyncadd.s32 $0xFFFF9C00  }
0xa1: {  	_ =	swait.ge [sflag:s26], $0xC8  }
0xa2: {  	[sflag:s26] =	ssyncset.done $0x0  }
0xa3: {  	[sflag:s26] =	ssyncadd.s32 $0xFFFFFF38  }
0xa4: {  	_ =	swait.ge [sflag:s26], $0xC8  }
0xa5: {  	[sflag:s26] =	ssyncset.done $0x0  }
0xa6: {  	[sflag:s26] =	ssyncadd.s32 $0xFFFFFF38  }
0xa7: {  	[bflag:$0x0] =	sbarrier.arrive $0xFFFF  }
0xa8: {  	[tilespmem:s23], [sflag:$0x3] =	stream.linear.gather [spmem:s7], $0x6400, $0x38;
	[tilespmem:$0x1A800] =	vst v63  }
0xa9: {  	_ =	swait.ge [sflag:s24], $0x6400  }
0xaa: {  	[sflag:s24] =	ssyncset.done $0x0  }
0xab: {  	s0 =	rddreg [dreg:$0x3];
	[sflag:s24] =	ssyncadd.s32 $0xFFFF9C00  }
0xac: {  	[hbm4b:s0+s3] =	stream.linear.scatter [tilespmem:s23], [sflag:$0x3], $0x6400, $0x38;
	[tilespmem:$0x1A800] =	vst v63  }
0xad: {  	_ =	swait.ge [sflag:s24], $0x6400  }
0xae: {  	[sflag:s24] =	ssyncset.done $0x0  }
0xaf: {  	[sflag:s24] =	ssyncadd.s32 $0xFFFF9C00  }
0xb0: {  	[tilespmem:s23], [sflag:$0x3] =	stream.linear.gather [spmem:s8], $0x6400, $0x38;
	[tilespmem:$0x1A800] =	vst v63  }
0xb1: {  	_ =	swait.ge [sflag:s24], $0x6400  }
0xb2: {  	[sflag:s24] =	ssyncset.done $0x0  }
0xb3: {  	s15 =	rddreg [dreg:$0x4];
	[sflag:s24] =	ssyncadd.s32 $0xFFFF9C00  }
0xb4: {  	[hbm4b:s15+s3] =	stream.linear.scatter [tilespmem:s23], [sflag:$0x3], $0x6400, $0x38;
	[tilespmem:$0x1A800] =	vst v63  }
0xb5: {  	_ =	swait.ge [sflag:s24], $0x6400  }
0xb6: {  	[sflag:s24] =	ssyncset.done $0x0  }
0xb7: {  	[sflag:s24] =	ssyncadd.s32 $0xFFFF9C00  }
0xb8: {  	[tilespmem:s23], [sflag:$0x3] =	stream.linear.gather [spmem:s9], $0x6400, $0x38;
	[tilespmem:$0x1A800] =	vst v63  }
0xb9: {  	_ =	swait.ge [sflag:s24], $0x6400  }
0xba: {  	[sflag:s24] =	ssyncset.done $0x0  }
0xbb: {  	s20 =	rddreg [dreg:$0x5];
	[sflag:s24] =	ssyncadd.s32 $0xFFFF9C00  }
0xbc: {  	[hbm4b:s20+s3] =	stream.linear.scatter [tilespmem:s23], [sflag:$0x3], $0x6400, $0x38;
	[tilespmem:$0x1A800] =	vst v63  }
0xbd: {  	_ =	swait.ge [sflag:s24], $0x6400  }
0xbe: {  	[sflag:s24] =	ssyncset.done $0x0  }
0xbf: {  	[sflag:s24] =	ssyncadd.s32 $0xFFFF9C00  }
0xc0: {  	[tilespmem:s23], [sflag:$0x3] =	stream.linear.gather [spmem:s10], $0x1400, $0x38;
	[tilespmem:$0x1A800] =	vst v63  }
0xc1: {  	s1 =	sadd.s32 $0x1, s1;
	_ =	swait.ge [sflag:s24], $0x1400  }
0xc2: {  	p0 =	sne.s32 s1, s17;
	[sflag:s24] =	ssyncset.done $0x0  }
.Ltmp2:
0xc3: {  	[sflag:s24] =	ssyncadd.s32 $0xFFFFEC00;
	(pc) =	sbr.rel @p0 .LBB2_1-.Ltmp2, $4  }
0xc4: {  	[hbm4b:s16+s3] =	stream.linear.scatter [tilespmem:s23], [sflag:$0x3], $0x1400, $0x38;
	[tilespmem:$0x1A800] =	vst v63  }
0xc5: {  	_ =	swait.ge [sflag:s24], $0x1400  }
0xc6: {  	[sflag:s24] =	ssyncset.done $0x0  }
0xc7: {  	[sflag:s24] =	ssyncadd.s32 $0xFFFFEC00  }
0xc8: {  	_ =	sfence.sel $0x180000  }
0xc9: {  	[bflag:$0x0] =	sbarrier.arrive $0xFFFF  }
0xca: {  	_ =	strace $0x90000047  }
0xcb: {  	s0 =	stileid.u32;
	[bflag:$0x2] =	sbarrier.arrive $0xFFFF  }
0xcc: {  	p0 =	sne.s32 s0, $0x0;
	s0 =	rddreg [dreg:$0x2]  }
0xcd: {  	s0 =	sadd.s32 @!p0 $0x100000, s0  }
0xce: {  	[sflag:s0] =	ssyncadd.tile.s32 @!p0 $0x1;
	_ =	shalt  }
.Lfunc_end2:
_tile_overlayer_lowered:
.L_overlay_start_2:
0xcf: {  	(tag) =	ssettag $0x2  }
0xd0: {  	s0 =	rddreg [dreg:$0x0];
	s2 =	stileid.u32  }
0xd1: {  	s1 =	rddreg [dreg:$0x1];
	p0 =	sne.s32 s2, $0x0  }
0xd2: {  	s3 =	rddreg [dreg:$0x2];
	[bflag:$0x3] =	sbarrier.arrive $0xFFFF;
	s2 =	simm.s32 @!p0 $0x1C03  }
0xd3: {  	[timem:s3], [sflag:s2] =	dma.local @!p0 [hbm:s0], s1  }
0xd4: {  	s0 =	simm.s32 @!p0 $0x3  }
0xd5: {  	_ =	swait.ge @!p0 [sflag:s0], s1  }
0xd6: {  	s1 =	ssub.s32 @!p0 $0x0, s1;
	[sflag:s0] =	ssyncset.done @!p0 $0x0  }
0xd7: {  	[sflag:s0] =	ssyncadd.s32 @!p0 s1  }
0xd8: {  	[bflag:$0x3] =	sbarrier.arrive $0xFFFF  }
0xd9: {  	_ =	shalt  }

</sc_bundles>
